<compile_context>
chip_gen: v7x
topology: tpu7x:2x2x1
jax: 0.10.2.dev20260603
libtpu: 0.0.44.dev20260713+nightly
codegen_flags: <defaults>
</compile_context>

<pallas_src>
import jax
import jax.numpy as jnp
from jax import lax
from jax.experimental import pallas as pl
from jax.experimental.pallas import tpu as pltpu
from jax.experimental.pallas import tpu_sc as plsc

POOL = 1000
TOPK = 4
PROMPT_LEN = 8
HIDDEN = 1024
QDIM = 2 * HIDDEN
BATCH = 1024

QBLK = 256

NIDX = BATCH * TOPK * PROMPT_LEN
NWORKERS = 32
CHUNK = 8
NBUF = 8


def _topk_body(q_ref, k_ref, sim_ref, idx_ref, loss_ref):
    step = pl.program_id(0)
    q = q_ref[...]
    km = k_ref[...]
    qn = jnp.sqrt(jnp.sum(q * q, axis=1, keepdims=True))
    kn_col = jnp.sqrt(jnp.sum(km * km, axis=1, keepdims=True))
    kn = jnp.sqrt(jnp.sum(km * km, axis=1))[None, :]

    dots = jax.lax.dot_general(
        q, km, dimension_numbers=(((1,), (1,)), ((), ())),
        preferred_element_type=jnp.float32)
    sim = dots / jnp.maximum(qn * kn, 1e-8)

    qnorm = q / jnp.maximum(qn, 1e-12)
    knorm = km / jnp.maximum(kn_col, 1e-12)
    sim2 = jax.lax.dot_general(
        qnorm, knorm, dimension_numbers=(((1,), (1,)), ((), ())),
        preferred_element_type=jnp.float32)
    part = jnp.full((1, 1), -jnp.sum(sim2) / (BATCH * POOL), jnp.float32)

    @pl.when(step == 0)
    def _():
        loss_ref[...] = jnp.zeros((1, 1), jnp.float32)
    loss_ref[...] += part

    col = jax.lax.broadcasted_iota(jnp.int32, (QBLK, POOL), 1)
    iota8 = jax.lax.broadcasted_iota(jnp.int32, (QBLK, PROMPT_LEN), 1)
    m = sim
    for k in range(TOPK):
        mx = jnp.max(m, axis=1, keepdims=True)
        amax = jnp.min(jnp.where(m == mx, col, 2**30), axis=1, keepdims=True)
        sim_ref[:, pl.ds(k, 1)] = mx
        idx_ref[:, pl.ds(k * PROMPT_LEN, PROMPT_LEN)] = amax * PROMPT_LEN + iota8
        m = jnp.where(col == amax, -3.0, m)


def _topk_call(querys, pk, rows, row_off):
    off = row_off // QBLK
    return pl.pallas_call(
        _topk_body,
        grid=(rows // QBLK,),
        in_specs=[
            pl.BlockSpec((QBLK, QDIM), lambda i: (i + off, 0)),
            pl.BlockSpec((POOL, QDIM), lambda i: (0, 0)),
        ],
        out_specs=[
            pl.BlockSpec((QBLK, TOPK), lambda i: (i, 0)),
            pl.BlockSpec((QBLK, TOPK * PROMPT_LEN), lambda i: (i, 0)),
            pl.BlockSpec((1, 1), lambda i: (0, 0)),
        ],
        out_shape=[
            jax.ShapeDtypeStruct((rows, TOPK), jnp.float32),
            jax.ShapeDtypeStruct((rows, TOPK * PROMPT_LEN), jnp.int32),
            jax.ShapeDtypeStruct((1, 1), jnp.float32),
        ],
    )(querys, pk)


def _gather_loop(flat_hbm, idx_hbm, out_hbm, idx_v, bufs_sems, n, row_off):
    per_w = n // NWORKERS
    nchunk = per_w // CHUNK
    bufs = bufs_sems[:NBUF]
    gsems = bufs_sems[NBUF:2 * NBUF]
    osems = bufs_sems[2 * NBUF:]
    wid = lax.axis_index("s") * 2 + lax.axis_index("c")
    base = wid * per_w
    obase = row_off + base
    pltpu.sync_copy(idx_hbm.at[pl.ds(base, per_w)], idx_v)

    def start_gather(c, p):
        pltpu.make_async_copy(
            flat_hbm.at[idx_v.at[pl.ds(c * CHUNK, CHUNK)]],
            bufs[p], gsems[p]).start()

    def wait_gather(p):
        pltpu.make_async_copy(
            flat_hbm.at[idx_v.at[pl.ds(0, CHUNK)]],
            bufs[p], gsems[p]).wait()

    def start_wb(c, p):
        pltpu.make_async_copy(
            bufs[p], out_hbm.at[pl.ds(obase + c * CHUNK, CHUNK)],
            osems[p]).start()

    def wait_wb(p):
        pltpu.make_async_copy(
            bufs[p], out_hbm.at[pl.ds(obase, CHUNK)], osems[p]).wait()

    for p in range(NBUF):
        start_gather(p, p)

    @pl.loop(0, nchunk, step=NBUF)
    def _(c):
        for p in range(NBUF):
            ch = c + p
            wait_gather(p)
            start_wb(ch, p)
            nxt = ch + NBUF

            @pl.when(nxt < nchunk)
            def _():
                wait_wb(p)
                start_gather(nxt, p)

    for p in range(NBUF):
        wait_wb(p)


def _sc_scratch(per_w):
    return ([pltpu.VMEM((per_w,), jnp.int32)]
            + [pltpu.VMEM((CHUNK, HIDDEN), jnp.float32)] * NBUF
            + [pltpu.SemaphoreType.DMA] * NBUF
            + [pltpu.SemaphoreType.DMA] * NBUF)


def _sc_gather_alloc(flat, idx, out_rows):
    n = idx.shape[0]
    mesh = plsc.VectorSubcoreMesh(core_axis_name="c", subcore_axis_name="s")

    @pl.kernel(
        out_type=jax.ShapeDtypeStruct((out_rows, HIDDEN), jnp.float32),
        mesh=mesh,
        scratch_types=_sc_scratch(n // NWORKERS),
    )
    def gk(flat_hbm, idx_hbm, out_hbm, idx_v, *bufs_sems):
        _gather_loop(flat_hbm, idx_hbm, out_hbm, idx_v, bufs_sems, n, 0)

    return gk(flat, idx)


def _sc_gather_into(flat, idx, out_ref, row_off):
    n = idx.shape[0]
    mesh = plsc.VectorSubcoreMesh(core_axis_name="c", subcore_axis_name="s")

    @pl.kernel(
        out_type=(),
        mesh=mesh,
        scratch_types=_sc_scratch(n // NWORKERS),
    )
    def gk(flat_hbm, idx_hbm, out_hbm, idx_v, *bufs_sems):
        _gather_loop(flat_hbm, idx_hbm, out_hbm, idx_v, bufs_sems, n, row_off)

    gk(flat, idx, out_ref)


def kernel(querys, prompts_key, prompts):
    flat = prompts.reshape(POOL * PROMPT_LEN, HIDDEN)
    nsplit = 2
    rows = BATCH // nsplit
    nq = NIDX // nsplit
    sims, losses = [], []
    out_ref = None
    for s in range(nsplit):
        sim_s, idx_s, loss_s = _topk_call(querys, prompts_key, rows, s * rows)
        sims.append(sim_s)
        losses.append(loss_s)
        if s == 0:
            g0 = _sc_gather_alloc(flat, idx_s.reshape(nq), out_rows=NIDX)
            out_ref = jax.new_ref(g0)
        else:
            _sc_gather_into(flat, idx_s.reshape(nq), out_ref, row_off=s * nq)
    selected = out_ref[...].reshape(BATCH, TOPK, PROMPT_LEN, HIDDEN)
    sim_topk = jnp.concatenate(sims, axis=0)
    loss = sum(losses).reshape(())
    return selected, sim_topk, loss

# --- scband reference (transcript-rebuilt; emitter-appended) ---
"""Pipeline reference for scband-prompt-pool-83099027243778 (READ-ONLY COPY).

The authoritative reference and input builder live on the scoring server;
editing this copy changes nothing except your own understanding.
"""

import jax, jax.numpy as jnp
import numpy as np

POOL_SIZE = 1000
TOPK = 4
PROMPT_LEN = 8
HIDDEN = 1024
QDIM = 2 * HIDDEN
BATCH = 1024


def _l2_normalize(x, eps=1e-12):
    # matches torch F.normalize(dim=-1): x / max(||x||_2, eps)
    n = jnp.linalg.norm(x, axis=-1, keepdims=True)
    return x / jnp.maximum(n, eps)


def setup_inputs(seed: int = 0) -> dict:
    key = jax.random.key(seed)
    k1, k2, k3 = jax.random.split(key, 3)
    querys = jax.random.normal(k1, (BATCH, QDIM), dtype=jnp.float32)
    # learned parameters (prompts_key init'd zeros in torch, but use randn so topk is non-degenerate)
    prompts_key = jax.random.normal(k2, (POOL_SIZE, QDIM), dtype=jnp.float32)
    prompts = jax.random.uniform(k3, (POOL_SIZE, PROMPT_LEN, HIDDEN), dtype=jnp.float32)
    return {"querys": querys, "prompts_key": prompts_key, "prompts": prompts}


def reference(querys, prompts_key, prompts):
    query_norm = _l2_normalize(querys)
    prompts_key_norm = _l2_normalize(prompts_key)

    # F.cosine_similarity(querys[:,None,:], prompts_key[None,:,:], dim=-1)
    # = dot / max(||q|| * ||k||, eps=1e-8)
    qn = jnp.linalg.norm(querys, axis=-1)          # [B]
    kn = jnp.linalg.norm(prompts_key, axis=-1)     # [P]
    dots = querys @ prompts_key.T                  # [B, P]
    similarity = dots / jnp.maximum(qn[:, None] * kn[None, :], 1e-8)

    sim_topk, indices = jax.lax.top_k(similarity, TOPK)  # [B, K]

    # loss = -sum(query_norm[:,None,:] * keys_norm[None,:,:], -1).mean()
    #      = -(query_norm @ keys_norm.T).mean()
    loss = -jnp.mean(query_norm @ prompts_key_norm.T)

    selected_prompts = jnp.take(prompts, indices, axis=0)  # [B, K, L, H]
    return (selected_prompts, sim_topk, loss)

if __name__ == "__main__":
    import jax
    _d = setup_inputs()
    print(jax.jit(kernel)(*tuple(_d.values())))

</pallas_src>

<mosaic_0001>
#map = affine_map<(d0, d1) -> (0, 0)>
#map1 = affine_map<(d0, d1) -> (0)>
module attributes {stable_mosaic.version = 14 : i64} {
  func.func @new_body(%arg0: i32, %arg1: i32, %arg2: memref<8000x1024xf32, #tpu.memory_space<hbm>>, %arg3: memref<16384xi32, #tpu.memory_space<hbm>>, %arg4: memref<32768x1024xf32, #tpu.memory_space<hbm>>, %arg5: memref<32768x1024xf32, #tpu.memory_space<hbm>>, %arg6: memref<512xi32, #tpu.memory_space<vmem>>, %arg7: memref<8x1024xf32, #tpu.memory_space<vmem>>, %arg8: memref<8x1024xf32, #tpu.memory_space<vmem>>, %arg9: memref<8x1024xf32, #tpu.memory_space<vmem>>, %arg10: memref<8x1024xf32, #tpu.memory_space<vmem>>, %arg11: memref<8x1024xf32, #tpu.memory_space<vmem>>, %arg12: memref<8x1024xf32, #tpu.memory_space<vmem>>, %arg13: memref<8x1024xf32, #tpu.memory_space<vmem>>, %arg14: memref<8x1024xf32, #tpu.memory_space<vmem>>, %arg15: memref<!tpu.dma_semaphore, #tpu.memory_space<semaphore_mem>>, %arg16: memref<!tpu.dma_semaphore, #tpu.memory_space<semaphore_mem>>, %arg17: memref<!tpu.dma_semaphore, #tpu.memory_space<semaphore_mem>>, %arg18: memref<!tpu.dma_semaphore, #tpu.memory_space<semaphore_mem>>, %arg19: memref<!tpu.dma_semaphore, #tpu.memory_space<semaphore_mem>>, %arg20: memref<!tpu.dma_semaphore, #tpu.memory_space<semaphore_mem>>, %arg21: memref<!tpu.dma_semaphore, #tpu.memory_space<semaphore_mem>>, %arg22: memref<!tpu.dma_semaphore, #tpu.memory_space<semaphore_mem>>, %arg23: memref<!tpu.dma_semaphore, #tpu.memory_space<semaphore_mem>>, %arg24: memref<!tpu.dma_semaphore, #tpu.memory_space<semaphore_mem>>, %arg25: memref<!tpu.dma_semaphore, #tpu.memory_space<semaphore_mem>>, %arg26: memref<!tpu.dma_semaphore, #tpu.memory_space<semaphore_mem>>, %arg27: memref<!tpu.dma_semaphore, #tpu.memory_space<semaphore_mem>>, %arg28: memref<!tpu.dma_semaphore, #tpu.memory_space<semaphore_mem>>, %arg29: memref<!tpu.dma_semaphore, #tpu.memory_space<semaphore_mem>>, %arg30: memref<!tpu.dma_semaphore, #tpu.memory_space<semaphore_mem>>) attributes {dimension_semantics = [#tpu.dimension_semantics<core_parallel>, #tpu.dimension_semantics<subcore_parallel>], iteration_bounds = array<i64: 2, 16>, scalar_prefetch = 0 : i64, scratch_operands = 25 : i64, tpu.core_type = #tpu.core_type<sc_vector_subcore>, window_params = [{transform_indices = #map}, {transform_indices = #map1}, {transform_indices = #map}, {transform_indices = #map}]} {
    %mul3A = arith.constant 2 : i32
    %mul3A_0 = arith.muli %arg1, %mul3A : i32
    %add3A = arith.addi %mul3A_0, %arg0 : i32
    %mul3A_1 = arith.constant 512 : i32
    %mul3A_2 = arith.muli %add3A, %mul3A_1 : i32
    %add3A_3 = arith.constant 16384 : i32
    %add3A_4 = arith.addi %add3A_3, %mul3A_2 : i32
    "tpu.region"() ({
      %run_scoped3A = tpu.sem_alloc : memref<!tpu.dma_semaphore, #tpu.memory_space<semaphore_mem>>
      %dma_start3A_79 = tpu.memref_slice %arg3[%mul3A_2] : memref<16384xi32, #tpu.memory_space<hbm>> -> memref<512xi32, #tpu.memory_space<hbm>>
      %dma_start3A_80 = tpu.memref_slice %arg3[%mul3A_2] : memref<16384xi32, #tpu.memory_space<hbm>> -> memref<512xi32, #tpu.memory_space<hbm>>
      tpu.enqueue_dma source(%dma_start3A_80 : memref<512xi32, #tpu.memory_space<hbm>>) target(%arg6 : memref<512xi32, #tpu.memory_space<vmem>>) target_semaphore(%run_scoped3A : memref<!tpu.dma_semaphore, #tpu.memory_space<semaphore_mem>>)
      %dma_wait3A_81 = tpu.memref_slice %arg3[%mul3A_2] : memref<16384xi32, #tpu.memory_space<hbm>> -> memref<512xi32, #tpu.memory_space<hbm>>
      %dma_wait3A_82 = tpu.memref_slice %arg3[%mul3A_2] : memref<16384xi32, #tpu.memory_space<hbm>> -> memref<512xi32, #tpu.memory_space<hbm>>
      tpu.wait_dma2 semaphore(%run_scoped3A : memref<!tpu.dma_semaphore, #tpu.memory_space<semaphore_mem>>) src(%dma_wait3A_82 : memref<512xi32, #tpu.memory_space<hbm>>) dst(%arg6 : memref<512xi32, #tpu.memory_space<vmem>>)
      tpu.yield
    }) : () -> ()
    %dma_start3A = arith.constant 0 : i32
    %dma_start3A_5 = tpu.memref_slice %arg6[%dma_start3A] : memref<512xi32, #tpu.memory_space<vmem>> -> memref<8xi32, #tpu.memory_space<vmem>>
    %dma_start3A_6 = arith.constant 0 : i32
    %dma_start3A_7 = arith.constant 0 : i32
    %dma_start3A_8 = tpu.memref_slice %arg2[%dma_start3A_6, %dma_start3A_7] : memref<8000x1024xf32, #tpu.memory_space<hbm>> -> memref<8000x1024xf32, #tpu.memory_space<hbm>>
    tpu.enqueue_indirect_dma source(%dma_start3A_8 : memref<8000x1024xf32, #tpu.memory_space<hbm>>) target(%arg7 : memref<8x1024xf32, #tpu.memory_space<vmem>>) offsets(%dma_start3A_5 : memref<8xi32, #tpu.memory_space<vmem>>) semaphore(%arg15 : memref<!tpu.dma_semaphore, #tpu.memory_space<semaphore_mem>>)
    %dma_start3A_9 = arith.constant 8 : i32
    %dma_start3A_10 = tpu.memref_slice %arg6[%dma_start3A_9] : memref<512xi32, #tpu.memory_space<vmem>> -> memref<8xi32, #tpu.memory_space<vmem>>
    %dma_start3A_11 = arith.constant 0 : i32
    %dma_start3A_12 = arith.constant 0 : i32
    %dma_start3A_13 = tpu.memref_slice %arg2[%dma_start3A_11, %dma_start3A_12] : memref<8000x1024xf32, #tpu.memory_space<hbm>> -> memref<8000x1024xf32, #tpu.memory_space<hbm>>
    tpu.enqueue_indirect_dma source(%dma_start3A_13 : memref<8000x1024xf32, #tpu.memory_space<hbm>>) target(%arg8 : memref<8x1024xf32, #tpu.memory_space<vmem>>) offsets(%dma_start3A_10 : memref<8xi32, #tpu.memory_space<vmem>>) semaphore(%arg16 : memref<!tpu.dma_semaphore, #tpu.memory_space<semaphore_mem>>)
    %dma_start3A_14 = arith.constant 16 : i32
    %dma_start3A_15 = tpu.memref_slice %arg6[%dma_start3A_14] : memref<512xi32, #tpu.memory_space<vmem>> -> memref<8xi32, #tpu.memory_space<vmem>>
    %dma_start3A_16 = arith.constant 0 : i32
    %dma_start3A_17 = arith.constant 0 : i32
    %dma_start3A_18 = tpu.memref_slice %arg2[%dma_start3A_16, %dma_start3A_17] : memref<8000x1024xf32, #tpu.memory_space<hbm>> -> memref<8000x1024xf32, #tpu.memory_space<hbm>>
    tpu.enqueue_indirect_dma source(%dma_start3A_18 : memref<8000x1024xf32, #tpu.memory_space<hbm>>) target(%arg9 : memref<8x1024xf32, #tpu.memory_space<vmem>>) offsets(%dma_start3A_15 : memref<8xi32, #tpu.memory_space<vmem>>) semaphore(%arg17 : memref<!tpu.dma_semaphore, #tpu.memory_space<semaphore_mem>>)
    %dma_start3A_19 = arith.constant 24 : i32
    %dma_start3A_20 = tpu.memref_slice %arg6[%dma_start3A_19] : memref<512xi32, #tpu.memory_space<vmem>> -> memref<8xi32, #tpu.memory_space<vmem>>
    %dma_start3A_21 = arith.constant 0 : i32
    %dma_start3A_22 = arith.constant 0 : i32
    %dma_start3A_23 = tpu.memref_slice %arg2[%dma_start3A_21, %dma_start3A_22] : memref<8000x1024xf32, #tpu.memory_space<hbm>> -> memref<8000x1024xf32, #tpu.memory_space<hbm>>
    tpu.enqueue_indirect_dma source(%dma_start3A_23 : memref<8000x1024xf32, #tpu.memory_space<hbm>>) target(%arg10 : memref<8x1024xf32, #tpu.memory_space<vmem>>) offsets(%dma_start3A_20 : memref<8xi32, #tpu.memory_space<vmem>>) semaphore(%arg18 : memref<!tpu.dma_semaphore, #tpu.memory_space<semaphore_mem>>)
    %dma_start3A_24 = arith.constant 32 : i32
    %dma_start3A_25 = tpu.memref_slice %arg6[%dma_start3A_24] : memref<512xi32, #tpu.memory_space<vmem>> -> memref<8xi32, #tpu.memory_space<vmem>>
    %dma_start3A_26 = arith.constant 0 : i32
    %dma_start3A_27 = arith.constant 0 : i32
    %dma_start3A_28 = tpu.memref_slice %arg2[%dma_start3A_26, %dma_start3A_27] : memref<8000x1024xf32, #tpu.memory_space<hbm>> -> memref<8000x1024xf32, #tpu.memory_space<hbm>>
    tpu.enqueue_indirect_dma source(%dma_start3A_28 : memref<8000x1024xf32, #tpu.memory_space<hbm>>) target(%arg11 : memref<8x1024xf32, #tpu.memory_space<vmem>>) offsets(%dma_start3A_25 : memref<8xi32, #tpu.memory_space<vmem>>) semaphore(%arg19 : memref<!tpu.dma_semaphore, #tpu.memory_space<semaphore_mem>>)
    %dma_start3A_29 = arith.constant 40 : i32
    %dma_start3A_30 = tpu.memref_slice %arg6[%dma_start3A_29] : memref<512xi32, #tpu.memory_space<vmem>> -> memref<8xi32, #tpu.memory_space<vmem>>
    %dma_start3A_31 = arith.constant 0 : i32
    %dma_start3A_32 = arith.constant 0 : i32
    %dma_start3A_33 = tpu.memref_slice %arg2[%dma_start3A_31, %dma_start3A_32] : memref<8000x1024xf32, #tpu.memory_space<hbm>> -> memref<8000x1024xf32, #tpu.memory_space<hbm>>
    tpu.enqueue_indirect_dma source(%dma_start3A_33 : memref<8000x1024xf32, #tpu.memory_space<hbm>>) target(%arg12 : memref<8x1024xf32, #tpu.memory_space<vmem>>) offsets(%dma_start3A_30 : memref<8xi32, #tpu.memory_space<vmem>>) semaphore(%arg20 : memref<!tpu.dma_semaphore, #tpu.memory_space<semaphore_mem>>)
    %dma_start3A_34 = arith.constant 48 : i32
    %dma_start3A_35 = tpu.memref_slice %arg6[%dma_start3A_34] : memref<512xi32, #tpu.memory_space<vmem>> -> memref<8xi32, #tpu.memory_space<vmem>>
    %dma_start3A_36 = arith.constant 0 : i32
    %dma_start3A_37 = arith.constant 0 : i32
    %dma_start3A_38 = tpu.memref_slice %arg2[%dma_start3A_36, %dma_start3A_37] : memref<8000x1024xf32, #tpu.memory_space<hbm>> -> memref<8000x1024xf32, #tpu.memory_space<hbm>>
    tpu.enqueue_indirect_dma source(%dma_start3A_38 : memref<8000x1024xf32, #tpu.memory_space<hbm>>) target(%arg13 : memref<8x1024xf32, #tpu.memory_space<vmem>>) offsets(%dma_start3A_35 : memref<8xi32, #tpu.memory_space<vmem>>) semaphore(%arg21 : memref<!tpu.dma_semaphore, #tpu.memory_space<semaphore_mem>>)
    %dma_start3A_39 = arith.constant 56 : i32
    %dma_start3A_40 = tpu.memref_slice %arg6[%dma_start3A_39] : memref<512xi32, #tpu.memory_space<vmem>> -> memref<8xi32, #tpu.memory_space<vmem>>
    %dma_start3A_41 = arith.constant 0 : i32
    %dma_start3A_42 = arith.constant 0 : i32
    %dma_start3A_43 = tpu.memref_slice %arg2[%dma_start3A_41, %dma_start3A_42] : memref<8000x1024xf32, #tpu.memory_space<hbm>> -> memref<8000x1024xf32, #tpu.memory_space<hbm>>
    tpu.enqueue_indirect_dma source(%dma_start3A_43 : memref<8000x1024xf32, #tpu.memory_space<hbm>>) target(%arg14 : memref<8x1024xf32, #tpu.memory_space<vmem>>) offsets(%dma_start3A_40 : memref<8xi32, #tpu.memory_space<vmem>>) semaphore(%arg22 : memref<!tpu.dma_semaphore, #tpu.memory_space<semaphore_mem>>)
    %scan3A = arith.constant 0 : i32
    %scan3A_44 = arith.constant 8 : i32
    %scan3A_45 = arith.addi %scan3A, %scan3A_44 : i32
    %scan3A_46 = arith.constant 1 : i32
    scf.for %scan3A_79 = %scan3A to %scan3A_45 step %scan3A_46  : i32 {
      %mul3A_80 = arith.constant 8 : i32
      %mul3A_81 = arith.muli %scan3A_79, %mul3A_80 : i32
      %add3A_82 = arith.constant 0 : i32
      %add3A_83 = arith.addi %add3A_82, %mul3A_81 : i32
      %add3A_84 = arith.constant 0 : i32
      %add3A_85 = arith.addi %add3A_83, %add3A_84 : i32
      %dma_wait3A_86 = arith.constant 0 : i32
      %dma_wait3A_87 = tpu.memref_slice %arg6[%dma_wait3A_86] : memref<512xi32, #tpu.memory_space<vmem>> -> memref<8xi32, #tpu.memory_space<vmem>>
      %dma_wait3A_88 = arith.constant 0 : i32
      %dma_wait3A_89 = arith.constant 0 : i32
      %dma_wait3A_90 = tpu.memref_slice %arg2[%dma_wait3A_88, %dma_wait3A_89] : memref<8000x1024xf32, #tpu.memory_space<hbm>> -> memref<8000x1024xf32, #tpu.memory_space<hbm>>
      tpu.wait_indirect_dma semaphore(%arg15 : memref<!tpu.dma_semaphore, #tpu.memory_space<semaphore_mem>>) src(%dma_wait3A_90 : memref<8000x1024xf32, #tpu.memory_space<hbm>>) dst(%arg7 : memref<8x1024xf32, #tpu.memory_space<vmem>>)
      %mul3A_91 = arith.constant 8 : i32
      %mul3A_92 = arith.muli %add3A_85, %mul3A_91 : i32
      %add3A_93 = arith.addi %add3A_4, %mul3A_92 : i32
      %dma_start3A_94 = arith.constant 0 : i32
      %dma_start3A_95 = tpu.memref_slice %arg4[%add3A_93, %dma_start3A_94] : memref<32768x1024xf32, #tpu.memory_space<hbm>> -> memref<8x1024xf32, #tpu.memory_space<hbm>>
      %dma_start3A_96 = arith.constant 0 : i32
      %dma_start3A_97 = tpu.memref_slice %arg4[%add3A_93, %dma_start3A_96] : memref<32768x1024xf32, #tpu.memory_space<hbm>> -> memref<8x1024xf32, #tpu.memory_space<hbm>>
      tpu.enqueue_dma source(%arg7 : memref<8x1024xf32, #tpu.memory_space<vmem>>) target(%dma_start3A_97 : memref<8x1024xf32, #tpu.memory_space<hbm>>) target_semaphore(%arg23 : memref<!tpu.dma_semaphore, #tpu.memory_space<semaphore_mem>>)
      %add3A_98 = arith.constant 8 : i32
      %add3A_99 = arith.addi %add3A_85, %add3A_98 : i32
      %lt3A = arith.constant 64 : i32
      %lt3A_100 = arith.cmpi slt, %add3A_99, %lt3A : i32
      %convert_element_type3A = arith.extui %lt3A_100 : i1 to i32
      %cond3A = arith.constant 0 : i32
      %cond3A_101 = arith.cmpi ne, %convert_element_type3A, %cond3A : i32
      scf.if %cond3A_101 {
        %dma_wait3A_249 = arith.constant 0 : i32
        %dma_wait3A_250 = tpu.memref_slice %arg4[%add3A_4, %dma_wait3A_249] : memref<32768x1024xf32, #tpu.memory_space<hbm>> -> memref<8x1024xf32, #tpu.memory_space<hbm>>
        %dma_wait3A_251 = arith.constant 0 : i32
        %dma_wait3A_252 = tpu.memref_slice %arg4[%add3A_4, %dma_wait3A_251] : memref<32768x1024xf32, #tpu.memory_space<hbm>> -> memref<8x1024xf32, #tpu.memory_space<hbm>>
        tpu.wait_dma2 semaphore(%arg23 : memref<!tpu.dma_semaphore, #tpu.memory_space<semaphore_mem>>) src(%arg7 : memref<8x1024xf32, #tpu.memory_space<vmem>>) dst(%dma_wait3A_252 : memref<8x1024xf32, #tpu.memory_space<hbm>>)
        %mul3A_253 = arith.constant 8 : i32
        %mul3A_254 = arith.muli %add3A_99, %mul3A_253 : i32
        %dma_start3A_255 = tpu.memref_slice %arg6[%mul3A_254] : memref<512xi32, #tpu.memory_space<vmem>> -> memref<8xi32, #tpu.memory_space<vmem>>
        %dma_start3A_256 = arith.constant 0 : i32
        %dma_start3A_257 = arith.constant 0 : i32
        %dma_start3A_258 = tpu.memref_slice %arg2[%dma_start3A_256, %dma_start3A_257] : memref<8000x1024xf32, #tpu.memory_space<hbm>> -> memref<8000x1024xf32, #tpu.memory_space<hbm>>
        tpu.enqueue_indirect_dma source(%dma_start3A_258 : memref<8000x1024xf32, #tpu.memory_space<hbm>>) target(%arg7 : memref<8x1024xf32, #tpu.memory_space<vmem>>) offsets(%dma_start3A_255 : memref<8xi32, #tpu.memory_space<vmem>>) semaphore(%arg15 : memref<!tpu.dma_semaphore, #tpu.memory_space<semaphore_mem>>)
      } else {
      }
      %add3A_102 = arith.constant 1 : i32
      %add3A_103 = arith.addi %add3A_83, %add3A_102 : i32
      %dma_wait3A_104 = arith.constant 0 : i32
      %dma_wait3A_105 = tpu.memref_slice %arg6[%dma_wait3A_104] : memref<512xi32, #tpu.memory_space<vmem>> -> memref<8xi32, #tpu.memory_space<vmem>>
      %dma_wait3A_106 = arith.constant 0 : i32
      %dma_wait3A_107 = arith.constant 0 : i32
      %dma_wait3A_108 = tpu.memref_slice %arg2[%dma_wait3A_106, %dma_wait3A_107] : memref<8000x1024xf32, #tpu.memory_space<hbm>> -> memref<8000x1024xf32, #tpu.memory_space<hbm>>
      tpu.wait_indirect_dma semaphore(%arg16 : memref<!tpu.dma_semaphore, #tpu.memory_space<semaphore_mem>>) src(%dma_wait3A_108 : memref<8000x1024xf32, #tpu.memory_space<hbm>>) dst(%arg8 : memref<8x1024xf32, #tpu.memory_space<vmem>>)
      %mul3A_109 = arith.constant 8 : i32
      %mul3A_110 = arith.muli %add3A_103, %mul3A_109 : i32
      %add3A_111 = arith.addi %add3A_4, %mul3A_110 : i32
      %dma_start3A_112 = arith.constant 0 : i32
      %dma_start3A_113 = tpu.memref_slice %arg4[%add3A_111, %dma_start3A_112] : memref<32768x1024xf32, #tpu.memory_space<hbm>> -> memref<8x1024xf32, #tpu.memory_space<hbm>>
      %dma_start3A_114 = arith.constant 0 : i32
      %dma_start3A_115 = tpu.memref_slice %arg4[%add3A_111, %dma_start3A_114] : memref<32768x1024xf32, #tpu.memory_space<hbm>> -> memref<8x1024xf32, #tpu.memory_space<hbm>>
      tpu.enqueue_dma source(%arg8 : memref<8x1024xf32, #tpu.memory_space<vmem>>) target(%dma_start3A_115 : memref<8x1024xf32, #tpu.memory_space<hbm>>) target_semaphore(%arg24 : memref<!tpu.dma_semaphore, #tpu.memory_space<semaphore_mem>>)
      %add3A_116 = arith.constant 8 : i32
      %add3A_117 = arith.addi %add3A_103, %add3A_116 : i32
      %lt3A_118 = arith.constant 64 : i32
      %lt3A_119 = arith.cmpi slt, %add3A_117, %lt3A_118 : i32
      %convert_element_type3A_120 = arith.extui %lt3A_119 : i1 to i32
      %cond3A_121 = arith.constant 0 : i32
      %cond3A_122 = arith.cmpi ne, %convert_element_type3A_120, %cond3A_121 : i32
      scf.if %cond3A_122 {
        %dma_wait3A_249 = arith.constant 0 : i32
        %dma_wait3A_250 = tpu.memref_slice %arg4[%add3A_4, %dma_wait3A_249] : memref<32768x1024xf32, #tpu.memory_space<hbm>> -> memref<8x1024xf32, #tpu.memory_space<hbm>>
        %dma_wait3A_251 = arith.constant 0 : i32
        %dma_wait3A_252 = tpu.memref_slice %arg4[%add3A_4, %dma_wait3A_251] : memref<32768x1024xf32, #tpu.memory_space<hbm>> -> memref<8x1024xf32, #tpu.memory_space<hbm>>
        tpu.wait_dma2 semaphore(%arg24 : memref<!tpu.dma_semaphore, #tpu.memory_space<semaphore_mem>>) src(%arg8 : memref<8x1024xf32, #tpu.memory_space<vmem>>) dst(%dma_wait3A_252 : memref<8x1024xf32, #tpu.memory_space<hbm>>)
        %mul3A_253 = arith.constant 8 : i32
        %mul3A_254 = arith.muli %add3A_117, %mul3A_253 : i32
        %dma_start3A_255 = tpu.memref_slice %arg6[%mul3A_254] : memref<512xi32, #tpu.memory_space<vmem>> -> memref<8xi32, #tpu.memory_space<vmem>>
        %dma_start3A_256 = arith.constant 0 : i32
        %dma_start3A_257 = arith.constant 0 : i32
        %dma_start3A_258 = tpu.memref_slice %arg2[%dma_start3A_256, %dma_start3A_257] : memref<8000x1024xf32, #tpu.memory_space<hbm>> -> memref<8000x1024xf32, #tpu.memory_space<hbm>>
        tpu.enqueue_indirect_dma source(%dma_start3A_258 : memref<8000x1024xf32, #tpu.memory_space<hbm>>) target(%arg8 : memref<8x1024xf32, #tpu.memory_space<vmem>>) offsets(%dma_start3A_255 : memref<8xi32, #tpu.memory_space<vmem>>) semaphore(%arg16 : memref<!tpu.dma_semaphore, #tpu.memory_space<semaphore_mem>>)
      } else {
      }
      %add3A_123 = arith.constant 2 : i32
      %add3A_124 = arith.addi %add3A_83, %add3A_123 : i32
      %dma_wait3A_125 = arith.constant 0 : i32
      %dma_wait3A_126 = tpu.memref_slice %arg6[%dma_wait3A_125] : memref<512xi32, #tpu.memory_space<vmem>> -> memref<8xi32, #tpu.memory_space<vmem>>
      %dma_wait3A_127 = arith.constant 0 : i32
      %dma_wait3A_128 = arith.constant 0 : i32
      %dma_wait3A_129 = tpu.memref_slice %arg2[%dma_wait3A_127, %dma_wait3A_128] : memref<8000x1024xf32, #tpu.memory_space<hbm>> -> memref<8000x1024xf32, #tpu.memory_space<hbm>>
      tpu.wait_indirect_dma semaphore(%arg17 : memref<!tpu.dma_semaphore, #tpu.memory_space<semaphore_mem>>) src(%dma_wait3A_129 : memref<8000x1024xf32, #tpu.memory_space<hbm>>) dst(%arg9 : memref<8x1024xf32, #tpu.memory_space<vmem>>)
      %mul3A_130 = arith.constant 8 : i32
      %mul3A_131 = arith.muli %add3A_124, %mul3A_130 : i32
      %add3A_132 = arith.addi %add3A_4, %mul3A_131 : i32
      %dma_start3A_133 = arith.constant 0 : i32
      %dma_start3A_134 = tpu.memref_slice %arg4[%add3A_132, %dma_start3A_133] : memref<32768x1024xf32, #tpu.memory_space<hbm>> -> memref<8x1024xf32, #tpu.memory_space<hbm>>
      %dma_start3A_135 = arith.constant 0 : i32
      %dma_start3A_136 = tpu.memref_slice %arg4[%add3A_132, %dma_start3A_135] : memref<32768x1024xf32, #tpu.memory_space<hbm>> -> memref<8x1024xf32, #tpu.memory_space<hbm>>
      tpu.enqueue_dma source(%arg9 : memref<8x1024xf32, #tpu.memory_space<vmem>>) target(%dma_start3A_136 : memref<8x1024xf32, #tpu.memory_space<hbm>>) target_semaphore(%arg25 : memref<!tpu.dma_semaphore, #tpu.memory_space<semaphore_mem>>)
      %add3A_137 = arith.constant 8 : i32
      %add3A_138 = arith.addi %add3A_124, %add3A_137 : i32
      %lt3A_139 = arith.constant 64 : i32
      %lt3A_140 = arith.cmpi slt, %add3A_138, %lt3A_139 : i32
      %convert_element_type3A_141 = arith.extui %lt3A_140 : i1 to i32
      %cond3A_142 = arith.constant 0 : i32
      %cond3A_143 = arith.cmpi ne, %convert_element_type3A_141, %cond3A_142 : i32
      scf.if %cond3A_143 {
        %dma_wait3A_249 = arith.constant 0 : i32
        %dma_wait3A_250 = tpu.memref_slice %arg4[%add3A_4, %dma_wait3A_249] : memref<32768x1024xf32, #tpu.memory_space<hbm>> -> memref<8x1024xf32, #tpu.memory_space<hbm>>
        %dma_wait3A_251 = arith.constant 0 : i32
        %dma_wait3A_252 = tpu.memref_slice %arg4[%add3A_4, %dma_wait3A_251] : memref<32768x1024xf32, #tpu.memory_space<hbm>> -> memref<8x1024xf32, #tpu.memory_space<hbm>>
        tpu.wait_dma2 semaphore(%arg25 : memref<!tpu.dma_semaphore, #tpu.memory_space<semaphore_mem>>) src(%arg9 : memref<8x1024xf32, #tpu.memory_space<vmem>>) dst(%dma_wait3A_252 : memref<8x1024xf32, #tpu.memory_space<hbm>>)
        %mul3A_253 = arith.constant 8 : i32
        %mul3A_254 = arith.muli %add3A_138, %mul3A_253 : i32
        %dma_start3A_255 = tpu.memref_slice %arg6[%mul3A_254] : memref<512xi32, #tpu.memory_space<vmem>> -> memref<8xi32, #tpu.memory_space<vmem>>
        %dma_start3A_256 = arith.constant 0 : i32
        %dma_start3A_257 = arith.constant 0 : i32
        %dma_start3A_258 = tpu.memref_slice %arg2[%dma_start3A_256, %dma_start3A_257] : memref<8000x1024xf32, #tpu.memory_space<hbm>> -> memref<8000x1024xf32, #tpu.memory_space<hbm>>
        tpu.enqueue_indirect_dma source(%dma_start3A_258 : memref<8000x1024xf32, #tpu.memory_space<hbm>>) target(%arg9 : memref<8x1024xf32, #tpu.memory_space<vmem>>) offsets(%dma_start3A_255 : memref<8xi32, #tpu.memory_space<vmem>>) semaphore(%arg17 : memref<!tpu.dma_semaphore, #tpu.memory_space<semaphore_mem>>)
      } else {
      }
      %add3A_144 = arith.constant 3 : i32
      %add3A_145 = arith.addi %add3A_83, %add3A_144 : i32
      %dma_wait3A_146 = arith.constant 0 : i32
      %dma_wait3A_147 = tpu.memref_slice %arg6[%dma_wait3A_146] : memref<512xi32, #tpu.memory_space<vmem>> -> memref<8xi32, #tpu.memory_space<vmem>>
      %dma_wait3A_148 = arith.constant 0 : i32
      %dma_wait3A_149 = arith.constant 0 : i32
      %dma_wait3A_150 = tpu.memref_slice %arg2[%dma_wait3A_148, %dma_wait3A_149] : memref<8000x1024xf32, #tpu.memory_space<hbm>> -> memref<8000x1024xf32, #tpu.memory_space<hbm>>
      tpu.wait_indirect_dma semaphore(%arg18 : memref<!tpu.dma_semaphore, #tpu.memory_space<semaphore_mem>>) src(%dma_wait3A_150 : memref<8000x1024xf32, #tpu.memory_space<hbm>>) dst(%arg10 : memref<8x1024xf32, #tpu.memory_space<vmem>>)
      %mul3A_151 = arith.constant 8 : i32
      %mul3A_152 = arith.muli %add3A_145, %mul3A_151 : i32
      %add3A_153 = arith.addi %add3A_4, %mul3A_152 : i32
      %dma_start3A_154 = arith.constant 0 : i32
      %dma_start3A_155 = tpu.memref_slice %arg4[%add3A_153, %dma_start3A_154] : memref<32768x1024xf32, #tpu.memory_space<hbm>> -> memref<8x1024xf32, #tpu.memory_space<hbm>>
      %dma_start3A_156 = arith.constant 0 : i32
      %dma_start3A_157 = tpu.memref_slice %arg4[%add3A_153, %dma_start3A_156] : memref<32768x1024xf32, #tpu.memory_space<hbm>> -> memref<8x1024xf32, #tpu.memory_space<hbm>>
      tpu.enqueue_dma source(%arg10 : memref<8x1024xf32, #tpu.memory_space<vmem>>) target(%dma_start3A_157 : memref<8x1024xf32, #tpu.memory_space<hbm>>) target_semaphore(%arg26 : memref<!tpu.dma_semaphore, #tpu.memory_space<semaphore_mem>>)
      %add3A_158 = arith.constant 8 : i32
      %add3A_159 = arith.addi %add3A_145, %add3A_158 : i32
      %lt3A_160 = arith.constant 64 : i32
      %lt3A_161 = arith.cmpi slt, %add3A_159, %lt3A_160 : i32
      %convert_element_type3A_162 = arith.extui %lt3A_161 : i1 to i32
      %cond3A_163 = arith.constant 0 : i32
      %cond3A_164 = arith.cmpi ne, %convert_element_type3A_162, %cond3A_163 : i32
      scf.if %cond3A_164 {
        %dma_wait3A_249 = arith.constant 0 : i32
        %dma_wait3A_250 = tpu.memref_slice %arg4[%add3A_4, %dma_wait3A_249] : memref<32768x1024xf32, #tpu.memory_space<hbm>> -> memref<8x1024xf32, #tpu.memory_space<hbm>>
        %dma_wait3A_251 = arith.constant 0 : i32
        %dma_wait3A_252 = tpu.memref_slice %arg4[%add3A_4, %dma_wait3A_251] : memref<32768x1024xf32, #tpu.memory_space<hbm>> -> memref<8x1024xf32, #tpu.memory_space<hbm>>
        tpu.wait_dma2 semaphore(%arg26 : memref<!tpu.dma_semaphore, #tpu.memory_space<semaphore_mem>>) src(%arg10 : memref<8x1024xf32, #tpu.memory_space<vmem>>) dst(%dma_wait3A_252 : memref<8x1024xf32, #tpu.memory_space<hbm>>)
        %mul3A_253 = arith.constant 8 : i32
        %mul3A_254 = arith.muli %add3A_159, %mul3A_253 : i32
        %dma_start3A_255 = tpu.memref_slice %arg6[%mul3A_254] : memref<512xi32, #tpu.memory_space<vmem>> -> memref<8xi32, #tpu.memory_space<vmem>>
        %dma_start3A_256 = arith.constant 0 : i32
        %dma_start3A_257 = arith.constant 0 : i32
        %dma_start3A_258 = tpu.memref_slice %arg2[%dma_start3A_256, %dma_start3A_257] : memref<8000x1024xf32, #tpu.memory_space<hbm>> -> memref<8000x1024xf32, #tpu.memory_space<hbm>>
        tpu.enqueue_indirect_dma source(%dma_start3A_258 : memref<8000x1024xf32, #tpu.memory_space<hbm>>) target(%arg10 : memref<8x1024xf32, #tpu.memory_space<vmem>>) offsets(%dma_start3A_255 : memref<8xi32, #tpu.memory_space<vmem>>) semaphore(%arg18 : memref<!tpu.dma_semaphore, #tpu.memory_space<semaphore_mem>>)
      } else {
      }
      %add3A_165 = arith.constant 4 : i32
      %add3A_166 = arith.addi %add3A_83, %add3A_165 : i32
      %dma_wait3A_167 = arith.constant 0 : i32
      %dma_wait3A_168 = tpu.memref_slice %arg6[%dma_wait3A_167] : memref<512xi32, #tpu.memory_space<vmem>> -> memref<8xi32, #tpu.memory_space<vmem>>
      %dma_wait3A_169 = arith.constant 0 : i32
      %dma_wait3A_170 = arith.constant 0 : i32
      %dma_wait3A_171 = tpu.memref_slice %arg2[%dma_wait3A_169, %dma_wait3A_170] : memref<8000x1024xf32, #tpu.memory_space<hbm>> -> memref<8000x1024xf32, #tpu.memory_space<hbm>>
      tpu.wait_indirect_dma semaphore(%arg19 : memref<!tpu.dma_semaphore, #tpu.memory_space<semaphore_mem>>) src(%dma_wait3A_171 : memref<8000x1024xf32, #tpu.memory_space<hbm>>) dst(%arg11 : memref<8x1024xf32, #tpu.memory_space<vmem>>)
      %mul3A_172 = arith.constant 8 : i32
      %mul3A_173 = arith.muli %add3A_166, %mul3A_172 : i32
      %add3A_174 = arith.addi %add3A_4, %mul3A_173 : i32
      %dma_start3A_175 = arith.constant 0 : i32
      %dma_start3A_176 = tpu.memref_slice %arg4[%add3A_174, %dma_start3A_175] : memref<32768x1024xf32, #tpu.memory_space<hbm>> -> memref<8x1024xf32, #tpu.memory_space<hbm>>
      %dma_start3A_177 = arith.constant 0 : i32
      %dma_start3A_178 = tpu.memref_slice %arg4[%add3A_174, %dma_start3A_177] : memref<32768x1024xf32, #tpu.memory_space<hbm>> -> memref<8x1024xf32, #tpu.memory_space<hbm>>
      tpu.enqueue_dma source(%arg11 : memref<8x1024xf32, #tpu.memory_space<vmem>>) target(%dma_start3A_178 : memref<8x1024xf32, #tpu.memory_space<hbm>>) target_semaphore(%arg27 : memref<!tpu.dma_semaphore, #tpu.memory_space<semaphore_mem>>)
      %add3A_179 = arith.constant 8 : i32
      %add3A_180 = arith.addi %add3A_166, %add3A_179 : i32
      %lt3A_181 = arith.constant 64 : i32
      %lt3A_182 = arith.cmpi slt, %add3A_180, %lt3A_181 : i32
      %convert_element_type3A_183 = arith.extui %lt3A_182 : i1 to i32
      %cond3A_184 = arith.constant 0 : i32
      %cond3A_185 = arith.cmpi ne, %convert_element_type3A_183, %cond3A_184 : i32
      scf.if %cond3A_185 {
        %dma_wait3A_249 = arith.constant 0 : i32
        %dma_wait3A_250 = tpu.memref_slice %arg4[%add3A_4, %dma_wait3A_249] : memref<32768x1024xf32, #tpu.memory_space<hbm>> -> memref<8x1024xf32, #tpu.memory_space<hbm>>
        %dma_wait3A_251 = arith.constant 0 : i32
        %dma_wait3A_252 = tpu.memref_slice %arg4[%add3A_4, %dma_wait3A_251] : memref<32768x1024xf32, #tpu.memory_space<hbm>> -> memref<8x1024xf32, #tpu.memory_space<hbm>>
        tpu.wait_dma2 semaphore(%arg27 : memref<!tpu.dma_semaphore, #tpu.memory_space<semaphore_mem>>) src(%arg11 : memref<8x1024xf32, #tpu.memory_space<vmem>>) dst(%dma_wait3A_252 : memref<8x1024xf32, #tpu.memory_space<hbm>>)
        %mul3A_253 = arith.constant 8 : i32
        %mul3A_254 = arith.muli %add3A_180, %mul3A_253 : i32
        %dma_start3A_255 = tpu.memref_slice %arg6[%mul3A_254] : memref<512xi32, #tpu.memory_space<vmem>> -> memref<8xi32, #tpu.memory_space<vmem>>
        %dma_start3A_256 = arith.constant 0 : i32
        %dma_start3A_257 = arith.constant 0 : i32
        %dma_start3A_258 = tpu.memref_slice %arg2[%dma_start3A_256, %dma_start3A_257] : memref<8000x1024xf32, #tpu.memory_space<hbm>> -> memref<8000x1024xf32, #tpu.memory_space<hbm>>
        tpu.enqueue_indirect_dma source(%dma_start3A_258 : memref<8000x1024xf32, #tpu.memory_space<hbm>>) target(%arg11 : memref<8x1024xf32, #tpu.memory_space<vmem>>) offsets(%dma_start3A_255 : memref<8xi32, #tpu.memory_space<vmem>>) semaphore(%arg19 : memref<!tpu.dma_semaphore, #tpu.memory_space<semaphore_mem>>)
      } else {
      }
      %add3A_186 = arith.constant 5 : i32
      %add3A_187 = arith.addi %add3A_83, %add3A_186 : i32
      %dma_wait3A_188 = arith.constant 0 : i32
      %dma_wait3A_189 = tpu.memref_slice %arg6[%dma_wait3A_188] : memref<512xi32, #tpu.memory_space<vmem>> -> memref<8xi32, #tpu.memory_space<vmem>>
      %dma_wait3A_190 = arith.constant 0 : i32
      %dma_wait3A_191 = arith.constant 0 : i32
      %dma_wait3A_192 = tpu.memref_slice %arg2[%dma_wait3A_190, %dma_wait3A_191] : memref<8000x1024xf32, #tpu.memory_space<hbm>> -> memref<8000x1024xf32, #tpu.memory_space<hbm>>
      tpu.wait_indirect_dma semaphore(%arg20 : memref<!tpu.dma_semaphore, #tpu.memory_space<semaphore_mem>>) src(%dma_wait3A_192 : memref<8000x1024xf32, #tpu.memory_space<hbm>>) dst(%arg12 : memref<8x1024xf32, #tpu.memory_space<vmem>>)
      %mul3A_193 = arith.constant 8 : i32
      %mul3A_194 = arith.muli %add3A_187, %mul3A_193 : i32
      %add3A_195 = arith.addi %add3A_4, %mul3A_194 : i32
      %dma_start3A_196 = arith.constant 0 : i32
      %dma_start3A_197 = tpu.memref_slice %arg4[%add3A_195, %dma_start3A_196] : memref<32768x1024xf32, #tpu.memory_space<hbm>> -> memref<8x1024xf32, #tpu.memory_space<hbm>>
      %dma_start3A_198 = arith.constant 0 : i32
      %dma_start3A_199 = tpu.memref_slice %arg4[%add3A_195, %dma_start3A_198] : memref<32768x1024xf32, #tpu.memory_space<hbm>> -> memref<8x1024xf32, #tpu.memory_space<hbm>>
      tpu.enqueue_dma source(%arg12 : memref<8x1024xf32, #tpu.memory_space<vmem>>) target(%dma_start3A_199 : memref<8x1024xf32, #tpu.memory_space<hbm>>) target_semaphore(%arg28 : memref<!tpu.dma_semaphore, #tpu.memory_space<semaphore_mem>>)
      %add3A_200 = arith.constant 8 : i32
      %add3A_201 = arith.addi %add3A_187, %add3A_200 : i32
      %lt3A_202 = arith.constant 64 : i32
      %lt3A_203 = arith.cmpi slt, %add3A_201, %lt3A_202 : i32
      %convert_element_type3A_204 = arith.extui %lt3A_203 : i1 to i32
      %cond3A_205 = arith.constant 0 : i32
      %cond3A_206 = arith.cmpi ne, %convert_element_type3A_204, %cond3A_205 : i32
      scf.if %cond3A_206 {
        %dma_wait3A_249 = arith.constant 0 : i32
        %dma_wait3A_250 = tpu.memref_slice %arg4[%add3A_4, %dma_wait3A_249] : memref<32768x1024xf32, #tpu.memory_space<hbm>> -> memref<8x1024xf32, #tpu.memory_space<hbm>>
        %dma_wait3A_251 = arith.constant 0 : i32
        %dma_wait3A_252 = tpu.memref_slice %arg4[%add3A_4, %dma_wait3A_251] : memref<32768x1024xf32, #tpu.memory_space<hbm>> -> memref<8x1024xf32, #tpu.memory_space<hbm>>
        tpu.wait_dma2 semaphore(%arg28 : memref<!tpu.dma_semaphore, #tpu.memory_space<semaphore_mem>>) src(%arg12 : memref<8x1024xf32, #tpu.memory_space<vmem>>) dst(%dma_wait3A_252 : memref<8x1024xf32, #tpu.memory_space<hbm>>)
        %mul3A_253 = arith.constant 8 : i32
        %mul3A_254 = arith.muli %add3A_201, %mul3A_253 : i32
        %dma_start3A_255 = tpu.memref_slice %arg6[%mul3A_254] : memref<512xi32, #tpu.memory_space<vmem>> -> memref<8xi32, #tpu.memory_space<vmem>>
        %dma_start3A_256 = arith.constant 0 : i32
        %dma_start3A_257 = arith.constant 0 : i32
        %dma_start3A_258 = tpu.memref_slice %arg2[%dma_start3A_256, %dma_start3A_257] : memref<8000x1024xf32, #tpu.memory_space<hbm>> -> memref<8000x1024xf32, #tpu.memory_space<hbm>>
        tpu.enqueue_indirect_dma source(%dma_start3A_258 : memref<8000x1024xf32, #tpu.memory_space<hbm>>) target(%arg12 : memref<8x1024xf32, #tpu.memory_space<vmem>>) offsets(%dma_start3A_255 : memref<8xi32, #tpu.memory_space<vmem>>) semaphore(%arg20 : memref<!tpu.dma_semaphore, #tpu.memory_space<semaphore_mem>>)
      } else {
      }
      %add3A_207 = arith.constant 6 : i32
      %add3A_208 = arith.addi %add3A_83, %add3A_207 : i32
      %dma_wait3A_209 = arith.constant 0 : i32
      %dma_wait3A_210 = tpu.memref_slice %arg6[%dma_wait3A_209] : memref<512xi32, #tpu.memory_space<vmem>> -> memref<8xi32, #tpu.memory_space<vmem>>
      %dma_wait3A_211 = arith.constant 0 : i32
      %dma_wait3A_212 = arith.constant 0 : i32
      %dma_wait3A_213 = tpu.memref_slice %arg2[%dma_wait3A_211, %dma_wait3A_212] : memref<8000x1024xf32, #tpu.memory_space<hbm>> -> memref<8000x1024xf32, #tpu.memory_space<hbm>>
      tpu.wait_indirect_dma semaphore(%arg21 : memref<!tpu.dma_semaphore, #tpu.memory_space<semaphore_mem>>) src(%dma_wait3A_213 : memref<8000x1024xf32, #tpu.memory_space<hbm>>) dst(%arg13 : memref<8x1024xf32, #tpu.memory_space<vmem>>)
      %mul3A_214 = arith.constant 8 : i32
      %mul3A_215 = arith.muli %add3A_208, %mul3A_214 : i32
      %add3A_216 = arith.addi %add3A_4, %mul3A_215 : i32
      %dma_start3A_217 = arith.constant 0 : i32
      %dma_start3A_218 = tpu.memref_slice %arg4[%add3A_216, %dma_start3A_217] : memref<32768x1024xf32, #tpu.memory_space<hbm>> -> memref<8x1024xf32, #tpu.memory_space<hbm>>
      %dma_start3A_219 = arith.constant 0 : i32
      %dma_start3A_220 = tpu.memref_slice %arg4[%add3A_216, %dma_start3A_219] : memref<32768x1024xf32, #tpu.memory_space<hbm>> -> memref<8x1024xf32, #tpu.memory_space<hbm>>
      tpu.enqueue_dma source(%arg13 : memref<8x1024xf32, #tpu.memory_space<vmem>>) target(%dma_start3A_220 : memref<8x1024xf32, #tpu.memory_space<hbm>>) target_semaphore(%arg29 : memref<!tpu.dma_semaphore, #tpu.memory_space<semaphore_mem>>)
      %add3A_221 = arith.constant 8 : i32
      %add3A_222 = arith.addi %add3A_208, %add3A_221 : i32
      %lt3A_223 = arith.constant 64 : i32
      %lt3A_224 = arith.cmpi slt, %add3A_222, %lt3A_223 : i32
      %convert_element_type3A_225 = arith.extui %lt3A_224 : i1 to i32
      %cond3A_226 = arith.constant 0 : i32
      %cond3A_227 = arith.cmpi ne, %convert_element_type3A_225, %cond3A_226 : i32
      scf.if %cond3A_227 {
        %dma_wait3A_249 = arith.constant 0 : i32
        %dma_wait3A_250 = tpu.memref_slice %arg4[%add3A_4, %dma_wait3A_249] : memref<32768x1024xf32, #tpu.memory_space<hbm>> -> memref<8x1024xf32, #tpu.memory_space<hbm>>
        %dma_wait3A_251 = arith.constant 0 : i32
        %dma_wait3A_252 = tpu.memref_slice %arg4[%add3A_4, %dma_wait3A_251] : memref<32768x1024xf32, #tpu.memory_space<hbm>> -> memref<8x1024xf32, #tpu.memory_space<hbm>>
        tpu.wait_dma2 semaphore(%arg29 : memref<!tpu.dma_semaphore, #tpu.memory_space<semaphore_mem>>) src(%arg13 : memref<8x1024xf32, #tpu.memory_space<vmem>>) dst(%dma_wait3A_252 : memref<8x1024xf32, #tpu.memory_space<hbm>>)
        %mul3A_253 = arith.constant 8 : i32
        %mul3A_254 = arith.muli %add3A_222, %mul3A_253 : i32
        %dma_start3A_255 = tpu.memref_slice %arg6[%mul3A_254] : memref<512xi32, #tpu.memory_space<vmem>> -> memref<8xi32, #tpu.memory_space<vmem>>
        %dma_start3A_256 = arith.constant 0 : i32
        %dma_start3A_257 = arith.constant 0 : i32
        %dma_start3A_258 = tpu.memref_slice %arg2[%dma_start3A_256, %dma_start3A_257] : memref<8000x1024xf32, #tpu.memory_space<hbm>> -> memref<8000x1024xf32, #tpu.memory_space<hbm>>
        tpu.enqueue_indirect_dma source(%dma_start3A_258 : memref<8000x1024xf32, #tpu.memory_space<hbm>>) target(%arg13 : memref<8x1024xf32, #tpu.memory_space<vmem>>) offsets(%dma_start3A_255 : memref<8xi32, #tpu.memory_space<vmem>>) semaphore(%arg21 : memref<!tpu.dma_semaphore, #tpu.memory_space<semaphore_mem>>)
      } else {
      }
      %add3A_228 = arith.constant 7 : i32
      %add3A_229 = arith.addi %add3A_83, %add3A_228 : i32
      %dma_wait3A_230 = arith.constant 0 : i32
      %dma_wait3A_231 = tpu.memref_slice %arg6[%dma_wait3A_230] : memref<512xi32, #tpu.memory_space<vmem>> -> memref<8xi32, #tpu.memory_space<vmem>>
      %dma_wait3A_232 = arith.constant 0 : i32
      %dma_wait3A_233 = arith.constant 0 : i32
      %dma_wait3A_234 = tpu.memref_slice %arg2[%dma_wait3A_232, %dma_wait3A_233] : memref<8000x1024xf32, #tpu.memory_space<hbm>> -> memref<8000x1024xf32, #tpu.memory_space<hbm>>
      tpu.wait_indirect_dma semaphore(%arg22 : memref<!tpu.dma_semaphore, #tpu.memory_space<semaphore_mem>>) src(%dma_wait3A_234 : memref<8000x1024xf32, #tpu.memory_space<hbm>>) dst(%arg14 : memref<8x1024xf32, #tpu.memory_space<vmem>>)
      %mul3A_235 = arith.constant 8 : i32
      %mul3A_236 = arith.muli %add3A_229, %mul3A_235 : i32
      %add3A_237 = arith.addi %add3A_4, %mul3A_236 : i32
      %dma_start3A_238 = arith.constant 0 : i32
      %dma_start3A_239 = tpu.memref_slice %arg4[%add3A_237, %dma_start3A_238] : memref<32768x1024xf32, #tpu.memory_space<hbm>> -> memref<8x1024xf32, #tpu.memory_space<hbm>>
      %dma_start3A_240 = arith.constant 0 : i32
      %dma_start3A_241 = tpu.memref_slice %arg4[%add3A_237, %dma_start3A_240] : memref<32768x1024xf32, #tpu.memory_space<hbm>> -> memref<8x1024xf32, #tpu.memory_space<hbm>>
      tpu.enqueue_dma source(%arg14 : memref<8x1024xf32, #tpu.memory_space<vmem>>) target(%dma_start3A_241 : memref<8x1024xf32, #tpu.memory_space<hbm>>) target_semaphore(%arg30 : memref<!tpu.dma_semaphore, #tpu.memory_space<semaphore_mem>>)
      %add3A_242 = arith.constant 8 : i32
      %add3A_243 = arith.addi %add3A_229, %add3A_242 : i32
      %lt3A_244 = arith.constant 64 : i32
      %lt3A_245 = arith.cmpi slt, %add3A_243, %lt3A_244 : i32
      %convert_element_type3A_246 = arith.extui %lt3A_245 : i1 to i32
      %cond3A_247 = arith.constant 0 : i32
      %cond3A_248 = arith.cmpi ne, %convert_element_type3A_246, %cond3A_247 : i32
      scf.if %cond3A_248 {
        %dma_wait3A_249 = arith.constant 0 : i32
        %dma_wait3A_250 = tpu.memref_slice %arg4[%add3A_4, %dma_wait3A_249] : memref<32768x1024xf32, #tpu.memory_space<hbm>> -> memref<8x1024xf32, #tpu.memory_space<hbm>>
        %dma_wait3A_251 = arith.constant 0 : i32
        %dma_wait3A_252 = tpu.memref_slice %arg4[%add3A_4, %dma_wait3A_251] : memref<32768x1024xf32, #tpu.memory_space<hbm>> -> memref<8x1024xf32, #tpu.memory_space<hbm>>
        tpu.wait_dma2 semaphore(%arg30 : memref<!tpu.dma_semaphore, #tpu.memory_space<semaphore_mem>>) src(%arg14 : memref<8x1024xf32, #tpu.memory_space<vmem>>) dst(%dma_wait3A_252 : memref<8x1024xf32, #tpu.memory_space<hbm>>)
        %mul3A_253 = arith.constant 8 : i32
        %mul3A_254 = arith.muli %add3A_243, %mul3A_253 : i32
        %dma_start3A_255 = tpu.memref_slice %arg6[%mul3A_254] : memref<512xi32, #tpu.memory_space<vmem>> -> memref<8xi32, #tpu.memory_space<vmem>>
        %dma_start3A_256 = arith.constant 0 : i32
        %dma_start3A_257 = arith.constant 0 : i32
        %dma_start3A_258 = tpu.memref_slice %arg2[%dma_start3A_256, %dma_start3A_257] : memref<8000x1024xf32, #tpu.memory_space<hbm>> -> memref<8000x1024xf32, #tpu.memory_space<hbm>>
        tpu.enqueue_indirect_dma source(%dma_start3A_258 : memref<8000x1024xf32, #tpu.memory_space<hbm>>) target(%arg14 : memref<8x1024xf32, #tpu.memory_space<vmem>>) offsets(%dma_start3A_255 : memref<8xi32, #tpu.memory_space<vmem>>) semaphore(%arg22 : memref<!tpu.dma_semaphore, #tpu.memory_space<semaphore_mem>>)
      } else {
      }
    }
    %scan3A_47 = arith.constant 8 : i32
    %dma_wait3A = arith.constant 0 : i32
    %dma_wait3A_48 = tpu.memref_slice %arg4[%add3A_4, %dma_wait3A] : memref<32768x1024xf32, #tpu.memory_space<hbm>> -> memref<8x1024xf32, #tpu.memory_space<hbm>>
    %dma_wait3A_49 = arith.constant 0 : i32
    %dma_wait3A_50 = tpu.memref_slice %arg4[%add3A_4, %dma_wait3A_49] : memref<32768x1024xf32, #tpu.memory_space<hbm>> -> memref<8x1024xf32, #tpu.memory_space<hbm>>
    tpu.wait_dma2 semaphore(%arg23 : memref<!tpu.dma_semaphore, #tpu.memory_space<semaphore_mem>>) src(%arg7 : memref<8x1024xf32, #tpu.memory_space<vmem>>) dst(%dma_wait3A_50 : memref<8x1024xf32, #tpu.memory_space<hbm>>)
    %dma_wait3A_51 = arith.constant 0 : i32
    %dma_wait3A_52 = tpu.memref_slice %arg4[%add3A_4, %dma_wait3A_51] : memref<32768x1024xf32, #tpu.memory_space<hbm>> -> memref<8x1024xf32, #tpu.memory_space<hbm>>
    %dma_wait3A_53 = arith.constant 0 : i32
    %dma_wait3A_54 = tpu.memref_slice %arg4[%add3A_4, %dma_wait3A_53] : memref<32768x1024xf32, #tpu.memory_space<hbm>> -> memref<8x1024xf32, #tpu.memory_space<hbm>>
    tpu.wait_dma2 semaphore(%arg24 : memref<!tpu.dma_semaphore, #tpu.memory_space<semaphore_mem>>) src(%arg8 : memref<8x1024xf32, #tpu.memory_space<vmem>>) dst(%dma_wait3A_54 : memref<8x1024xf32, #tpu.memory_space<hbm>>)
    %dma_wait3A_55 = arith.constant 0 : i32
    %dma_wait3A_56 = tpu.memref_slice %arg4[%add3A_4, %dma_wait3A_55] : memref<32768x1024xf32, #tpu.memory_space<hbm>> -> memref<8x1024xf32, #tpu.memory_space<hbm>>
    %dma_wait3A_57 = arith.constant 0 : i32
    %dma_wait3A_58 = tpu.memref_slice %arg4[%add3A_4, %dma_wait3A_57] : memref<32768x1024xf32, #tpu.memory_space<hbm>> -> memref<8x1024xf32, #tpu.memory_space<hbm>>
    tpu.wait_dma2 semaphore(%arg25 : memref<!tpu.dma_semaphore, #tpu.memory_space<semaphore_mem>>) src(%arg9 : memref<8x1024xf32, #tpu.memory_space<vmem>>) dst(%dma_wait3A_58 : memref<8x1024xf32, #tpu.memory_space<hbm>>)
    %dma_wait3A_59 = arith.constant 0 : i32
    %dma_wait3A_60 = tpu.memref_slice %arg4[%add3A_4, %dma_wait3A_59] : memref<32768x1024xf32, #tpu.memory_space<hbm>> -> memref<8x1024xf32, #tpu.memory_space<hbm>>
    %dma_wait3A_61 = arith.constant 0 : i32
    %dma_wait3A_62 = tpu.memref_slice %arg4[%add3A_4, %dma_wait3A_61] : memref<32768x1024xf32, #tpu.memory_space<hbm>> -> memref<8x1024xf32, #tpu.memory_space<hbm>>
    tpu.wait_dma2 semaphore(%arg26 : memref<!tpu.dma_semaphore, #tpu.memory_space<semaphore_mem>>) src(%arg10 : memref<8x1024xf32, #tpu.memory_space<vmem>>) dst(%dma_wait3A_62 : memref<8x1024xf32, #tpu.memory_space<hbm>>)
    %dma_wait3A_63 = arith.constant 0 : i32
    %dma_wait3A_64 = tpu.memref_slice %arg4[%add3A_4, %dma_wait3A_63] : memref<32768x1024xf32, #tpu.memory_space<hbm>> -> memref<8x1024xf32, #tpu.memory_space<hbm>>
    %dma_wait3A_65 = arith.constant 0 : i32
    %dma_wait3A_66 = tpu.memref_slice %arg4[%add3A_4, %dma_wait3A_65] : memref<32768x1024xf32, #tpu.memory_space<hbm>> -> memref<8x1024xf32, #tpu.memory_space<hbm>>
    tpu.wait_dma2 semaphore(%arg27 : memref<!tpu.dma_semaphore, #tpu.memory_space<semaphore_mem>>) src(%arg11 : memref<8x1024xf32, #tpu.memory_space<vmem>>) dst(%dma_wait3A_66 : memref<8x1024xf32, #tpu.memory_space<hbm>>)
    %dma_wait3A_67 = arith.constant 0 : i32
    %dma_wait3A_68 = tpu.memref_slice %arg4[%add3A_4, %dma_wait3A_67] : memref<32768x1024xf32, #tpu.memory_space<hbm>> -> memref<8x1024xf32, #tpu.memory_space<hbm>>
    %dma_wait3A_69 = arith.constant 0 : i32
    %dma_wait3A_70 = tpu.memref_slice %arg4[%add3A_4, %dma_wait3A_69] : memref<32768x1024xf32, #tpu.memory_space<hbm>> -> memref<8x1024xf32, #tpu.memory_space<hbm>>
    tpu.wait_dma2 semaphore(%arg28 : memref<!tpu.dma_semaphore, #tpu.memory_space<semaphore_mem>>) src(%arg12 : memref<8x1024xf32, #tpu.memory_space<vmem>>) dst(%dma_wait3A_70 : memref<8x1024xf32, #tpu.memory_space<hbm>>)
    %dma_wait3A_71 = arith.constant 0 : i32
    %dma_wait3A_72 = tpu.memref_slice %arg4[%add3A_4, %dma_wait3A_71] : memref<32768x1024xf32, #tpu.memory_space<hbm>> -> memref<8x1024xf32, #tpu.memory_space<hbm>>
    %dma_wait3A_73 = arith.constant 0 : i32
    %dma_wait3A_74 = tpu.memref_slice %arg4[%add3A_4, %dma_wait3A_73] : memref<32768x1024xf32, #tpu.memory_space<hbm>> -> memref<8x1024xf32, #tpu.memory_space<hbm>>
    tpu.wait_dma2 semaphore(%arg29 : memref<!tpu.dma_semaphore, #tpu.memory_space<semaphore_mem>>) src(%arg13 : memref<8x1024xf32, #tpu.memory_space<vmem>>) dst(%dma_wait3A_74 : memref<8x1024xf32, #tpu.memory_space<hbm>>)
    %dma_wait3A_75 = arith.constant 0 : i32
    %dma_wait3A_76 = tpu.memref_slice %arg4[%add3A_4, %dma_wait3A_75] : memref<32768x1024xf32, #tpu.memory_space<hbm>> -> memref<8x1024xf32, #tpu.memory_space<hbm>>
    %dma_wait3A_77 = arith.constant 0 : i32
    %dma_wait3A_78 = tpu.memref_slice %arg4[%add3A_4, %dma_wait3A_77] : memref<32768x1024xf32, #tpu.memory_space<hbm>> -> memref<8x1024xf32, #tpu.memory_space<hbm>>
    tpu.wait_dma2 semaphore(%arg30 : memref<!tpu.dma_semaphore, #tpu.memory_space<semaphore_mem>>) src(%arg14 : memref<8x1024xf32, #tpu.memory_space<vmem>>) dst(%dma_wait3A_78 : memref<8x1024xf32, #tpu.memory_space<hbm>>)
    return
  }
}

#map = affine_map<(d0, d1) -> (0, 0)>
#map1 = affine_map<(d0, d1) -> (0)>
module attributes {stable_mosaic.version = 14 : i64} {
  func.func @gk(%arg0: i32, %arg1: i32, %arg2: memref<8000x1024xf32, #tpu.memory_space<hbm>>, %arg3: memref<16384xi32, #tpu.memory_space<hbm>>, %arg4: memref<32768x1024xf32, #tpu.memory_space<hbm>>, %arg5: memref<512xi32, #tpu.memory_space<vmem>>, %arg6: memref<8x1024xf32, #tpu.memory_space<vmem>>, %arg7: memref<8x1024xf32, #tpu.memory_space<vmem>>, %arg8: memref<8x1024xf32, #tpu.memory_space<vmem>>, %arg9: memref<8x1024xf32, #tpu.memory_space<vmem>>, %arg10: memref<8x1024xf32, #tpu.memory_space<vmem>>, %arg11: memref<8x1024xf32, #tpu.memory_space<vmem>>, %arg12: memref<8x1024xf32, #tpu.memory_space<vmem>>, %arg13: memref<8x1024xf32, #tpu.memory_space<vmem>>, %arg14: memref<!tpu.dma_semaphore, #tpu.memory_space<semaphore_mem>>, %arg15: memref<!tpu.dma_semaphore, #tpu.memory_space<semaphore_mem>>, %arg16: memref<!tpu.dma_semaphore, #tpu.memory_space<semaphore_mem>>, %arg17: memref<!tpu.dma_semaphore, #tpu.memory_space<semaphore_mem>>, %arg18: memref<!tpu.dma_semaphore, #tpu.memory_space<semaphore_mem>>, %arg19: memref<!tpu.dma_semaphore, #tpu.memory_space<semaphore_mem>>, %arg20: memref<!tpu.dma_semaphore, #tpu.memory_space<semaphore_mem>>, %arg21: memref<!tpu.dma_semaphore, #tpu.memory_space<semaphore_mem>>, %arg22: memref<!tpu.dma_semaphore, #tpu.memory_space<semaphore_mem>>, %arg23: memref<!tpu.dma_semaphore, #tpu.memory_space<semaphore_mem>>, %arg24: memref<!tpu.dma_semaphore, #tpu.memory_space<semaphore_mem>>, %arg25: memref<!tpu.dma_semaphore, #tpu.memory_space<semaphore_mem>>, %arg26: memref<!tpu.dma_semaphore, #tpu.memory_space<semaphore_mem>>, %arg27: memref<!tpu.dma_semaphore, #tpu.memory_space<semaphore_mem>>, %arg28: memref<!tpu.dma_semaphore, #tpu.memory_space<semaphore_mem>>, %arg29: memref<!tpu.dma_semaphore, #tpu.memory_space<semaphore_mem>>) attributes {dimension_semantics = [#tpu.dimension_semantics<core_parallel>, #tpu.dimension_semantics<subcore_parallel>], iteration_bounds = array<i64: 2, 16>, scalar_prefetch = 0 : i64, scratch_operands = 25 : i64, tpu.core_type = #tpu.core_type<sc_vector_subcore>, window_params = [{transform_indices = #map}, {transform_indices = #map1}, {transform_indices = #map}]} {
    %mul3A = arith.constant 2 : i32
    %mul3A_0 = arith.muli %arg1, %mul3A : i32
    %add3A = arith.addi %mul3A_0, %arg0 : i32
    %mul3A_1 = arith.constant 512 : i32
    %mul3A_2 = arith.muli %add3A, %mul3A_1 : i32
    %add3A_3 = arith.constant 0 : i32
    %add3A_4 = arith.addi %add3A_3, %mul3A_2 : i32
    "tpu.region"() ({
      %run_scoped3A = tpu.sem_alloc : memref<!tpu.dma_semaphore, #tpu.memory_space<semaphore_mem>>
      %dma_start3A_79 = tpu.memref_slice %arg3[%mul3A_2] : memref<16384xi32, #tpu.memory_space<hbm>> -> memref<512xi32, #tpu.memory_space<hbm>>
      %dma_start3A_80 = tpu.memref_slice %arg3[%mul3A_2] : memref<16384xi32, #tpu.memory_space<hbm>> -> memref<512xi32, #tpu.memory_space<hbm>>
      tpu.enqueue_dma source(%dma_start3A_80 : memref<512xi32, #tpu.memory_space<hbm>>) target(%arg5 : memref<512xi32, #tpu.memory_space<vmem>>) target_semaphore(%run_scoped3A : memref<!tpu.dma_semaphore, #tpu.memory_space<semaphore_mem>>)
      %dma_wait3A_81 = tpu.memref_slice %arg3[%mul3A_2] : memref<16384xi32, #tpu.memory_space<hbm>> -> memref<512xi32, #tpu.memory_space<hbm>>
      %dma_wait3A_82 = tpu.memref_slice %arg3[%mul3A_2] : memref<16384xi32, #tpu.memory_space<hbm>> -> memref<512xi32, #tpu.memory_space<hbm>>
      tpu.wait_dma2 semaphore(%run_scoped3A : memref<!tpu.dma_semaphore, #tpu.memory_space<semaphore_mem>>) src(%dma_wait3A_82 : memref<512xi32, #tpu.memory_space<hbm>>) dst(%arg5 : memref<512xi32, #tpu.memory_space<vmem>>)
      tpu.yield
    }) : () -> ()
    %dma_start3A = arith.constant 0 : i32
    %dma_start3A_5 = tpu.memref_slice %arg5[%dma_start3A] : memref<512xi32, #tpu.memory_space<vmem>> -> memref<8xi32, #tpu.memory_space<vmem>>
    %dma_start3A_6 = arith.constant 0 : i32
    %dma_start3A_7 = arith.constant 0 : i32
    %dma_start3A_8 = tpu.memref_slice %arg2[%dma_start3A_6, %dma_start3A_7] : memref<8000x1024xf32, #tpu.memory_space<hbm>> -> memref<8000x1024xf32, #tpu.memory_space<hbm>>
    tpu.enqueue_indirect_dma source(%dma_start3A_8 : memref<8000x1024xf32, #tpu.memory_space<hbm>>) target(%arg6 : memref<8x1024xf32, #tpu.memory_space<vmem>>) offsets(%dma_start3A_5 : memref<8xi32, #tpu.memory_space<vmem>>) semaphore(%arg14 : memref<!tpu.dma_semaphore, #tpu.memory_space<semaphore_mem>>)
    %dma_start3A_9 = arith.constant 8 : i32
    %dma_start3A_10 = tpu.memref_slice %arg5[%dma_start3A_9] : memref<512xi32, #tpu.memory_space<vmem>> -> memref<8xi32, #tpu.memory_space<vmem>>
    %dma_start3A_11 = arith.constant 0 : i32
    %dma_start3A_12 = arith.constant 0 : i32
    %dma_start3A_13 = tpu.memref_slice %arg2[%dma_start3A_11, %dma_start3A_12] : memref<8000x1024xf32, #tpu.memory_space<hbm>> -> memref<8000x1024xf32, #tpu.memory_space<hbm>>
    tpu.enqueue_indirect_dma source(%dma_start3A_13 : memref<8000x1024xf32, #tpu.memory_space<hbm>>) target(%arg7 : memref<8x1024xf32, #tpu.memory_space<vmem>>) offsets(%dma_start3A_10 : memref<8xi32, #tpu.memory_space<vmem>>) semaphore(%arg15 : memref<!tpu.dma_semaphore, #tpu.memory_space<semaphore_mem>>)
    %dma_start3A_14 = arith.constant 16 : i32
    %dma_start3A_15 = tpu.memref_slice %arg5[%dma_start3A_14] : memref<512xi32, #tpu.memory_space<vmem>> -> memref<8xi32, #tpu.memory_space<vmem>>
    %dma_start3A_16 = arith.constant 0 : i32
    %dma_start3A_17 = arith.constant 0 : i32
    %dma_start3A_18 = tpu.memref_slice %arg2[%dma_start3A_16, %dma_start3A_17] : memref<8000x1024xf32, #tpu.memory_space<hbm>> -> memref<8000x1024xf32, #tpu.memory_space<hbm>>
    tpu.enqueue_indirect_dma source(%dma_start3A_18 : memref<8000x1024xf32, #tpu.memory_space<hbm>>) target(%arg8 : memref<8x1024xf32, #tpu.memory_space<vmem>>) offsets(%dma_start3A_15 : memref<8xi32, #tpu.memory_space<vmem>>) semaphore(%arg16 : memref<!tpu.dma_semaphore, #tpu.memory_space<semaphore_mem>>)
    %dma_start3A_19 = arith.constant 24 : i32
    %dma_start3A_20 = tpu.memref_slice %arg5[%dma_start3A_19] : memref<512xi32, #tpu.memory_space<vmem>> -> memref<8xi32, #tpu.memory_space<vmem>>
    %dma_start3A_21 = arith.constant 0 : i32
    %dma_start3A_22 = arith.constant 0 : i32
    %dma_start3A_23 = tpu.memref_slice %arg2[%dma_start3A_21, %dma_start3A_22] : memref<8000x1024xf32, #tpu.memory_space<hbm>> -> memref<8000x1024xf32, #tpu.memory_space<hbm>>
    tpu.enqueue_indirect_dma source(%dma_start3A_23 : memref<8000x1024xf32, #tpu.memory_space<hbm>>) target(%arg9 : memref<8x1024xf32, #tpu.memory_space<vmem>>) offsets(%dma_start3A_20 : memref<8xi32, #tpu.memory_space<vmem>>) semaphore(%arg17 : memref<!tpu.dma_semaphore, #tpu.memory_space<semaphore_mem>>)
    %dma_start3A_24 = arith.constant 32 : i32
    %dma_start3A_25 = tpu.memref_slice %arg5[%dma_start3A_24] : memref<512xi32, #tpu.memory_space<vmem>> -> memref<8xi32, #tpu.memory_space<vmem>>
    %dma_start3A_26 = arith.constant 0 : i32
    %dma_start3A_27 = arith.constant 0 : i32
    %dma_start3A_28 = tpu.memref_slice %arg2[%dma_start3A_26, %dma_start3A_27] : memref<8000x1024xf32, #tpu.memory_space<hbm>> -> memref<8000x1024xf32, #tpu.memory_space<hbm>>
    tpu.enqueue_indirect_dma source(%dma_start3A_28 : memref<8000x1024xf32, #tpu.memory_space<hbm>>) target(%arg10 : memref<8x1024xf32, #tpu.memory_space<vmem>>) offsets(%dma_start3A_25 : memref<8xi32, #tpu.memory_space<vmem>>) semaphore(%arg18 : memref<!tpu.dma_semaphore, #tpu.memory_space<semaphore_mem>>)
    %dma_start3A_29 = arith.constant 40 : i32
    %dma_start3A_30 = tpu.memref_slice %arg5[%dma_start3A_29] : memref<512xi32, #tpu.memory_space<vmem>> -> memref<8xi32, #tpu.memory_space<vmem>>
    %dma_start3A_31 = arith.constant 0 : i32
    %dma_start3A_32 = arith.constant 0 : i32
    %dma_start3A_33 = tpu.memref_slice %arg2[%dma_start3A_31, %dma_start3A_32] : memref<8000x1024xf32, #tpu.memory_space<hbm>> -> memref<8000x1024xf32, #tpu.memory_space<hbm>>
    tpu.enqueue_indirect_dma source(%dma_start3A_33 : memref<8000x1024xf32, #tpu.memory_space<hbm>>) target(%arg11 : memref<8x1024xf32, #tpu.memory_space<vmem>>) offsets(%dma_start3A_30 : memref<8xi32, #tpu.memory_space<vmem>>) semaphore(%arg19 : memref<!tpu.dma_semaphore, #tpu.memory_space<semaphore_mem>>)
    %dma_start3A_34 = arith.constant 48 : i32
    %dma_start3A_35 = tpu.memref_slice %arg5[%dma_start3A_34] : memref<512xi32, #tpu.memory_space<vmem>> -> memref<8xi32, #tpu.memory_space<vmem>>
    %dma_start3A_36 = arith.constant 0 : i32
    %dma_start3A_37 = arith.constant 0 : i32
    %dma_start3A_38 = tpu.memref_slice %arg2[%dma_start3A_36, %dma_start3A_37] : memref<8000x1024xf32, #tpu.memory_space<hbm>> -> memref<8000x1024xf32, #tpu.memory_space<hbm>>
    tpu.enqueue_indirect_dma source(%dma_start3A_38 : memref<8000x1024xf32, #tpu.memory_space<hbm>>) target(%arg12 : memref<8x1024xf32, #tpu.memory_space<vmem>>) offsets(%dma_start3A_35 : memref<8xi32, #tpu.memory_space<vmem>>) semaphore(%arg20 : memref<!tpu.dma_semaphore, #tpu.memory_space<semaphore_mem>>)
    %dma_start3A_39 = arith.constant 56 : i32
    %dma_start3A_40 = tpu.memref_slice %arg5[%dma_start3A_39] : memref<512xi32, #tpu.memory_space<vmem>> -> memref<8xi32, #tpu.memory_space<vmem>>
    %dma_start3A_41 = arith.constant 0 : i32
    %dma_start3A_42 = arith.constant 0 : i32
    %dma_start3A_43 = tpu.memref_slice %arg2[%dma_start3A_41, %dma_start3A_42] : memref<8000x1024xf32, #tpu.memory_space<hbm>> -> memref<8000x1024xf32, #tpu.memory_space<hbm>>
    tpu.enqueue_indirect_dma source(%dma_start3A_43 : memref<8000x1024xf32, #tpu.memory_space<hbm>>) target(%arg13 : memref<8x1024xf32, #tpu.memory_space<vmem>>) offsets(%dma_start3A_40 : memref<8xi32, #tpu.memory_space<vmem>>) semaphore(%arg21 : memref<!tpu.dma_semaphore, #tpu.memory_space<semaphore_mem>>)
    %scan3A = arith.constant 0 : i32
    %scan3A_44 = arith.constant 8 : i32
    %scan3A_45 = arith.addi %scan3A, %scan3A_44 : i32
    %scan3A_46 = arith.constant 1 : i32
    scf.for %scan3A_79 = %scan3A to %scan3A_45 step %scan3A_46  : i32 {
      %mul3A_80 = arith.constant 8 : i32
      %mul3A_81 = arith.muli %scan3A_79, %mul3A_80 : i32
      %add3A_82 = arith.constant 0 : i32
      %add3A_83 = arith.addi %add3A_82, %mul3A_81 : i32
      %add3A_84 = arith.constant 0 : i32
      %add3A_85 = arith.addi %add3A_83, %add3A_84 : i32
      %dma_wait3A_86 = arith.constant 0 : i32
      %dma_wait3A_87 = tpu.memref_slice %arg5[%dma_wait3A_86] : memref<512xi32, #tpu.memory_space<vmem>> -> memref<8xi32, #tpu.memory_space<vmem>>
      %dma_wait3A_88 = arith.constant 0 : i32
      %dma_wait3A_89 = arith.constant 0 : i32
      %dma_wait3A_90 = tpu.memref_slice %arg2[%dma_wait3A_88, %dma_wait3A_89] : memref<8000x1024xf32, #tpu.memory_space<hbm>> -> memref<8000x1024xf32, #tpu.memory_space<hbm>>
      tpu.wait_indirect_dma semaphore(%arg14 : memref<!tpu.dma_semaphore, #tpu.memory_space<semaphore_mem>>) src(%dma_wait3A_90 : memref<8000x1024xf32, #tpu.memory_space<hbm>>) dst(%arg6 : memref<8x1024xf32, #tpu.memory_space<vmem>>)
      %mul3A_91 = arith.constant 8 : i32
      %mul3A_92 = arith.muli %add3A_85, %mul3A_91 : i32
      %add3A_93 = arith.addi %add3A_4, %mul3A_92 : i32
      %dma_start3A_94 = arith.constant 0 : i32
      %dma_start3A_95 = tpu.memref_slice %arg4[%add3A_93, %dma_start3A_94] : memref<32768x1024xf32, #tpu.memory_space<hbm>> -> memref<8x1024xf32, #tpu.memory_space<hbm>>
      %dma_start3A_96 = arith.constant 0 : i32
      %dma_start3A_97 = tpu.memref_slice %arg4[%add3A_93, %dma_start3A_96] : memref<32768x1024xf32, #tpu.memory_space<hbm>> -> memref<8x1024xf32, #tpu.memory_space<hbm>>
      tpu.enqueue_dma source(%arg6 : memref<8x1024xf32, #tpu.memory_space<vmem>>) target(%dma_start3A_97 : memref<8x1024xf32, #tpu.memory_space<hbm>>) target_semaphore(%arg22 : memref<!tpu.dma_semaphore, #tpu.memory_space<semaphore_mem>>)
      %add3A_98 = arith.constant 8 : i32
      %add3A_99 = arith.addi %add3A_85, %add3A_98 : i32
      %lt3A = arith.constant 64 : i32
      %lt3A_100 = arith.cmpi slt, %add3A_99, %lt3A : i32
      %convert_element_type3A = arith.extui %lt3A_100 : i1 to i32
      %cond3A = arith.constant 0 : i32
      %cond3A_101 = arith.cmpi ne, %convert_element_type3A, %cond3A : i32
      scf.if %cond3A_101 {
        %dma_wait3A_249 = arith.constant 0 : i32
        %dma_wait3A_250 = tpu.memref_slice %arg4[%add3A_4, %dma_wait3A_249] : memref<32768x1024xf32, #tpu.memory_space<hbm>> -> memref<8x1024xf32, #tpu.memory_space<hbm>>
        %dma_wait3A_251 = arith.constant 0 : i32
        %dma_wait3A_252 = tpu.memref_slice %arg4[%add3A_4, %dma_wait3A_251] : memref<32768x1024xf32, #tpu.memory_space<hbm>> -> memref<8x1024xf32, #tpu.memory_space<hbm>>
        tpu.wait_dma2 semaphore(%arg22 : memref<!tpu.dma_semaphore, #tpu.memory_space<semaphore_mem>>) src(%arg6 : memref<8x1024xf32, #tpu.memory_space<vmem>>) dst(%dma_wait3A_252 : memref<8x1024xf32, #tpu.memory_space<hbm>>)
        %mul3A_253 = arith.constant 8 : i32
        %mul3A_254 = arith.muli %add3A_99, %mul3A_253 : i32
        %dma_start3A_255 = tpu.memref_slice %arg5[%mul3A_254] : memref<512xi32, #tpu.memory_space<vmem>> -> memref<8xi32, #tpu.memory_space<vmem>>
        %dma_start3A_256 = arith.constant 0 : i32
        %dma_start3A_257 = arith.constant 0 : i32
        %dma_start3A_258 = tpu.memref_slice %arg2[%dma_start3A_256, %dma_start3A_257] : memref<8000x1024xf32, #tpu.memory_space<hbm>> -> memref<8000x1024xf32, #tpu.memory_space<hbm>>
        tpu.enqueue_indirect_dma source(%dma_start3A_258 : memref<8000x1024xf32, #tpu.memory_space<hbm>>) target(%arg6 : memref<8x1024xf32, #tpu.memory_space<vmem>>) offsets(%dma_start3A_255 : memref<8xi32, #tpu.memory_space<vmem>>) semaphore(%arg14 : memref<!tpu.dma_semaphore, #tpu.memory_space<semaphore_mem>>)
      } else {
      }
      %add3A_102 = arith.constant 1 : i32
      %add3A_103 = arith.addi %add3A_83, %add3A_102 : i32
      %dma_wait3A_104 = arith.constant 0 : i32
      %dma_wait3A_105 = tpu.memref_slice %arg5[%dma_wait3A_104] : memref<512xi32, #tpu.memory_space<vmem>> -> memref<8xi32, #tpu.memory_space<vmem>>
      %dma_wait3A_106 = arith.constant 0 : i32
      %dma_wait3A_107 = arith.constant 0 : i32
      %dma_wait3A_108 = tpu.memref_slice %arg2[%dma_wait3A_106, %dma_wait3A_107] : memref<8000x1024xf32, #tpu.memory_space<hbm>> -> memref<8000x1024xf32, #tpu.memory_space<hbm>>
      tpu.wait_indirect_dma semaphore(%arg15 : memref<!tpu.dma_semaphore, #tpu.memory_space<semaphore_mem>>) src(%dma_wait3A_108 : memref<8000x1024xf32, #tpu.memory_space<hbm>>) dst(%arg7 : memref<8x1024xf32, #tpu.memory_space<vmem>>)
      %mul3A_109 = arith.constant 8 : i32
      %mul3A_110 = arith.muli %add3A_103, %mul3A_109 : i32
      %add3A_111 = arith.addi %add3A_4, %mul3A_110 : i32
      %dma_start3A_112 = arith.constant 0 : i32
      %dma_start3A_113 = tpu.memref_slice %arg4[%add3A_111, %dma_start3A_112] : memref<32768x1024xf32, #tpu.memory_space<hbm>> -> memref<8x1024xf32, #tpu.memory_space<hbm>>
      %dma_start3A_114 = arith.constant 0 : i32
      %dma_start3A_115 = tpu.memref_slice %arg4[%add3A_111, %dma_start3A_114] : memref<32768x1024xf32, #tpu.memory_space<hbm>> -> memref<8x1024xf32, #tpu.memory_space<hbm>>
      tpu.enqueue_dma source(%arg7 : memref<8x1024xf32, #tpu.memory_space<vmem>>) target(%dma_start3A_115 : memref<8x1024xf32, #tpu.memory_space<hbm>>) target_semaphore(%arg23 : memref<!tpu.dma_semaphore, #tpu.memory_space<semaphore_mem>>)
      %add3A_116 = arith.constant 8 : i32
      %add3A_117 = arith.addi %add3A_103, %add3A_116 : i32
      %lt3A_118 = arith.constant 64 : i32
      %lt3A_119 = arith.cmpi slt, %add3A_117, %lt3A_118 : i32
      %convert_element_type3A_120 = arith.extui %lt3A_119 : i1 to i32
      %cond3A_121 = arith.constant 0 : i32
      %cond3A_122 = arith.cmpi ne, %convert_element_type3A_120, %cond3A_121 : i32
      scf.if %cond3A_122 {
        %dma_wait3A_249 = arith.constant 0 : i32
        %dma_wait3A_250 = tpu.memref_slice %arg4[%add3A_4, %dma_wait3A_249] : memref<32768x1024xf32, #tpu.memory_space<hbm>> -> memref<8x1024xf32, #tpu.memory_space<hbm>>
        %dma_wait3A_251 = arith.constant 0 : i32
        %dma_wait3A_252 = tpu.memref_slice %arg4[%add3A_4, %dma_wait3A_251] : memref<32768x1024xf32, #tpu.memory_space<hbm>> -> memref<8x1024xf32, #tpu.memory_space<hbm>>
        tpu.wait_dma2 semaphore(%arg23 : memref<!tpu.dma_semaphore, #tpu.memory_space<semaphore_mem>>) src(%arg7 : memref<8x1024xf32, #tpu.memory_space<vmem>>) dst(%dma_wait3A_252 : memref<8x1024xf32, #tpu.memory_space<hbm>>)
        %mul3A_253 = arith.constant 8 : i32
        %mul3A_254 = arith.muli %add3A_117, %mul3A_253 : i32
        %dma_start3A_255 = tpu.memref_slice %arg5[%mul3A_254] : memref<512xi32, #tpu.memory_space<vmem>> -> memref<8xi32, #tpu.memory_space<vmem>>
        %dma_start3A_256 = arith.constant 0 : i32
        %dma_start3A_257 = arith.constant 0 : i32
        %dma_start3A_258 = tpu.memref_slice %arg2[%dma_start3A_256, %dma_start3A_257] : memref<8000x1024xf32, #tpu.memory_space<hbm>> -> memref<8000x1024xf32, #tpu.memory_space<hbm>>
        tpu.enqueue_indirect_dma source(%dma_start3A_258 : memref<8000x1024xf32, #tpu.memory_space<hbm>>) target(%arg7 : memref<8x1024xf32, #tpu.memory_space<vmem>>) offsets(%dma_start3A_255 : memref<8xi32, #tpu.memory_space<vmem>>) semaphore(%arg15 : memref<!tpu.dma_semaphore, #tpu.memory_space<semaphore_mem>>)
      } else {
      }
      %add3A_123 = arith.constant 2 : i32
      %add3A_124 = arith.addi %add3A_83, %add3A_123 : i32
      %dma_wait3A_125 = arith.constant 0 : i32
      %dma_wait3A_126 = tpu.memref_slice %arg5[%dma_wait3A_125] : memref<512xi32, #tpu.memory_space<vmem>> -> memref<8xi32, #tpu.memory_space<vmem>>
      %dma_wait3A_127 = arith.constant 0 : i32
      %dma_wait3A_128 = arith.constant 0 : i32
      %dma_wait3A_129 = tpu.memref_slice %arg2[%dma_wait3A_127, %dma_wait3A_128] : memref<8000x1024xf32, #tpu.memory_space<hbm>> -> memref<8000x1024xf32, #tpu.memory_space<hbm>>
      tpu.wait_indirect_dma semaphore(%arg16 : memref<!tpu.dma_semaphore, #tpu.memory_space<semaphore_mem>>) src(%dma_wait3A_129 : memref<8000x1024xf32, #tpu.memory_space<hbm>>) dst(%arg8 : memref<8x1024xf32, #tpu.memory_space<vmem>>)
      %mul3A_130 = arith.constant 8 : i32
      %mul3A_131 = arith.muli %add3A_124, %mul3A_130 : i32
      %add3A_132 = arith.addi %add3A_4, %mul3A_131 : i32
      %dma_start3A_133 = arith.constant 0 : i32
      %dma_start3A_134 = tpu.memref_slice %arg4[%add3A_132, %dma_start3A_133] : memref<32768x1024xf32, #tpu.memory_space<hbm>> -> memref<8x1024xf32, #tpu.memory_space<hbm>>
      %dma_start3A_135 = arith.constant 0 : i32
      %dma_start3A_136 = tpu.memref_slice %arg4[%add3A_132, %dma_start3A_135] : memref<32768x1024xf32, #tpu.memory_space<hbm>> -> memref<8x1024xf32, #tpu.memory_space<hbm>>
      tpu.enqueue_dma source(%arg8 : memref<8x1024xf32, #tpu.memory_space<vmem>>) target(%dma_start3A_136 : memref<8x1024xf32, #tpu.memory_space<hbm>>) target_semaphore(%arg24 : memref<!tpu.dma_semaphore, #tpu.memory_space<semaphore_mem>>)
      %add3A_137 = arith.constant 8 : i32
      %add3A_138 = arith.addi %add3A_124, %add3A_137 : i32
      %lt3A_139 = arith.constant 64 : i32
      %lt3A_140 = arith.cmpi slt, %add3A_138, %lt3A_139 : i32
      %convert_element_type3A_141 = arith.extui %lt3A_140 : i1 to i32
      %cond3A_142 = arith.constant 0 : i32
      %cond3A_143 = arith.cmpi ne, %convert_element_type3A_141, %cond3A_142 : i32
      scf.if %cond3A_143 {
        %dma_wait3A_249 = arith.constant 0 : i32
        %dma_wait3A_250 = tpu.memref_slice %arg4[%add3A_4, %dma_wait3A_249] : memref<32768x1024xf32, #tpu.memory_space<hbm>> -> memref<8x1024xf32, #tpu.memory_space<hbm>>
        %dma_wait3A_251 = arith.constant 0 : i32
        %dma_wait3A_252 = tpu.memref_slice %arg4[%add3A_4, %dma_wait3A_251] : memref<32768x1024xf32, #tpu.memory_space<hbm>> -> memref<8x1024xf32, #tpu.memory_space<hbm>>
        tpu.wait_dma2 semaphore(%arg24 : memref<!tpu.dma_semaphore, #tpu.memory_space<semaphore_mem>>) src(%arg8 : memref<8x1024xf32, #tpu.memory_space<vmem>>) dst(%dma_wait3A_252 : memref<8x1024xf32, #tpu.memory_space<hbm>>)
        %mul3A_253 = arith.constant 8 : i32
        %mul3A_254 = arith.muli %add3A_138, %mul3A_253 : i32
        %dma_start3A_255 = tpu.memref_slice %arg5[%mul3A_254] : memref<512xi32, #tpu.memory_space<vmem>> -> memref<8xi32, #tpu.memory_space<vmem>>
        %dma_start3A_256 = arith.constant 0 : i32
        %dma_start3A_257 = arith.constant 0 : i32
        %dma_start3A_258 = tpu.memref_slice %arg2[%dma_start3A_256, %dma_start3A_257] : memref<8000x1024xf32, #tpu.memory_space<hbm>> -> memref<8000x1024xf32, #tpu.memory_space<hbm>>
        tpu.enqueue_indirect_dma source(%dma_start3A_258 : memref<8000x1024xf32, #tpu.memory_space<hbm>>) target(%arg8 : memref<8x1024xf32, #tpu.memory_space<vmem>>) offsets(%dma_start3A_255 : memref<8xi32, #tpu.memory_space<vmem>>) semaphore(%arg16 : memref<!tpu.dma_semaphore, #tpu.memory_space<semaphore_mem>>)
      } else {
      }
      %add3A_144 = arith.constant 3 : i32
      %add3A_145 = arith.addi %add3A_83, %add3A_144 : i32
      %dma_wait3A_146 = arith.constant 0 : i32
      %dma_wait3A_147 = tpu.memref_slice %arg5[%dma_wait3A_146] : memref<512xi32, #tpu.memory_space<vmem>> -> memref<8xi32, #tpu.memory_space<vmem>>
      %dma_wait3A_148 = arith.constant 0 : i32
      %dma_wait3A_149 = arith.constant 0 : i32
      %dma_wait3A_150 = tpu.memref_slice %arg2[%dma_wait3A_148, %dma_wait3A_149] : memref<8000x1024xf32, #tpu.memory_space<hbm>> -> memref<8000x1024xf32, #tpu.memory_space<hbm>>
      tpu.wait_indirect_dma semaphore(%arg17 : memref<!tpu.dma_semaphore, #tpu.memory_space<semaphore_mem>>) src(%dma_wait3A_150 : memref<8000x1024xf32, #tpu.memory_space<hbm>>) dst(%arg9 : memref<8x1024xf32, #tpu.memory_space<vmem>>)
      %mul3A_151 = arith.constant 8 : i32
      %mul3A_152 = arith.muli %add3A_145, %mul3A_151 : i32
      %add3A_153 = arith.addi %add3A_4, %mul3A_152 : i32
      %dma_start3A_154 = arith.constant 0 : i32
      %dma_start3A_155 = tpu.memref_slice %arg4[%add3A_153, %dma_start3A_154] : memref<32768x1024xf32, #tpu.memory_space<hbm>> -> memref<8x1024xf32, #tpu.memory_space<hbm>>
      %dma_start3A_156 = arith.constant 0 : i32
      %dma_start3A_157 = tpu.memref_slice %arg4[%add3A_153, %dma_start3A_156] : memref<32768x1024xf32, #tpu.memory_space<hbm>> -> memref<8x1024xf32, #tpu.memory_space<hbm>>
      tpu.enqueue_dma source(%arg9 : memref<8x1024xf32, #tpu.memory_space<vmem>>) target(%dma_start3A_157 : memref<8x1024xf32, #tpu.memory_space<hbm>>) target_semaphore(%arg25 : memref<!tpu.dma_semaphore, #tpu.memory_space<semaphore_mem>>)
      %add3A_158 = arith.constant 8 : i32
      %add3A_159 = arith.addi %add3A_145, %add3A_158 : i32
      %lt3A_160 = arith.constant 64 : i32
      %lt3A_161 = arith.cmpi slt, %add3A_159, %lt3A_160 : i32
      %convert_element_type3A_162 = arith.extui %lt3A_161 : i1 to i32
      %cond3A_163 = arith.constant 0 : i32
      %cond3A_164 = arith.cmpi ne, %convert_element_type3A_162, %cond3A_163 : i32
      scf.if %cond3A_164 {
        %dma_wait3A_249 = arith.constant 0 : i32
        %dma_wait3A_250 = tpu.memref_slice %arg4[%add3A_4, %dma_wait3A_249] : memref<32768x1024xf32, #tpu.memory_space<hbm>> -> memref<8x1024xf32, #tpu.memory_space<hbm>>
        %dma_wait3A_251 = arith.constant 0 : i32
        %dma_wait3A_252 = tpu.memref_slice %arg4[%add3A_4, %dma_wait3A_251] : memref<32768x1024xf32, #tpu.memory_space<hbm>> -> memref<8x1024xf32, #tpu.memory_space<hbm>>
        tpu.wait_dma2 semaphore(%arg25 : memref<!tpu.dma_semaphore, #tpu.memory_space<semaphore_mem>>) src(%arg9 : memref<8x1024xf32, #tpu.memory_space<vmem>>) dst(%dma_wait3A_252 : memref<8x1024xf32, #tpu.memory_space<hbm>>)
        %mul3A_253 = arith.constant 8 : i32
        %mul3A_254 = arith.muli %add3A_159, %mul3A_253 : i32
        %dma_start3A_255 = tpu.memref_slice %arg5[%mul3A_254] : memref<512xi32, #tpu.memory_space<vmem>> -> memref<8xi32, #tpu.memory_space<vmem>>
        %dma_start3A_256 = arith.constant 0 : i32
        %dma_start3A_257 = arith.constant 0 : i32
        %dma_start3A_258 = tpu.memref_slice %arg2[%dma_start3A_256, %dma_start3A_257] : memref<8000x1024xf32, #tpu.memory_space<hbm>> -> memref<8000x1024xf32, #tpu.memory_space<hbm>>
        tpu.enqueue_indirect_dma source(%dma_start3A_258 : memref<8000x1024xf32, #tpu.memory_space<hbm>>) target(%arg9 : memref<8x1024xf32, #tpu.memory_space<vmem>>) offsets(%dma_start3A_255 : memref<8xi32, #tpu.memory_space<vmem>>) semaphore(%arg17 : memref<!tpu.dma_semaphore, #tpu.memory_space<semaphore_mem>>)
      } else {
      }
      %add3A_165 = arith.constant 4 : i32
      %add3A_166 = arith.addi %add3A_83, %add3A_165 : i32
      %dma_wait3A_167 = arith.constant 0 : i32
      %dma_wait3A_168 = tpu.memref_slice %arg5[%dma_wait3A_167] : memref<512xi32, #tpu.memory_space<vmem>> -> memref<8xi32, #tpu.memory_space<vmem>>
      %dma_wait3A_169 = arith.constant 0 : i32
      %dma_wait3A_170 = arith.constant 0 : i32
      %dma_wait3A_171 = tpu.memref_slice %arg2[%dma_wait3A_169, %dma_wait3A_170] : memref<8000x1024xf32, #tpu.memory_space<hbm>> -> memref<8000x1024xf32, #tpu.memory_space<hbm>>
      tpu.wait_indirect_dma semaphore(%arg18 : memref<!tpu.dma_semaphore, #tpu.memory_space<semaphore_mem>>) src(%dma_wait3A_171 : memref<8000x1024xf32, #tpu.memory_space<hbm>>) dst(%arg10 : memref<8x1024xf32, #tpu.memory_space<vmem>>)
      %mul3A_172 = arith.constant 8 : i32
      %mul3A_173 = arith.muli %add3A_166, %mul3A_172 : i32
      %add3A_174 = arith.addi %add3A_4, %mul3A_173 : i32
      %dma_start3A_175 = arith.constant 0 : i32
      %dma_start3A_176 = tpu.memref_slice %arg4[%add3A_174, %dma_start3A_175] : memref<32768x1024xf32, #tpu.memory_space<hbm>> -> memref<8x1024xf32, #tpu.memory_space<hbm>>
      %dma_start3A_177 = arith.constant 0 : i32
      %dma_start3A_178 = tpu.memref_slice %arg4[%add3A_174, %dma_start3A_177] : memref<32768x1024xf32, #tpu.memory_space<hbm>> -> memref<8x1024xf32, #tpu.memory_space<hbm>>
      tpu.enqueue_dma source(%arg10 : memref<8x1024xf32, #tpu.memory_space<vmem>>) target(%dma_start3A_178 : memref<8x1024xf32, #tpu.memory_space<hbm>>) target_semaphore(%arg26 : memref<!tpu.dma_semaphore, #tpu.memory_space<semaphore_mem>>)
      %add3A_179 = arith.constant 8 : i32
      %add3A_180 = arith.addi %add3A_166, %add3A_179 : i32
      %lt3A_181 = arith.constant 64 : i32
      %lt3A_182 = arith.cmpi slt, %add3A_180, %lt3A_181 : i32
      %convert_element_type3A_183 = arith.extui %lt3A_182 : i1 to i32
      %cond3A_184 = arith.constant 0 : i32
      %cond3A_185 = arith.cmpi ne, %convert_element_type3A_183, %cond3A_184 : i32
      scf.if %cond3A_185 {
        %dma_wait3A_249 = arith.constant 0 : i32
        %dma_wait3A_250 = tpu.memref_slice %arg4[%add3A_4, %dma_wait3A_249] : memref<32768x1024xf32, #tpu.memory_space<hbm>> -> memref<8x1024xf32, #tpu.memory_space<hbm>>
        %dma_wait3A_251 = arith.constant 0 : i32
        %dma_wait3A_252 = tpu.memref_slice %arg4[%add3A_4, %dma_wait3A_251] : memref<32768x1024xf32, #tpu.memory_space<hbm>> -> memref<8x1024xf32, #tpu.memory_space<hbm>>
        tpu.wait_dma2 semaphore(%arg26 : memref<!tpu.dma_semaphore, #tpu.memory_space<semaphore_mem>>) src(%arg10 : memref<8x1024xf32, #tpu.memory_space<vmem>>) dst(%dma_wait3A_252 : memref<8x1024xf32, #tpu.memory_space<hbm>>)
        %mul3A_253 = arith.constant 8 : i32
        %mul3A_254 = arith.muli %add3A_180, %mul3A_253 : i32
        %dma_start3A_255 = tpu.memref_slice %arg5[%mul3A_254] : memref<512xi32, #tpu.memory_space<vmem>> -> memref<8xi32, #tpu.memory_space<vmem>>
        %dma_start3A_256 = arith.constant 0 : i32
        %dma_start3A_257 = arith.constant 0 : i32
        %dma_start3A_258 = tpu.memref_slice %arg2[%dma_start3A_256, %dma_start3A_257] : memref<8000x1024xf32, #tpu.memory_space<hbm>> -> memref<8000x1024xf32, #tpu.memory_space<hbm>>
        tpu.enqueue_indirect_dma source(%dma_start3A_258 : memref<8000x1024xf32, #tpu.memory_space<hbm>>) target(%arg10 : memref<8x1024xf32, #tpu.memory_space<vmem>>) offsets(%dma_start3A_255 : memref<8xi32, #tpu.memory_space<vmem>>) semaphore(%arg18 : memref<!tpu.dma_semaphore, #tpu.memory_space<semaphore_mem>>)
      } else {
      }
      %add3A_186 = arith.constant 5 : i32
      %add3A_187 = arith.addi %add3A_83, %add3A_186 : i32
      %dma_wait3A_188 = arith.constant 0 : i32
      %dma_wait3A_189 = tpu.memref_slice %arg5[%dma_wait3A_188] : memref<512xi32, #tpu.memory_space<vmem>> -> memref<8xi32, #tpu.memory_space<vmem>>
      %dma_wait3A_190 = arith.constant 0 : i32
      %dma_wait3A_191 = arith.constant 0 : i32
      %dma_wait3A_192 = tpu.memref_slice %arg2[%dma_wait3A_190, %dma_wait3A_191] : memref<8000x1024xf32, #tpu.memory_space<hbm>> -> memref<8000x1024xf32, #tpu.memory_space<hbm>>
      tpu.wait_indirect_dma semaphore(%arg19 : memref<!tpu.dma_semaphore, #tpu.memory_space<semaphore_mem>>) src(%dma_wait3A_192 : memref<8000x1024xf32, #tpu.memory_space<hbm>>) dst(%arg11 : memref<8x1024xf32, #tpu.memory_space<vmem>>)
      %mul3A_193 = arith.constant 8 : i32
      %mul3A_194 = arith.muli %add3A_187, %mul3A_193 : i32
      %add3A_195 = arith.addi %add3A_4, %mul3A_194 : i32
      %dma_start3A_196 = arith.constant 0 : i32
      %dma_start3A_197 = tpu.memref_slice %arg4[%add3A_195, %dma_start3A_196] : memref<32768x1024xf32, #tpu.memory_space<hbm>> -> memref<8x1024xf32, #tpu.memory_space<hbm>>
      %dma_start3A_198 = arith.constant 0 : i32
      %dma_start3A_199 = tpu.memref_slice %arg4[%add3A_195, %dma_start3A_198] : memref<32768x1024xf32, #tpu.memory_space<hbm>> -> memref<8x1024xf32, #tpu.memory_space<hbm>>
      tpu.enqueue_dma source(%arg11 : memref<8x1024xf32, #tpu.memory_space<vmem>>) target(%dma_start3A_199 : memref<8x1024xf32, #tpu.memory_space<hbm>>) target_semaphore(%arg27 : memref<!tpu.dma_semaphore, #tpu.memory_space<semaphore_mem>>)
      %add3A_200 = arith.constant 8 : i32
      %add3A_201 = arith.addi %add3A_187, %add3A_200 : i32
      %lt3A_202 = arith.constant 64 : i32
      %lt3A_203 = arith.cmpi slt, %add3A_201, %lt3A_202 : i32
      %convert_element_type3A_204 = arith.extui %lt3A_203 : i1 to i32
      %cond3A_205 = arith.constant 0 : i32
      %cond3A_206 = arith.cmpi ne, %convert_element_type3A_204, %cond3A_205 : i32
      scf.if %cond3A_206 {
        %dma_wait3A_249 = arith.constant 0 : i32
        %dma_wait3A_250 = tpu.memref_slice %arg4[%add3A_4, %dma_wait3A_249] : memref<32768x1024xf32, #tpu.memory_space<hbm>> -> memref<8x1024xf32, #tpu.memory_space<hbm>>
        %dma_wait3A_251 = arith.constant 0 : i32
        %dma_wait3A_252 = tpu.memref_slice %arg4[%add3A_4, %dma_wait3A_251] : memref<32768x1024xf32, #tpu.memory_space<hbm>> -> memref<8x1024xf32, #tpu.memory_space<hbm>>
        tpu.wait_dma2 semaphore(%arg27 : memref<!tpu.dma_semaphore, #tpu.memory_space<semaphore_mem>>) src(%arg11 : memref<8x1024xf32, #tpu.memory_space<vmem>>) dst(%dma_wait3A_252 : memref<8x1024xf32, #tpu.memory_space<hbm>>)
        %mul3A_253 = arith.constant 8 : i32
        %mul3A_254 = arith.muli %add3A_201, %mul3A_253 : i32
        %dma_start3A_255 = tpu.memref_slice %arg5[%mul3A_254] : memref<512xi32, #tpu.memory_space<vmem>> -> memref<8xi32, #tpu.memory_space<vmem>>
        %dma_start3A_256 = arith.constant 0 : i32
        %dma_start3A_257 = arith.constant 0 : i32
        %dma_start3A_258 = tpu.memref_slice %arg2[%dma_start3A_256, %dma_start3A_257] : memref<8000x1024xf32, #tpu.memory_space<hbm>> -> memref<8000x1024xf32, #tpu.memory_space<hbm>>
        tpu.enqueue_indirect_dma source(%dma_start3A_258 : memref<8000x1024xf32, #tpu.memory_space<hbm>>) target(%arg11 : memref<8x1024xf32, #tpu.memory_space<vmem>>) offsets(%dma_start3A_255 : memref<8xi32, #tpu.memory_space<vmem>>) semaphore(%arg19 : memref<!tpu.dma_semaphore, #tpu.memory_space<semaphore_mem>>)
      } else {
      }
      %add3A_207 = arith.constant 6 : i32
      %add3A_208 = arith.addi %add3A_83, %add3A_207 : i32
      %dma_wait3A_209 = arith.constant 0 : i32
      %dma_wait3A_210 = tpu.memref_slice %arg5[%dma_wait3A_209] : memref<512xi32, #tpu.memory_space<vmem>> -> memref<8xi32, #tpu.memory_space<vmem>>
      %dma_wait3A_211 = arith.constant 0 : i32
      %dma_wait3A_212 = arith.constant 0 : i32
      %dma_wait3A_213 = tpu.memref_slice %arg2[%dma_wait3A_211, %dma_wait3A_212] : memref<8000x1024xf32, #tpu.memory_space<hbm>> -> memref<8000x1024xf32, #tpu.memory_space<hbm>>
      tpu.wait_indirect_dma semaphore(%arg20 : memref<!tpu.dma_semaphore, #tpu.memory_space<semaphore_mem>>) src(%dma_wait3A_213 : memref<8000x1024xf32, #tpu.memory_space<hbm>>) dst(%arg12 : memref<8x1024xf32, #tpu.memory_space<vmem>>)
      %mul3A_214 = arith.constant 8 : i32
      %mul3A_215 = arith.muli %add3A_208, %mul3A_214 : i32
      %add3A_216 = arith.addi %add3A_4, %mul3A_215 : i32
      %dma_start3A_217 = arith.constant 0 : i32
      %dma_start3A_218 = tpu.memref_slice %arg4[%add3A_216, %dma_start3A_217] : memref<32768x1024xf32, #tpu.memory_space<hbm>> -> memref<8x1024xf32, #tpu.memory_space<hbm>>
      %dma_start3A_219 = arith.constant 0 : i32
      %dma_start3A_220 = tpu.memref_slice %arg4[%add3A_216, %dma_start3A_219] : memref<32768x1024xf32, #tpu.memory_space<hbm>> -> memref<8x1024xf32, #tpu.memory_space<hbm>>
      tpu.enqueue_dma source(%arg12 : memref<8x1024xf32, #tpu.memory_space<vmem>>) target(%dma_start3A_220 : memref<8x1024xf32, #tpu.memory_space<hbm>>) target_semaphore(%arg28 : memref<!tpu.dma_semaphore, #tpu.memory_space<semaphore_mem>>)
      %add3A_221 = arith.constant 8 : i32
      %add3A_222 = arith.addi %add3A_208, %add3A_221 : i32
      %lt3A_223 = arith.constant 64 : i32
      %lt3A_224 = arith.cmpi slt, %add3A_222, %lt3A_223 : i32
      %convert_element_type3A_225 = arith.extui %lt3A_224 : i1 to i32
      %cond3A_226 = arith.constant 0 : i32
      %cond3A_227 = arith.cmpi ne, %convert_element_type3A_225, %cond3A_226 : i32
      scf.if %cond3A_227 {
        %dma_wait3A_249 = arith.constant 0 : i32
        %dma_wait3A_250 = tpu.memref_slice %arg4[%add3A_4, %dma_wait3A_249] : memref<32768x1024xf32, #tpu.memory_space<hbm>> -> memref<8x1024xf32, #tpu.memory_space<hbm>>
        %dma_wait3A_251 = arith.constant 0 : i32
        %dma_wait3A_252 = tpu.memref_slice %arg4[%add3A_4, %dma_wait3A_251] : memref<32768x1024xf32, #tpu.memory_space<hbm>> -> memref<8x1024xf32, #tpu.memory_space<hbm>>
        tpu.wait_dma2 semaphore(%arg28 : memref<!tpu.dma_semaphore, #tpu.memory_space<semaphore_mem>>) src(%arg12 : memref<8x1024xf32, #tpu.memory_space<vmem>>) dst(%dma_wait3A_252 : memref<8x1024xf32, #tpu.memory_space<hbm>>)
        %mul3A_253 = arith.constant 8 : i32
        %mul3A_254 = arith.muli %add3A_222, %mul3A_253 : i32
        %dma_start3A_255 = tpu.memref_slice %arg5[%mul3A_254] : memref<512xi32, #tpu.memory_space<vmem>> -> memref<8xi32, #tpu.memory_space<vmem>>
        %dma_start3A_256 = arith.constant 0 : i32
        %dma_start3A_257 = arith.constant 0 : i32
        %dma_start3A_258 = tpu.memref_slice %arg2[%dma_start3A_256, %dma_start3A_257] : memref<8000x1024xf32, #tpu.memory_space<hbm>> -> memref<8000x1024xf32, #tpu.memory_space<hbm>>
        tpu.enqueue_indirect_dma source(%dma_start3A_258 : memref<8000x1024xf32, #tpu.memory_space<hbm>>) target(%arg12 : memref<8x1024xf32, #tpu.memory_space<vmem>>) offsets(%dma_start3A_255 : memref<8xi32, #tpu.memory_space<vmem>>) semaphore(%arg20 : memref<!tpu.dma_semaphore, #tpu.memory_space<semaphore_mem>>)
      } else {
      }
      %add3A_228 = arith.constant 7 : i32
      %add3A_229 = arith.addi %add3A_83, %add3A_228 : i32
      %dma_wait3A_230 = arith.constant 0 : i32
      %dma_wait3A_231 = tpu.memref_slice %arg5[%dma_wait3A_230] : memref<512xi32, #tpu.memory_space<vmem>> -> memref<8xi32, #tpu.memory_space<vmem>>
      %dma_wait3A_232 = arith.constant 0 : i32
      %dma_wait3A_233 = arith.constant 0 : i32
      %dma_wait3A_234 = tpu.memref_slice %arg2[%dma_wait3A_232, %dma_wait3A_233] : memref<8000x1024xf32, #tpu.memory_space<hbm>> -> memref<8000x1024xf32, #tpu.memory_space<hbm>>
      tpu.wait_indirect_dma semaphore(%arg21 : memref<!tpu.dma_semaphore, #tpu.memory_space<semaphore_mem>>) src(%dma_wait3A_234 : memref<8000x1024xf32, #tpu.memory_space<hbm>>) dst(%arg13 : memref<8x1024xf32, #tpu.memory_space<vmem>>)
      %mul3A_235 = arith.constant 8 : i32
      %mul3A_236 = arith.muli %add3A_229, %mul3A_235 : i32
      %add3A_237 = arith.addi %add3A_4, %mul3A_236 : i32
      %dma_start3A_238 = arith.constant 0 : i32
      %dma_start3A_239 = tpu.memref_slice %arg4[%add3A_237, %dma_start3A_238] : memref<32768x1024xf32, #tpu.memory_space<hbm>> -> memref<8x1024xf32, #tpu.memory_space<hbm>>
      %dma_start3A_240 = arith.constant 0 : i32
      %dma_start3A_241 = tpu.memref_slice %arg4[%add3A_237, %dma_start3A_240] : memref<32768x1024xf32, #tpu.memory_space<hbm>> -> memref<8x1024xf32, #tpu.memory_space<hbm>>
      tpu.enqueue_dma source(%arg13 : memref<8x1024xf32, #tpu.memory_space<vmem>>) target(%dma_start3A_241 : memref<8x1024xf32, #tpu.memory_space<hbm>>) target_semaphore(%arg29 : memref<!tpu.dma_semaphore, #tpu.memory_space<semaphore_mem>>)
      %add3A_242 = arith.constant 8 : i32
      %add3A_243 = arith.addi %add3A_229, %add3A_242 : i32
      %lt3A_244 = arith.constant 64 : i32
      %lt3A_245 = arith.cmpi slt, %add3A_243, %lt3A_244 : i32
      %convert_element_type3A_246 = arith.extui %lt3A_245 : i1 to i32
      %cond3A_247 = arith.constant 0 : i32
      %cond3A_248 = arith.cmpi ne, %convert_element_type3A_246, %cond3A_247 : i32
      scf.if %cond3A_248 {
        %dma_wait3A_249 = arith.constant 0 : i32
        %dma_wait3A_250 = tpu.memref_slice %arg4[%add3A_4, %dma_wait3A_249] : memref<32768x1024xf32, #tpu.memory_space<hbm>> -> memref<8x1024xf32, #tpu.memory_space<hbm>>
        %dma_wait3A_251 = arith.constant 0 : i32
        %dma_wait3A_252 = tpu.memref_slice %arg4[%add3A_4, %dma_wait3A_251] : memref<32768x1024xf32, #tpu.memory_space<hbm>> -> memref<8x1024xf32, #tpu.memory_space<hbm>>
        tpu.wait_dma2 semaphore(%arg29 : memref<!tpu.dma_semaphore, #tpu.memory_space<semaphore_mem>>) src(%arg13 : memref<8x1024xf32, #tpu.memory_space<vmem>>) dst(%dma_wait3A_252 : memref<8x1024xf32, #tpu.memory_space<hbm>>)
        %mul3A_253 = arith.constant 8 : i32
        %mul3A_254 = arith.muli %add3A_243, %mul3A_253 : i32
        %dma_start3A_255 = tpu.memref_slice %arg5[%mul3A_254] : memref<512xi32, #tpu.memory_space<vmem>> -> memref<8xi32, #tpu.memory_space<vmem>>
        %dma_start3A_256 = arith.constant 0 : i32
        %dma_start3A_257 = arith.constant 0 : i32
        %dma_start3A_258 = tpu.memref_slice %arg2[%dma_start3A_256, %dma_start3A_257] : memref<8000x1024xf32, #tpu.memory_space<hbm>> -> memref<8000x1024xf32, #tpu.memory_space<hbm>>
        tpu.enqueue_indirect_dma source(%dma_start3A_258 : memref<8000x1024xf32, #tpu.memory_space<hbm>>) target(%arg13 : memref<8x1024xf32, #tpu.memory_space<vmem>>) offsets(%dma_start3A_255 : memref<8xi32, #tpu.memory_space<vmem>>) semaphore(%arg21 : memref<!tpu.dma_semaphore, #tpu.memory_space<semaphore_mem>>)
      } else {
      }
    }
    %scan3A_47 = arith.constant 8 : i32
    %dma_wait3A = arith.constant 0 : i32
    %dma_wait3A_48 = tpu.memref_slice %arg4[%add3A_4, %dma_wait3A] : memref<32768x1024xf32, #tpu.memory_space<hbm>> -> memref<8x1024xf32, #tpu.memory_space<hbm>>
    %dma_wait3A_49 = arith.constant 0 : i32
    %dma_wait3A_50 = tpu.memref_slice %arg4[%add3A_4, %dma_wait3A_49] : memref<32768x1024xf32, #tpu.memory_space<hbm>> -> memref<8x1024xf32, #tpu.memory_space<hbm>>
    tpu.wait_dma2 semaphore(%arg22 : memref<!tpu.dma_semaphore, #tpu.memory_space<semaphore_mem>>) src(%arg6 : memref<8x1024xf32, #tpu.memory_space<vmem>>) dst(%dma_wait3A_50 : memref<8x1024xf32, #tpu.memory_space<hbm>>)
    %dma_wait3A_51 = arith.constant 0 : i32
    %dma_wait3A_52 = tpu.memref_slice %arg4[%add3A_4, %dma_wait3A_51] : memref<32768x1024xf32, #tpu.memory_space<hbm>> -> memref<8x1024xf32, #tpu.memory_space<hbm>>
    %dma_wait3A_53 = arith.constant 0 : i32
    %dma_wait3A_54 = tpu.memref_slice %arg4[%add3A_4, %dma_wait3A_53] : memref<32768x1024xf32, #tpu.memory_space<hbm>> -> memref<8x1024xf32, #tpu.memory_space<hbm>>
    tpu.wait_dma2 semaphore(%arg23 : memref<!tpu.dma_semaphore, #tpu.memory_space<semaphore_mem>>) src(%arg7 : memref<8x1024xf32, #tpu.memory_space<vmem>>) dst(%dma_wait3A_54 : memref<8x1024xf32, #tpu.memory_space<hbm>>)
    %dma_wait3A_55 = arith.constant 0 : i32
    %dma_wait3A_56 = tpu.memref_slice %arg4[%add3A_4, %dma_wait3A_55] : memref<32768x1024xf32, #tpu.memory_space<hbm>> -> memref<8x1024xf32, #tpu.memory_space<hbm>>
    %dma_wait3A_57 = arith.constant 0 : i32
    %dma_wait3A_58 = tpu.memref_slice %arg4[%add3A_4, %dma_wait3A_57] : memref<32768x1024xf32, #tpu.memory_space<hbm>> -> memref<8x1024xf32, #tpu.memory_space<hbm>>
    tpu.wait_dma2 semaphore(%arg24 : memref<!tpu.dma_semaphore, #tpu.memory_space<semaphore_mem>>) src(%arg8 : memref<8x1024xf32, #tpu.memory_space<vmem>>) dst(%dma_wait3A_58 : memref<8x1024xf32, #tpu.memory_space<hbm>>)
    %dma_wait3A_59 = arith.constant 0 : i32
    %dma_wait3A_60 = tpu.memref_slice %arg4[%add3A_4, %dma_wait3A_59] : memref<32768x1024xf32, #tpu.memory_space<hbm>> -> memref<8x1024xf32, #tpu.memory_space<hbm>>
    %dma_wait3A_61 = arith.constant 0 : i32
    %dma_wait3A_62 = tpu.memref_slice %arg4[%add3A_4, %dma_wait3A_61] : memref<32768x1024xf32, #tpu.memory_space<hbm>> -> memref<8x1024xf32, #tpu.memory_space<hbm>>
    tpu.wait_dma2 semaphore(%arg25 : memref<!tpu.dma_semaphore, #tpu.memory_space<semaphore_mem>>) src(%arg9 : memref<8x1024xf32, #tpu.memory_space<vmem>>) dst(%dma_wait3A_62 : memref<8x1024xf32, #tpu.memory_space<hbm>>)
    %dma_wait3A_63 = arith.constant 0 : i32
    %dma_wait3A_64 = tpu.memref_slice %arg4[%add3A_4, %dma_wait3A_63] : memref<32768x1024xf32, #tpu.memory_space<hbm>> -> memref<8x1024xf32, #tpu.memory_space<hbm>>
    %dma_wait3A_65 = arith.constant 0 : i32
    %dma_wait3A_66 = tpu.memref_slice %arg4[%add3A_4, %dma_wait3A_65] : memref<32768x1024xf32, #tpu.memory_space<hbm>> -> memref<8x1024xf32, #tpu.memory_space<hbm>>
    tpu.wait_dma2 semaphore(%arg26 : memref<!tpu.dma_semaphore, #tpu.memory_space<semaphore_mem>>) src(%arg10 : memref<8x1024xf32, #tpu.memory_space<vmem>>) dst(%dma_wait3A_66 : memref<8x1024xf32, #tpu.memory_space<hbm>>)
    %dma_wait3A_67 = arith.constant 0 : i32
    %dma_wait3A_68 = tpu.memref_slice %arg4[%add3A_4, %dma_wait3A_67] : memref<32768x1024xf32, #tpu.memory_space<hbm>> -> memref<8x1024xf32, #tpu.memory_space<hbm>>
    %dma_wait3A_69 = arith.constant 0 : i32
    %dma_wait3A_70 = tpu.memref_slice %arg4[%add3A_4, %dma_wait3A_69] : memref<32768x1024xf32, #tpu.memory_space<hbm>> -> memref<8x1024xf32, #tpu.memory_space<hbm>>
    tpu.wait_dma2 semaphore(%arg27 : memref<!tpu.dma_semaphore, #tpu.memory_space<semaphore_mem>>) src(%arg11 : memref<8x1024xf32, #tpu.memory_space<vmem>>) dst(%dma_wait3A_70 : memref<8x1024xf32, #tpu.memory_space<hbm>>)
    %dma_wait3A_71 = arith.constant 0 : i32
    %dma_wait3A_72 = tpu.memref_slice %arg4[%add3A_4, %dma_wait3A_71] : memref<32768x1024xf32, #tpu.memory_space<hbm>> -> memref<8x1024xf32, #tpu.memory_space<hbm>>
    %dma_wait3A_73 = arith.constant 0 : i32
    %dma_wait3A_74 = tpu.memref_slice %arg4[%add3A_4, %dma_wait3A_73] : memref<32768x1024xf32, #tpu.memory_space<hbm>> -> memref<8x1024xf32, #tpu.memory_space<hbm>>
    tpu.wait_dma2 semaphore(%arg28 : memref<!tpu.dma_semaphore, #tpu.memory_space<semaphore_mem>>) src(%arg12 : memref<8x1024xf32, #tpu.memory_space<vmem>>) dst(%dma_wait3A_74 : memref<8x1024xf32, #tpu.memory_space<hbm>>)
    %dma_wait3A_75 = arith.constant 0 : i32
    %dma_wait3A_76 = tpu.memref_slice %arg4[%add3A_4, %dma_wait3A_75] : memref<32768x1024xf32, #tpu.memory_space<hbm>> -> memref<8x1024xf32, #tpu.memory_space<hbm>>
    %dma_wait3A_77 = arith.constant 0 : i32
    %dma_wait3A_78 = tpu.memref_slice %arg4[%add3A_4, %dma_wait3A_77] : memref<32768x1024xf32, #tpu.memory_space<hbm>> -> memref<8x1024xf32, #tpu.memory_space<hbm>>
    tpu.wait_dma2 semaphore(%arg29 : memref<!tpu.dma_semaphore, #tpu.memory_space<semaphore_mem>>) src(%arg13 : memref<8x1024xf32, #tpu.memory_space<vmem>>) dst(%dma_wait3A_78 : memref<8x1024xf32, #tpu.memory_space<hbm>>)
    return
  }
}

module attributes {stable_mosaic.version = 14 : i64} {
  func.func @_topk_body(%arg0: i32, %arg1: memref<256x2048xf32, #tpu.memory_space<vmem>>, %arg2: memref<1000x2048xf32, #tpu.memory_space<vmem>>, %arg3: memref<256x4xf32, #tpu.memory_space<vmem>>, %arg4: memref<256x32xi32, #tpu.memory_space<vmem>>, %arg5: memref<1x1xf32, #tpu.memory_space<vmem>>) attributes {dimension_semantics = [#tpu.dimension_semantics<arbitrary>], iteration_bounds = array<i64: 2>, scalar_prefetch = 0 : i64, scratch_operands = 0 : i64, tpu.core_type = #tpu.core_type<tc>, window_params = [{transform_indices = @transform_0, window_bounds = array<i64: 256, 2048>}, {pipeline_mode = #tpu.pipeline_mode<synchronous>, transform_indices = @transform_1, window_bounds = array<i64: 1000, 2048>}, {transform_indices = @transform_2, window_bounds = array<i64: 256, 4>}, {transform_indices = @transform_3, window_bounds = array<i64: 256, 32>}, {pipeline_mode = #tpu.pipeline_mode<synchronous>, transform_indices = @transform_4, window_bounds = array<i64: 1, 1>}]} {
    %get3A = arith.constant 0 : index
    %get3A_0 = arith.constant 0 : index
    %get3A_1 = vector.load %arg1[%get3A, %get3A_0] : memref<256x2048xf32, #tpu.memory_space<vmem>>, vector<256x2048xf32>
    %get3A_2 = arith.constant 0 : index
    %get3A_3 = arith.constant 0 : index
    %get3A_4 = vector.load %arg2[%get3A_2, %get3A_3] : memref<1000x2048xf32, #tpu.memory_space<vmem>>, vector<1000x2048xf32>
    %mul3A = arith.mulf %get3A_1, %get3A_1 : vector<256x2048xf32>
    %reduce_sum3A = arith.constant dense<0.000000e+00> : vector<256xf32>
    %reduce_sum3A_5 = vector.multi_reduction <add>, %mul3A, %reduce_sum3A [1] : vector<256x2048xf32> to vector<256xf32>
    %broadcast_in_dim3A = vector.shape_cast %reduce_sum3A_5 : vector<256xf32> to vector<256x1xf32>
    %sqrt3A = math.sqrt %broadcast_in_dim3A : vector<256x1xf32>
    %mul3A_6 = arith.mulf %get3A_4, %get3A_4 : vector<1000x2048xf32>
    %reduce_sum3A_7 = arith.constant dense<0.000000e+00> : vector<1000xf32>
    %reduce_sum3A_8 = vector.multi_reduction <add>, %mul3A_6, %reduce_sum3A_7 [1] : vector<1000x2048xf32> to vector<1000xf32>
    %broadcast_in_dim3A_9 = vector.shape_cast %reduce_sum3A_8 : vector<1000xf32> to vector<1000x1xf32>
    %sqrt3A_10 = math.sqrt %broadcast_in_dim3A_9 : vector<1000x1xf32>
    %mul3A_11 = arith.mulf %get3A_4, %get3A_4 : vector<1000x2048xf32>
    %reduce_sum3A_12 = arith.constant dense<0.000000e+00> : vector<1000xf32>
    %reduce_sum3A_13 = vector.multi_reduction <add>, %mul3A_11, %reduce_sum3A_12 [1] : vector<1000x2048xf32> to vector<1000xf32>
    %sqrt3A_14 = math.sqrt %reduce_sum3A_13 : vector<1000xf32>
    %broadcast_in_dim3A_15 = vector.shape_cast %sqrt3A_14 : vector<1000xf32> to vector<1x1000xf32>
    %dot_general3A = arith.constant dense<0.000000e+00> : vector<256x1000xf32>
    %dot_general3A_16 = tpu.matmul %get3A_1, %get3A_4, %dot_general3A {dimension_numbers = #tpu.dot_dimension_numbers<[1], [1], [0], [0], [0, 0, 1, 0], [], []>, transpose_lhs_hint = false} : vector<256x2048xf32>, vector<1000x2048xf32>, vector<256x1000xf32> -> vector<256x1000xf32>
    %mul3A_17 = vector.broadcast %sqrt3A : vector<256x1xf32> to vector<256x1000xf32>
    %mul3A_18 = vector.broadcast %broadcast_in_dim3A_15 : vector<1x1000xf32> to vector<256x1000xf32>
    %mul3A_19 = arith.mulf %mul3A_17, %mul3A_18 : vector<256x1000xf32>
    %max3A = arith.constant 9.99999993E-9 : f32
    %max3A_20 = vector.broadcast %max3A : f32 to vector<256x1000xf32>
    %max3A_21 = arith.maximumf %mul3A_19, %max3A_20 : vector<256x1000xf32>
    %div3A = arith.divf %dot_general3A_16, %max3A_21 : vector<256x1000xf32>
    %max3A_22 = arith.constant 9.99999996E-13 : f32
    %max3A_23 = vector.broadcast %max3A_22 : f32 to vector<256x1xf32>
    %max3A_24 = arith.maximumf %sqrt3A, %max3A_23 : vector<256x1xf32>
    %div3A_25 = vector.broadcast %max3A_24 : vector<256x1xf32> to vector<256x2048xf32>
    %div3A_26 = arith.divf %get3A_1, %div3A_25 : vector<256x2048xf32>
    %max3A_27 = arith.constant 9.99999996E-13 : f32
    %max3A_28 = vector.broadcast %max3A_27 : f32 to vector<1000x1xf32>
    %max3A_29 = arith.maximumf %sqrt3A_10, %max3A_28 : vector<1000x1xf32>
    %div3A_30 = vector.broadcast %max3A_29 : vector<1000x1xf32> to vector<1000x2048xf32>
    %div3A_31 = arith.divf %get3A_4, %div3A_30 : vector<1000x2048xf32>
    %dot_general3A_32 = arith.constant dense<0.000000e+00> : vector<256x1000xf32>
    %dot_general3A_33 = tpu.matmul %div3A_26, %div3A_31, %dot_general3A_32 {dimension_numbers = #tpu.dot_dimension_numbers<[1], [1], [0], [0], [0, 0, 1, 0], [], []>, transpose_lhs_hint = false} : vector<256x2048xf32>, vector<1000x2048xf32>, vector<256x1000xf32> -> vector<256x1000xf32>
    %reduce_sum3A_34 = vector.shape_cast %dot_general3A_33 : vector<256x1000xf32> to vector<1x256x1000xf32>
    %reduce_sum3A_35 = arith.constant dense<0.000000e+00> : vector<1xf32>
    %reduce_sum3A_36 = vector.multi_reduction <add>, %reduce_sum3A_34, %reduce_sum3A_35 [1, 2] : vector<1x256x1000xf32> to vector<1xf32>
    %reduce_sum3A_37 = vector.shape_cast %reduce_sum3A_36 : vector<1xf32> to vector<1x1x1xf32>
    %reduce_sum3A_38 = vector.extract %reduce_sum3A_37[0, 0, 0] : f32 from vector<1x1x1xf32>
    %neg3A = arith.constant 0.000000e+00 : f32
    %neg3A_39 = arith.subf %neg3A, %reduce_sum3A_38 : f32
    %div3A_40 = arith.constant 1.024000e+06 : f32
    %div3A_41 = arith.divf %neg3A_39, %div3A_40 : f32
    %broadcast_in_dim3A_42 = vector.broadcast %div3A_41 : f32 to vector<1x1xf32>
    %eq3A = arith.constant 0 : i32
    %eq3A_43 = arith.cmpi eq, %arg0, %eq3A : i32
    %convert_element_type3A = arith.extui %eq3A_43 : i1 to i32
    %cond3A = arith.constant 0 : i32
    %cond3A_44 = arith.cmpi ne, %convert_element_type3A, %cond3A : i32
    scf.if %cond3A_44 {
      %broadcast_in_dim3A_150 = arith.constant 0.000000e+00 : f32
      %broadcast_in_dim3A_151 = vector.broadcast %broadcast_in_dim3A_150 : f32 to vector<1x1xf32>
      %swap3A_152 = arith.constant 0 : index
      %swap3A_153 = arith.constant 0 : index
      %swap3A_154 = vector.load %arg5[%swap3A_152, %swap3A_153] : memref<1x1xf32, #tpu.memory_space<vmem>>, vector<1x1xf32>
      tpu.vector_store %arg5[%swap3A_152, %swap3A_153], %broadcast_in_dim3A_151 {strides = array<i32>} : memref<1x1xf32, #tpu.memory_space<vmem>>, vector<1x1xf32>,
    } else {
    }
    %get3A_45 = arith.constant 0 : index
    %get3A_46 = arith.constant 0 : index
    %get3A_47 = vector.load %arg5[%get3A_45, %get3A_46] : memref<1x1xf32, #tpu.memory_space<vmem>>, vector<1x1xf32>
    %add3A = arith.addf %get3A_47, %broadcast_in_dim3A_42 : vector<1x1xf32>
    %swap3A = arith.constant 0 : index
    %swap3A_48 = arith.constant 0 : index
    %swap3A_49 = vector.load %arg5[%swap3A, %swap3A_48] : memref<1x1xf32, #tpu.memory_space<vmem>>, vector<1x1xf32>
    tpu.vector_store %arg5[%swap3A, %swap3A_48], %add3A {strides = array<i32>} : memref<1x1xf32, #tpu.memory_space<vmem>>, vector<1x1xf32>,
    %iota3A = tpu.iota {dimensions = array<i32: 1>} : vector<256x1000xi32>
    %iota3A_50 = tpu.iota {dimensions = array<i32: 1>} : vector<256x8xi32>
    %reduce_max3A = arith.constant dense<0xFF800000> : vector<256xf32>
    %reduce_max3A_51 = vector.multi_reduction <maximumf>, %div3A, %reduce_max3A [1] : vector<256x1000xf32> to vector<256xf32>
    %broadcast_in_dim3A_52 = vector.shape_cast %reduce_max3A_51 : vector<256xf32> to vector<256x1xf32>
    %eq3A_53 = vector.broadcast %broadcast_in_dim3A_52 : vector<256x1xf32> to vector<256x1000xf32>
    %eq3A_54 = arith.cmpf oeq, %div3A, %eq3A_53 : vector<256x1000xf32>
    %jit3A = arith.constant 1073741824 : i32
    %broadcast_in_dim3A_55 = vector.broadcast %jit3A : i32 to vector<256x1000xi32>
    %select_n3A = arith.select %eq3A_54, %iota3A, %broadcast_in_dim3A_55 : vector<256x1000xi1>, vector<256x1000xi32>
    %reduce_min3A = arith.constant dense<2147483647> : vector<256xi32>
    %reduce_min3A_56 = vector.multi_reduction <minsi>, %select_n3A, %reduce_min3A [1] : vector<256x1000xi32> to vector<256xi32>
    %broadcast_in_dim3A_57 = vector.shape_cast %reduce_min3A_56 : vector<256xi32> to vector<256x1xi32>
    %swap3A_58 = arith.constant 0 : index
    %swap3A_59 = arith.constant 0 : index
    %swap3A_60 = vector.load %arg3[%swap3A_58, %swap3A_59] : memref<256x4xf32, #tpu.memory_space<vmem>>, vector<256x1xf32>
    tpu.vector_store %arg3[%swap3A_58, %swap3A_59], %broadcast_in_dim3A_52 {strides = array<i32>} : memref<256x4xf32, #tpu.memory_space<vmem>>, vector<256x1xf32>,
    %mul3A_61 = arith.constant 8 : i32
    %mul3A_62 = vector.broadcast %mul3A_61 : i32 to vector<256x1xi32>
    %mul3A_63 = arith.muli %broadcast_in_dim3A_57, %mul3A_62 : vector<256x1xi32>
    %add3A_64 = vector.broadcast %mul3A_63 : vector<256x1xi32> to vector<256x8xi32>
    %add3A_65 = arith.addi %add3A_64, %iota3A_50 : vector<256x8xi32>
    %swap3A_66 = arith.constant 0 : index
    %swap3A_67 = arith.constant 0 : index
    %swap3A_68 = vector.load %arg4[%swap3A_66, %swap3A_67] : memref<256x32xi32, #tpu.memory_space<vmem>>, vector<256x8xi32>
    tpu.vector_store %arg4[%swap3A_66, %swap3A_67], %add3A_65 {strides = array<i32>} : memref<256x32xi32, #tpu.memory_space<vmem>>, vector<256x8xi32>,
    %eq3A_69 = vector.broadcast %broadcast_in_dim3A_57 : vector<256x1xi32> to vector<256x1000xi32>
    %eq3A_70 = arith.cmpi eq, %iota3A, %eq3A_69 : vector<256x1000xi32>
    %jit3A_71 = arith.constant -3.000000e+00 : f32
    %broadcast_in_dim3A_72 = vector.broadcast %jit3A_71 : f32 to vector<256x1000xf32>
    %select_n3A_73 = arith.select %eq3A_70, %broadcast_in_dim3A_72, %div3A : vector<256x1000xi1>, vector<256x1000xf32>
    %reduce_max3A_74 = arith.constant dense<0xFF800000> : vector<256xf32>
    %reduce_max3A_75 = vector.multi_reduction <maximumf>, %select_n3A_73, %reduce_max3A_74 [1] : vector<256x1000xf32> to vector<256xf32>
    %broadcast_in_dim3A_76 = vector.shape_cast %reduce_max3A_75 : vector<256xf32> to vector<256x1xf32>
    %eq3A_77 = vector.broadcast %broadcast_in_dim3A_76 : vector<256x1xf32> to vector<256x1000xf32>
    %eq3A_78 = arith.cmpf oeq, %select_n3A_73, %eq3A_77 : vector<256x1000xf32>
    %jit3A_79 = arith.constant 1073741824 : i32
    %broadcast_in_dim3A_80 = vector.broadcast %jit3A_79 : i32 to vector<256x1000xi32>
    %select_n3A_81 = arith.select %eq3A_78, %iota3A, %broadcast_in_dim3A_80 : vector<256x1000xi1>, vector<256x1000xi32>
    %reduce_min3A_82 = arith.constant dense<2147483647> : vector<256xi32>
    %reduce_min3A_83 = vector.multi_reduction <minsi>, %select_n3A_81, %reduce_min3A_82 [1] : vector<256x1000xi32> to vector<256xi32>
    %broadcast_in_dim3A_84 = vector.shape_cast %reduce_min3A_83 : vector<256xi32> to vector<256x1xi32>
    %swap3A_85 = arith.constant 0 : index
    %swap3A_86 = arith.constant 1 : index
    %swap3A_87 = vector.load %arg3[%swap3A_85, %swap3A_86] : memref<256x4xf32, #tpu.memory_space<vmem>>, vector<256x1xf32>
    tpu.vector_store %arg3[%swap3A_85, %swap3A_86], %broadcast_in_dim3A_76 {strides = array<i32>} : memref<256x4xf32, #tpu.memory_space<vmem>>, vector<256x1xf32>,
    %mul3A_88 = arith.constant 8 : i32
    %mul3A_89 = vector.broadcast %mul3A_88 : i32 to vector<256x1xi32>
    %mul3A_90 = arith.muli %broadcast_in_dim3A_84, %mul3A_89 : vector<256x1xi32>
    %add3A_91 = vector.broadcast %mul3A_90 : vector<256x1xi32> to vector<256x8xi32>
    %add3A_92 = arith.addi %add3A_91, %iota3A_50 : vector<256x8xi32>
    %swap3A_93 = arith.constant 0 : index
    %swap3A_94 = arith.constant 8 : index
    %swap3A_95 = vector.load %arg4[%swap3A_93, %swap3A_94] : memref<256x32xi32, #tpu.memory_space<vmem>>, vector<256x8xi32>
    tpu.vector_store %arg4[%swap3A_93, %swap3A_94], %add3A_92 {strides = array<i32>} : memref<256x32xi32, #tpu.memory_space<vmem>>, vector<256x8xi32>,
    %eq3A_96 = vector.broadcast %broadcast_in_dim3A_84 : vector<256x1xi32> to vector<256x1000xi32>
    %eq3A_97 = arith.cmpi eq, %iota3A, %eq3A_96 : vector<256x1000xi32>
    %jit3A_98 = arith.constant -3.000000e+00 : f32
    %broadcast_in_dim3A_99 = vector.broadcast %jit3A_98 : f32 to vector<256x1000xf32>
    %select_n3A_100 = arith.select %eq3A_97, %broadcast_in_dim3A_99, %select_n3A_73 : vector<256x1000xi1>, vector<256x1000xf32>
    %reduce_max3A_101 = arith.constant dense<0xFF800000> : vector<256xf32>
    %reduce_max3A_102 = vector.multi_reduction <maximumf>, %select_n3A_100, %reduce_max3A_101 [1] : vector<256x1000xf32> to vector<256xf32>
    %broadcast_in_dim3A_103 = vector.shape_cast %reduce_max3A_102 : vector<256xf32> to vector<256x1xf32>
    %eq3A_104 = vector.broadcast %broadcast_in_dim3A_103 : vector<256x1xf32> to vector<256x1000xf32>
    %eq3A_105 = arith.cmpf oeq, %select_n3A_100, %eq3A_104 : vector<256x1000xf32>
    %jit3A_106 = arith.constant 1073741824 : i32
    %broadcast_in_dim3A_107 = vector.broadcast %jit3A_106 : i32 to vector<256x1000xi32>
    %select_n3A_108 = arith.select %eq3A_105, %iota3A, %broadcast_in_dim3A_107 : vector<256x1000xi1>, vector<256x1000xi32>
    %reduce_min3A_109 = arith.constant dense<2147483647> : vector<256xi32>
    %reduce_min3A_110 = vector.multi_reduction <minsi>, %select_n3A_108, %reduce_min3A_109 [1] : vector<256x1000xi32> to vector<256xi32>
    %broadcast_in_dim3A_111 = vector.shape_cast %reduce_min3A_110 : vector<256xi32> to vector<256x1xi32>
    %swap3A_112 = arith.constant 0 : index
    %swap3A_113 = arith.constant 2 : index
    %swap3A_114 = vector.load %arg3[%swap3A_112, %swap3A_113] : memref<256x4xf32, #tpu.memory_space<vmem>>, vector<256x1xf32>
    tpu.vector_store %arg3[%swap3A_112, %swap3A_113], %broadcast_in_dim3A_103 {strides = array<i32>} : memref<256x4xf32, #tpu.memory_space<vmem>>, vector<256x1xf32>,
    %mul3A_115 = arith.constant 8 : i32
    %mul3A_116 = vector.broadcast %mul3A_115 : i32 to vector<256x1xi32>
    %mul3A_117 = arith.muli %broadcast_in_dim3A_111, %mul3A_116 : vector<256x1xi32>
    %add3A_118 = vector.broadcast %mul3A_117 : vector<256x1xi32> to vector<256x8xi32>
    %add3A_119 = arith.addi %add3A_118, %iota3A_50 : vector<256x8xi32>
    %swap3A_120 = arith.constant 0 : index
    %swap3A_121 = arith.constant 16 : index
    %swap3A_122 = vector.load %arg4[%swap3A_120, %swap3A_121] : memref<256x32xi32, #tpu.memory_space<vmem>>, vector<256x8xi32>
    tpu.vector_store %arg4[%swap3A_120, %swap3A_121], %add3A_119 {strides = array<i32>} : memref<256x32xi32, #tpu.memory_space<vmem>>, vector<256x8xi32>,
    %eq3A_123 = vector.broadcast %broadcast_in_dim3A_111 : vector<256x1xi32> to vector<256x1000xi32>
    %eq3A_124 = arith.cmpi eq, %iota3A, %eq3A_123 : vector<256x1000xi32>
    %jit3A_125 = arith.constant -3.000000e+00 : f32
    %broadcast_in_dim3A_126 = vector.broadcast %jit3A_125 : f32 to vector<256x1000xf32>
    %select_n3A_127 = arith.select %eq3A_124, %broadcast_in_dim3A_126, %select_n3A_100 : vector<256x1000xi1>, vector<256x1000xf32>
    %reduce_max3A_128 = arith.constant dense<0xFF800000> : vector<256xf32>
    %reduce_max3A_129 = vector.multi_reduction <maximumf>, %select_n3A_127, %reduce_max3A_128 [1] : vector<256x1000xf32> to vector<256xf32>
    %broadcast_in_dim3A_130 = vector.shape_cast %reduce_max3A_129 : vector<256xf32> to vector<256x1xf32>
    %eq3A_131 = vector.broadcast %broadcast_in_dim3A_130 : vector<256x1xf32> to vector<256x1000xf32>
    %eq3A_132 = arith.cmpf oeq, %select_n3A_127, %eq3A_131 : vector<256x1000xf32>
    %jit3A_133 = arith.constant 1073741824 : i32
    %broadcast_in_dim3A_134 = vector.broadcast %jit3A_133 : i32 to vector<256x1000xi32>
    %select_n3A_135 = arith.select %eq3A_132, %iota3A, %broadcast_in_dim3A_134 : vector<256x1000xi1>, vector<256x1000xi32>
    %reduce_min3A_136 = arith.constant dense<2147483647> : vector<256xi32>
    %reduce_min3A_137 = vector.multi_reduction <minsi>, %select_n3A_135, %reduce_min3A_136 [1] : vector<256x1000xi32> to vector<256xi32>
    %broadcast_in_dim3A_138 = vector.shape_cast %reduce_min3A_137 : vector<256xi32> to vector<256x1xi32>
    %swap3A_139 = arith.constant 0 : index
    %swap3A_140 = arith.constant 3 : index
    %swap3A_141 = vector.load %arg3[%swap3A_139, %swap3A_140] : memref<256x4xf32, #tpu.memory_space<vmem>>, vector<256x1xf32>
    tpu.vector_store %arg3[%swap3A_139, %swap3A_140], %broadcast_in_dim3A_130 {strides = array<i32>} : memref<256x4xf32, #tpu.memory_space<vmem>>, vector<256x1xf32>,
    %mul3A_142 = arith.constant 8 : i32
    %mul3A_143 = vector.broadcast %mul3A_142 : i32 to vector<256x1xi32>
    %mul3A_144 = arith.muli %broadcast_in_dim3A_138, %mul3A_143 : vector<256x1xi32>
    %add3A_145 = vector.broadcast %mul3A_144 : vector<256x1xi32> to vector<256x8xi32>
    %add3A_146 = arith.addi %add3A_145, %iota3A_50 : vector<256x8xi32>
    %swap3A_147 = arith.constant 0 : index
    %swap3A_148 = arith.constant 24 : index
    %swap3A_149 = vector.load %arg4[%swap3A_147, %swap3A_148] : memref<256x32xi32, #tpu.memory_space<vmem>>, vector<256x8xi32>
    tpu.vector_store %arg4[%swap3A_147, %swap3A_148], %add3A_146 {strides = array<i32>} : memref<256x32xi32, #tpu.memory_space<vmem>>, vector<256x8xi32>,
    return
  }
  func.func @transform_0(%arg0: i32) -> (i32, i32) {
    %add3A = arith.constant 2 : i32
    %add3A_0 = arith.addi %arg0, %add3A : i32
    %c0_i32 = arith.constant 0 : i32
    %c0_i32_1 = arith.constant 0 : i32
    return %add3A_0, %c0_i32 : i32, i32
  }
  func.func @transform_1(%arg0: i32) -> (i32, i32) {
    %c0_i32 = arith.constant 0 : i32
    %c0_i32_0 = arith.constant 0 : i32
    %c0_i32_1 = arith.constant 0 : i32
    return %c0_i32, %c0_i32_0 : i32, i32
  }
  func.func @transform_2(%arg0: i32) -> (i32, i32) {
    %c0_i32 = arith.constant 0 : i32
    %c0_i32_0 = arith.constant 0 : i32
    return %arg0, %c0_i32 : i32, i32
  }
  func.func @transform_3(%arg0: i32) -> (i32, i32) {
    %c0_i32 = arith.constant 0 : i32
    %c0_i32_0 = arith.constant 0 : i32
    return %arg0, %c0_i32 : i32, i32
  }
  func.func @transform_4(%arg0: i32) -> (i32, i32) {
    %c0_i32 = arith.constant 0 : i32
    %c0_i32_0 = arith.constant 0 : i32
    %c0_i32_1 = arith.constant 0 : i32
    return %c0_i32, %c0_i32_0 : i32, i32
  }
}

module attributes {stable_mosaic.version = 14 : i64} {
  func.func @_topk_body(%arg0: i32, %arg1: memref<256x2048xf32, #tpu.memory_space<vmem>>, %arg2: memref<1000x2048xf32, #tpu.memory_space<vmem>>, %arg3: memref<256x4xf32, #tpu.memory_space<vmem>>, %arg4: memref<256x32xi32, #tpu.memory_space<vmem>>, %arg5: memref<1x1xf32, #tpu.memory_space<vmem>>) attributes {dimension_semantics = [#tpu.dimension_semantics<arbitrary>], iteration_bounds = array<i64: 2>, scalar_prefetch = 0 : i64, scratch_operands = 0 : i64, tpu.core_type = #tpu.core_type<tc>, window_params = [{transform_indices = @transform_0, window_bounds = array<i64: 256, 2048>}, {pipeline_mode = #tpu.pipeline_mode<synchronous>, transform_indices = @transform_1, window_bounds = array<i64: 1000, 2048>}, {transform_indices = @transform_2, window_bounds = array<i64: 256, 4>}, {transform_indices = @transform_3, window_bounds = array<i64: 256, 32>}, {pipeline_mode = #tpu.pipeline_mode<synchronous>, transform_indices = @transform_4, window_bounds = array<i64: 1, 1>}]} {
    %get3A = arith.constant 0 : index
    %get3A_0 = arith.constant 0 : index
    %get3A_1 = vector.load %arg1[%get3A, %get3A_0] : memref<256x2048xf32, #tpu.memory_space<vmem>>, vector<256x2048xf32>
    %get3A_2 = arith.constant 0 : index
    %get3A_3 = arith.constant 0 : index
    %get3A_4 = vector.load %arg2[%get3A_2, %get3A_3] : memref<1000x2048xf32, #tpu.memory_space<vmem>>, vector<1000x2048xf32>
    %mul3A = arith.mulf %get3A_1, %get3A_1 : vector<256x2048xf32>
    %reduce_sum3A = arith.constant dense<0.000000e+00> : vector<256xf32>
    %reduce_sum3A_5 = vector.multi_reduction <add>, %mul3A, %reduce_sum3A [1] : vector<256x2048xf32> to vector<256xf32>
    %broadcast_in_dim3A = vector.shape_cast %reduce_sum3A_5 : vector<256xf32> to vector<256x1xf32>
    %sqrt3A = math.sqrt %broadcast_in_dim3A : vector<256x1xf32>
    %mul3A_6 = arith.mulf %get3A_4, %get3A_4 : vector<1000x2048xf32>
    %reduce_sum3A_7 = arith.constant dense<0.000000e+00> : vector<1000xf32>
    %reduce_sum3A_8 = vector.multi_reduction <add>, %mul3A_6, %reduce_sum3A_7 [1] : vector<1000x2048xf32> to vector<1000xf32>
    %broadcast_in_dim3A_9 = vector.shape_cast %reduce_sum3A_8 : vector<1000xf32> to vector<1000x1xf32>
    %sqrt3A_10 = math.sqrt %broadcast_in_dim3A_9 : vector<1000x1xf32>
    %mul3A_11 = arith.mulf %get3A_4, %get3A_4 : vector<1000x2048xf32>
    %reduce_sum3A_12 = arith.constant dense<0.000000e+00> : vector<1000xf32>
    %reduce_sum3A_13 = vector.multi_reduction <add>, %mul3A_11, %reduce_sum3A_12 [1] : vector<1000x2048xf32> to vector<1000xf32>
    %sqrt3A_14 = math.sqrt %reduce_sum3A_13 : vector<1000xf32>
    %broadcast_in_dim3A_15 = vector.shape_cast %sqrt3A_14 : vector<1000xf32> to vector<1x1000xf32>
    %dot_general3A = arith.constant dense<0.000000e+00> : vector<256x1000xf32>
    %dot_general3A_16 = tpu.matmul %get3A_1, %get3A_4, %dot_general3A {dimension_numbers = #tpu.dot_dimension_numbers<[1], [1], [0], [0], [0, 0, 1, 0], [], []>, transpose_lhs_hint = false} : vector<256x2048xf32>, vector<1000x2048xf32>, vector<256x1000xf32> -> vector<256x1000xf32>
    %mul3A_17 = vector.broadcast %sqrt3A : vector<256x1xf32> to vector<256x1000xf32>
    %mul3A_18 = vector.broadcast %broadcast_in_dim3A_15 : vector<1x1000xf32> to vector<256x1000xf32>
    %mul3A_19 = arith.mulf %mul3A_17, %mul3A_18 : vector<256x1000xf32>
    %max3A = arith.constant 9.99999993E-9 : f32
    %max3A_20 = vector.broadcast %max3A : f32 to vector<256x1000xf32>
    %max3A_21 = arith.maximumf %mul3A_19, %max3A_20 : vector<256x1000xf32>
    %div3A = arith.divf %dot_general3A_16, %max3A_21 : vector<256x1000xf32>
    %max3A_22 = arith.constant 9.99999996E-13 : f32
    %max3A_23 = vector.broadcast %max3A_22 : f32 to vector<256x1xf32>
    %max3A_24 = arith.maximumf %sqrt3A, %max3A_23 : vector<256x1xf32>
    %div3A_25 = vector.broadcast %max3A_24 : vector<256x1xf32> to vector<256x2048xf32>
    %div3A_26 = arith.divf %get3A_1, %div3A_25 : vector<256x2048xf32>
    %max3A_27 = arith.constant 9.99999996E-13 : f32
    %max3A_28 = vector.broadcast %max3A_27 : f32 to vector<1000x1xf32>
    %max3A_29 = arith.maximumf %sqrt3A_10, %max3A_28 : vector<1000x1xf32>
    %div3A_30 = vector.broadcast %max3A_29 : vector<1000x1xf32> to vector<1000x2048xf32>
    %div3A_31 = arith.divf %get3A_4, %div3A_30 : vector<1000x2048xf32>
    %dot_general3A_32 = arith.constant dense<0.000000e+00> : vector<256x1000xf32>
    %dot_general3A_33 = tpu.matmul %div3A_26, %div3A_31, %dot_general3A_32 {dimension_numbers = #tpu.dot_dimension_numbers<[1], [1], [0], [0], [0, 0, 1, 0], [], []>, transpose_lhs_hint = false} : vector<256x2048xf32>, vector<1000x2048xf32>, vector<256x1000xf32> -> vector<256x1000xf32>
    %reduce_sum3A_34 = vector.shape_cast %dot_general3A_33 : vector<256x1000xf32> to vector<1x256x1000xf32>
    %reduce_sum3A_35 = arith.constant dense<0.000000e+00> : vector<1xf32>
    %reduce_sum3A_36 = vector.multi_reduction <add>, %reduce_sum3A_34, %reduce_sum3A_35 [1, 2] : vector<1x256x1000xf32> to vector<1xf32>
    %reduce_sum3A_37 = vector.shape_cast %reduce_sum3A_36 : vector<1xf32> to vector<1x1x1xf32>
    %reduce_sum3A_38 = vector.extract %reduce_sum3A_37[0, 0, 0] : f32 from vector<1x1x1xf32>
    %neg3A = arith.constant 0.000000e+00 : f32
    %neg3A_39 = arith.subf %neg3A, %reduce_sum3A_38 : f32
    %div3A_40 = arith.constant 1.024000e+06 : f32
    %div3A_41 = arith.divf %neg3A_39, %div3A_40 : f32
    %broadcast_in_dim3A_42 = vector.broadcast %div3A_41 : f32 to vector<1x1xf32>
    %eq3A = arith.constant 0 : i32
    %eq3A_43 = arith.cmpi eq, %arg0, %eq3A : i32
    %convert_element_type3A = arith.extui %eq3A_43 : i1 to i32
    %cond3A = arith.constant 0 : i32
    %cond3A_44 = arith.cmpi ne, %convert_element_type3A, %cond3A : i32
    scf.if %cond3A_44 {
      %broadcast_in_dim3A_150 = arith.constant 0.000000e+00 : f32
      %broadcast_in_dim3A_151 = vector.broadcast %broadcast_in_dim3A_150 : f32 to vector<1x1xf32>
      %swap3A_152 = arith.constant 0 : index
      %swap3A_153 = arith.constant 0 : index
      %swap3A_154 = vector.load %arg5[%swap3A_152, %swap3A_153] : memref<1x1xf32, #tpu.memory_space<vmem>>, vector<1x1xf32>
      tpu.vector_store %arg5[%swap3A_152, %swap3A_153], %broadcast_in_dim3A_151 {strides = array<i32>} : memref<1x1xf32, #tpu.memory_space<vmem>>, vector<1x1xf32>,
    } else {
    }
    %get3A_45 = arith.constant 0 : index
    %get3A_46 = arith.constant 0 : index
    %get3A_47 = vector.load %arg5[%get3A_45, %get3A_46] : memref<1x1xf32, #tpu.memory_space<vmem>>, vector<1x1xf32>
    %add3A = arith.addf %get3A_47, %broadcast_in_dim3A_42 : vector<1x1xf32>
    %swap3A = arith.constant 0 : index
    %swap3A_48 = arith.constant 0 : index
    %swap3A_49 = vector.load %arg5[%swap3A, %swap3A_48] : memref<1x1xf32, #tpu.memory_space<vmem>>, vector<1x1xf32>
    tpu.vector_store %arg5[%swap3A, %swap3A_48], %add3A {strides = array<i32>} : memref<1x1xf32, #tpu.memory_space<vmem>>, vector<1x1xf32>,
    %iota3A = tpu.iota {dimensions = array<i32: 1>} : vector<256x1000xi32>
    %iota3A_50 = tpu.iota {dimensions = array<i32: 1>} : vector<256x8xi32>
    %reduce_max3A = arith.constant dense<0xFF800000> : vector<256xf32>
    %reduce_max3A_51 = vector.multi_reduction <maximumf>, %div3A, %reduce_max3A [1] : vector<256x1000xf32> to vector<256xf32>
    %broadcast_in_dim3A_52 = vector.shape_cast %reduce_max3A_51 : vector<256xf32> to vector<256x1xf32>
    %eq3A_53 = vector.broadcast %broadcast_in_dim3A_52 : vector<256x1xf32> to vector<256x1000xf32>
    %eq3A_54 = arith.cmpf oeq, %div3A, %eq3A_53 : vector<256x1000xf32>
    %jit3A = arith.constant 1073741824 : i32
    %broadcast_in_dim3A_55 = vector.broadcast %jit3A : i32 to vector<256x1000xi32>
    %select_n3A = arith.select %eq3A_54, %iota3A, %broadcast_in_dim3A_55 : vector<256x1000xi1>, vector<256x1000xi32>
    %reduce_min3A = arith.constant dense<2147483647> : vector<256xi32>
    %reduce_min3A_56 = vector.multi_reduction <minsi>, %select_n3A, %reduce_min3A [1] : vector<256x1000xi32> to vector<256xi32>
    %broadcast_in_dim3A_57 = vector.shape_cast %reduce_min3A_56 : vector<256xi32> to vector<256x1xi32>
    %swap3A_58 = arith.constant 0 : index
    %swap3A_59 = arith.constant 0 : index
    %swap3A_60 = vector.load %arg3[%swap3A_58, %swap3A_59] : memref<256x4xf32, #tpu.memory_space<vmem>>, vector<256x1xf32>
    tpu.vector_store %arg3[%swap3A_58, %swap3A_59], %broadcast_in_dim3A_52 {strides = array<i32>} : memref<256x4xf32, #tpu.memory_space<vmem>>, vector<256x1xf32>,
    %mul3A_61 = arith.constant 8 : i32
    %mul3A_62 = vector.broadcast %mul3A_61 : i32 to vector<256x1xi32>
    %mul3A_63 = arith.muli %broadcast_in_dim3A_57, %mul3A_62 : vector<256x1xi32>
    %add3A_64 = vector.broadcast %mul3A_63 : vector<256x1xi32> to vector<256x8xi32>
    %add3A_65 = arith.addi %add3A_64, %iota3A_50 : vector<256x8xi32>
    %swap3A_66 = arith.constant 0 : index
    %swap3A_67 = arith.constant 0 : index
    %swap3A_68 = vector.load %arg4[%swap3A_66, %swap3A_67] : memref<256x32xi32, #tpu.memory_space<vmem>>, vector<256x8xi32>
    tpu.vector_store %arg4[%swap3A_66, %swap3A_67], %add3A_65 {strides = array<i32>} : memref<256x32xi32, #tpu.memory_space<vmem>>, vector<256x8xi32>,
    %eq3A_69 = vector.broadcast %broadcast_in_dim3A_57 : vector<256x1xi32> to vector<256x1000xi32>
    %eq3A_70 = arith.cmpi eq, %iota3A, %eq3A_69 : vector<256x1000xi32>
    %jit3A_71 = arith.constant -3.000000e+00 : f32
    %broadcast_in_dim3A_72 = vector.broadcast %jit3A_71 : f32 to vector<256x1000xf32>
    %select_n3A_73 = arith.select %eq3A_70, %broadcast_in_dim3A_72, %div3A : vector<256x1000xi1>, vector<256x1000xf32>
    %reduce_max3A_74 = arith.constant dense<0xFF800000> : vector<256xf32>
    %reduce_max3A_75 = vector.multi_reduction <maximumf>, %select_n3A_73, %reduce_max3A_74 [1] : vector<256x1000xf32> to vector<256xf32>
    %broadcast_in_dim3A_76 = vector.shape_cast %reduce_max3A_75 : vector<256xf32> to vector<256x1xf32>
    %eq3A_77 = vector.broadcast %broadcast_in_dim3A_76 : vector<256x1xf32> to vector<256x1000xf32>
    %eq3A_78 = arith.cmpf oeq, %select_n3A_73, %eq3A_77 : vector<256x1000xf32>
    %jit3A_79 = arith.constant 1073741824 : i32
    %broadcast_in_dim3A_80 = vector.broadcast %jit3A_79 : i32 to vector<256x1000xi32>
    %select_n3A_81 = arith.select %eq3A_78, %iota3A, %broadcast_in_dim3A_80 : vector<256x1000xi1>, vector<256x1000xi32>
    %reduce_min3A_82 = arith.constant dense<2147483647> : vector<256xi32>
    %reduce_min3A_83 = vector.multi_reduction <minsi>, %select_n3A_81, %reduce_min3A_82 [1] : vector<256x1000xi32> to vector<256xi32>
    %broadcast_in_dim3A_84 = vector.shape_cast %reduce_min3A_83 : vector<256xi32> to vector<256x1xi32>
    %swap3A_85 = arith.constant 0 : index
    %swap3A_86 = arith.constant 1 : index
    %swap3A_87 = vector.load %arg3[%swap3A_85, %swap3A_86] : memref<256x4xf32, #tpu.memory_space<vmem>>, vector<256x1xf32>
    tpu.vector_store %arg3[%swap3A_85, %swap3A_86], %broadcast_in_dim3A_76 {strides = array<i32>} : memref<256x4xf32, #tpu.memory_space<vmem>>, vector<256x1xf32>,
    %mul3A_88 = arith.constant 8 : i32
    %mul3A_89 = vector.broadcast %mul3A_88 : i32 to vector<256x1xi32>
    %mul3A_90 = arith.muli %broadcast_in_dim3A_84, %mul3A_89 : vector<256x1xi32>
    %add3A_91 = vector.broadcast %mul3A_90 : vector<256x1xi32> to vector<256x8xi32>
    %add3A_92 = arith.addi %add3A_91, %iota3A_50 : vector<256x8xi32>
    %swap3A_93 = arith.constant 0 : index
    %swap3A_94 = arith.constant 8 : index
    %swap3A_95 = vector.load %arg4[%swap3A_93, %swap3A_94] : memref<256x32xi32, #tpu.memory_space<vmem>>, vector<256x8xi32>
    tpu.vector_store %arg4[%swap3A_93, %swap3A_94], %add3A_92 {strides = array<i32>} : memref<256x32xi32, #tpu.memory_space<vmem>>, vector<256x8xi32>,
    %eq3A_96 = vector.broadcast %broadcast_in_dim3A_84 : vector<256x1xi32> to vector<256x1000xi32>
    %eq3A_97 = arith.cmpi eq, %iota3A, %eq3A_96 : vector<256x1000xi32>
    %jit3A_98 = arith.constant -3.000000e+00 : f32
    %broadcast_in_dim3A_99 = vector.broadcast %jit3A_98 : f32 to vector<256x1000xf32>
    %select_n3A_100 = arith.select %eq3A_97, %broadcast_in_dim3A_99, %select_n3A_73 : vector<256x1000xi1>, vector<256x1000xf32>
    %reduce_max3A_101 = arith.constant dense<0xFF800000> : vector<256xf32>
    %reduce_max3A_102 = vector.multi_reduction <maximumf>, %select_n3A_100, %reduce_max3A_101 [1] : vector<256x1000xf32> to vector<256xf32>
    %broadcast_in_dim3A_103 = vector.shape_cast %reduce_max3A_102 : vector<256xf32> to vector<256x1xf32>
    %eq3A_104 = vector.broadcast %broadcast_in_dim3A_103 : vector<256x1xf32> to vector<256x1000xf32>
    %eq3A_105 = arith.cmpf oeq, %select_n3A_100, %eq3A_104 : vector<256x1000xf32>
    %jit3A_106 = arith.constant 1073741824 : i32
    %broadcast_in_dim3A_107 = vector.broadcast %jit3A_106 : i32 to vector<256x1000xi32>
    %select_n3A_108 = arith.select %eq3A_105, %iota3A, %broadcast_in_dim3A_107 : vector<256x1000xi1>, vector<256x1000xi32>
    %reduce_min3A_109 = arith.constant dense<2147483647> : vector<256xi32>
    %reduce_min3A_110 = vector.multi_reduction <minsi>, %select_n3A_108, %reduce_min3A_109 [1] : vector<256x1000xi32> to vector<256xi32>
    %broadcast_in_dim3A_111 = vector.shape_cast %reduce_min3A_110 : vector<256xi32> to vector<256x1xi32>
    %swap3A_112 = arith.constant 0 : index
    %swap3A_113 = arith.constant 2 : index
    %swap3A_114 = vector.load %arg3[%swap3A_112, %swap3A_113] : memref<256x4xf32, #tpu.memory_space<vmem>>, vector<256x1xf32>
    tpu.vector_store %arg3[%swap3A_112, %swap3A_113], %broadcast_in_dim3A_103 {strides = array<i32>} : memref<256x4xf32, #tpu.memory_space<vmem>>, vector<256x1xf32>,
    %mul3A_115 = arith.constant 8 : i32
    %mul3A_116 = vector.broadcast %mul3A_115 : i32 to vector<256x1xi32>
    %mul3A_117 = arith.muli %broadcast_in_dim3A_111, %mul3A_116 : vector<256x1xi32>
    %add3A_118 = vector.broadcast %mul3A_117 : vector<256x1xi32> to vector<256x8xi32>
    %add3A_119 = arith.addi %add3A_118, %iota3A_50 : vector<256x8xi32>
    %swap3A_120 = arith.constant 0 : index
    %swap3A_121 = arith.constant 16 : index
    %swap3A_122 = vector.load %arg4[%swap3A_120, %swap3A_121] : memref<256x32xi32, #tpu.memory_space<vmem>>, vector<256x8xi32>
    tpu.vector_store %arg4[%swap3A_120, %swap3A_121], %add3A_119 {strides = array<i32>} : memref<256x32xi32, #tpu.memory_space<vmem>>, vector<256x8xi32>,
    %eq3A_123 = vector.broadcast %broadcast_in_dim3A_111 : vector<256x1xi32> to vector<256x1000xi32>
    %eq3A_124 = arith.cmpi eq, %iota3A, %eq3A_123 : vector<256x1000xi32>
    %jit3A_125 = arith.constant -3.000000e+00 : f32
    %broadcast_in_dim3A_126 = vector.broadcast %jit3A_125 : f32 to vector<256x1000xf32>
    %select_n3A_127 = arith.select %eq3A_124, %broadcast_in_dim3A_126, %select_n3A_100 : vector<256x1000xi1>, vector<256x1000xf32>
    %reduce_max3A_128 = arith.constant dense<0xFF800000> : vector<256xf32>
    %reduce_max3A_129 = vector.multi_reduction <maximumf>, %select_n3A_127, %reduce_max3A_128 [1] : vector<256x1000xf32> to vector<256xf32>
    %broadcast_in_dim3A_130 = vector.shape_cast %reduce_max3A_129 : vector<256xf32> to vector<256x1xf32>
    %eq3A_131 = vector.broadcast %broadcast_in_dim3A_130 : vector<256x1xf32> to vector<256x1000xf32>
    %eq3A_132 = arith.cmpf oeq, %select_n3A_127, %eq3A_131 : vector<256x1000xf32>
    %jit3A_133 = arith.constant 1073741824 : i32
    %broadcast_in_dim3A_134 = vector.broadcast %jit3A_133 : i32 to vector<256x1000xi32>
    %select_n3A_135 = arith.select %eq3A_132, %iota3A, %broadcast_in_dim3A_134 : vector<256x1000xi1>, vector<256x1000xi32>
    %reduce_min3A_136 = arith.constant dense<2147483647> : vector<256xi32>
    %reduce_min3A_137 = vector.multi_reduction <minsi>, %select_n3A_135, %reduce_min3A_136 [1] : vector<256x1000xi32> to vector<256xi32>
    %broadcast_in_dim3A_138 = vector.shape_cast %reduce_min3A_137 : vector<256xi32> to vector<256x1xi32>
    %swap3A_139 = arith.constant 0 : index
    %swap3A_140 = arith.constant 3 : index
    %swap3A_141 = vector.load %arg3[%swap3A_139, %swap3A_140] : memref<256x4xf32, #tpu.memory_space<vmem>>, vector<256x1xf32>
    tpu.vector_store %arg3[%swap3A_139, %swap3A_140], %broadcast_in_dim3A_130 {strides = array<i32>} : memref<256x4xf32, #tpu.memory_space<vmem>>, vector<256x1xf32>,
    %mul3A_142 = arith.constant 8 : i32
    %mul3A_143 = vector.broadcast %mul3A_142 : i32 to vector<256x1xi32>
    %mul3A_144 = arith.muli %broadcast_in_dim3A_138, %mul3A_143 : vector<256x1xi32>
    %add3A_145 = vector.broadcast %mul3A_144 : vector<256x1xi32> to vector<256x8xi32>
    %add3A_146 = arith.addi %add3A_145, %iota3A_50 : vector<256x8xi32>
    %swap3A_147 = arith.constant 0 : index
    %swap3A_148 = arith.constant 24 : index
    %swap3A_149 = vector.load %arg4[%swap3A_147, %swap3A_148] : memref<256x32xi32, #tpu.memory_space<vmem>>, vector<256x8xi32>
    tpu.vector_store %arg4[%swap3A_147, %swap3A_148], %add3A_146 {strides = array<i32>} : memref<256x32xi32, #tpu.memory_space<vmem>>, vector<256x8xi32>,
    return
  }
  func.func @transform_0(%arg0: i32) -> (i32, i32) {
    %add3A = arith.constant 0 : i32
    %add3A_0 = arith.addi %arg0, %add3A : i32
    %c0_i32 = arith.constant 0 : i32
    %c0_i32_1 = arith.constant 0 : i32
    return %add3A_0, %c0_i32 : i32, i32
  }
  func.func @transform_1(%arg0: i32) -> (i32, i32) {
    %c0_i32 = arith.constant 0 : i32
    %c0_i32_0 = arith.constant 0 : i32
    %c0_i32_1 = arith.constant 0 : i32
    return %c0_i32, %c0_i32_0 : i32, i32
  }
  func.func @transform_2(%arg0: i32) -> (i32, i32) {
    %c0_i32 = arith.constant 0 : i32
    %c0_i32_0 = arith.constant 0 : i32
    return %arg0, %c0_i32 : i32, i32
  }
  func.func @transform_3(%arg0: i32) -> (i32, i32) {
    %c0_i32 = arith.constant 0 : i32
    %c0_i32_0 = arith.constant 0 : i32
    return %arg0, %c0_i32 : i32, i32
  }
  func.func @transform_4(%arg0: i32) -> (i32, i32) {
    %c0_i32 = arith.constant 0 : i32
    %c0_i32_0 = arith.constant 0 : i32
    %c0_i32_1 = arith.constant 0 : i32
    return %c0_i32, %c0_i32_0 : i32, i32
  }
}

</mosaic_0001>

<sc_bundles>
// kernel: kernel.6.cloned.1.call-start
scs
__scs_entry_jumppad:
0x0: {  	(pc) =	sbr.rel $0x88, $3  }
0x1: {  	(tag) =	ssettag $0x0;
	lr =	simm.s32 $0x1  }
0x2: {  	[smem:$0x3F9E] =	sst lr;
	_ =	strace $0xD0000000  }
0x3: {  	_ = 	snop  }
0x4: {  	_ = 	snop  }
0x5: {  	_ = 	snop  }
0x6: {  	_ = 	snop  }
0x7: {  	_ = 	snop  }
__scs_overlays_trampoline_lowered:
0x8: {  	[smem:$0x3FAD] =	sst s0  }
0x9: {  	[smem:$0x3FAE] =	sst s1  }
0xa: {  	[smem:$0x3FAF] =	sst s2  }
0xb: {  	[smem:$0x3FB0] =	sst s3  }
0xc: {  	[smem:$0x3FB1] =	sst s4  }
0xd: {  	[smem:$0x3FB2] =	sst s5  }
0xe: {  	[smem:$0x3FB3] =	sst s6  }
0xf: {  	[smem:$0x3FB4] =	sst s7  }
0x10: {  	[smem:$0x3FB5] =	sst s8  }
0x11: {  	[smem:$0x3FB6] =	sst s9;
	s0 =	simm.s32 @!p0 $0x0  }
0x12: {  	s1 =	sld [smem:$0x3F9C];
	s0 =	simm.s32 @p0 $0x1  }
0x13: {  	[smem:$0x3FB7] =	sst s0;
	s0 =	simm.s32 @!p1 $0x0  }
0x14: {  	s2 =	sld [smem:$0x3F9B];
	s0 =	simm.s32 @p1 $0x1  }
0x15: {  	[smem:$0x3FB8] =	sst s0;
	s0 =	simm.s32 @!p2 $0x0  }
0x16: {  	s3 =	sld [smem:$0x3FDB];
	s0 =	simm.s32 @p2 $0x1  }
0x17: {  	s4 =	simm.s32 $0x1BF5;
	[smem:$0x3FBA] =	sst s0  }
0x18: {  	s0 =	sld [smem:$0x3F9D];
	_ =	swait.ge [sflag:s4], $0x0  }
0x19: {  	s7 =	sld [smem:$0x3F9E]  }
0x1a: {  	s8 =	sadd.s32 $0xFFFFE003, lr  }
0x1b: {  	s9 =	sadd.s32 $0xFFFFFEF7, lr;
	s5 =	simm.s32 $0xFFFFFFFF;
	p2 =	slt.u32 s8, $0xFFFFF086  }
0x1c: {  	p1 =	slt.u32 s9, $0xF7A;
	s5 =	simm.s32 @!p2 $0x0  }
0x1d: {  	s5 =	simm.s32 @p1 $0x1;
	p0 =	seq.s32 s7, s2  }
0x1e: {  	s7 =	smul.u32 @!p0 $0xF7A, s2;
	p2 =	seq.s32 @!p0 s5, $0x0  }
0x1f: {  	s9 =	smul.u32 $0xF7A, s1;
	s8 =	simm.s32 @!p0 $0x1BF5;
	p2 =	por !p2, p0  }
0x20: {  	[sflag:s8] =	ssyncset.s32 @!p0 $0xFFFFF086;
	s6 =	sadd.s32 @!p0 s3, s7;
	s7 =	simm.s32 @!p0 $0x108  }
0x21: {  	s3 =	sadd.s32 s3, s9;
	s6 =	sadd.s32 @!p0 $0x88, s6;
	s7 =	simm.s32 @p2 $0x1082  }
0x22: {  	[simem:s7], [sflag:s8] =	dma.local @!p0 [hbm:s6], $0xF7A  }
0x23: {  	s9 =	sor.u32 $0xD0000000, s2;
	s6 =	simm.s32 $0x108;
	_ =	swait.ge @!p0 [sflag:s8], $0x0  }
0x24: {  	s3 =	sadd.s32 $0x88, s3;
	s6 =	simm.s32 @!p1 $0x1082;
	[sflag:s4] =	ssyncset.s32 $0xFFFFF086  }
0x25: {  	[simem:s6], [sflag:s4] =	dma.local [hbm:s3], $0xF7A  }
0x26: {  	[smem:$0x3F9E] =	sst s1;
	(tag) =	ssettag s2;
	_ =	strace s9  }
0x27: {  	s1 =	sld [smem:$0x3FAE]  }
0x28: {  	s2 =	sld [smem:$0x3FAF]  }
0x29: {  	s4 =	sld [smem:$0x3FB1]  }
0x2a: {  	p0 =	seq.s32 s5, $0x0;
	s5 =	sld [smem:$0x3FB2]  }
0x2b: {  	s6 =	sld [smem:$0x3FB3]  }
0x2c: {  	s7 =	sld [smem:$0x3FB4]  }
0x2d: {  	s3 =	simm.s32 $0x108;
	s8 =	sld [smem:$0x3FB5]  }
0x2e: {  	s3 =	simm.s32 @!p0 $0x1082;
	s9 =	sld [smem:$0x3FB6]  }
0x2f: {  	lr =	sadd.s32 s0, s3;
	s0 =	sld [smem:$0x3FAD]  }
0x30: {  	s3 =	sld [smem:$0x3FB0]  }
0x31: {  	[smem:$0x3FB9] =	sst s10  }
0x32: {  	s10 =	sld [smem:$0x3FB7];
	_ =	sdelay $0x3  }
0x33: {  	p0 =	seq.s32 s10, $0x1;
	s10 =	sld [smem:$0x3FB9];
	_ =	sdelay $0x3  }
0x34: {  	[smem:$0x3FB9] =	sst s10  }
0x35: {  	s10 =	sld [smem:$0x3FB8];
	_ =	sdelay $0x3  }
0x36: {  	p1 =	seq.s32 s10, $0x1;
	s10 =	sld [smem:$0x3FB9];
	_ =	sdelay $0x3  }
0x37: {  	[smem:$0x3FB9] =	sst s10  }
0x38: {  	s10 =	sld [smem:$0x3FBA]  }
0x39: {  	_ = 	snop;
	(pc) =	sbr.ind lr, $3  }
0x3a: {  	_ = 	snop  }
0x3b: {  	_ = 	snop  }
0x3c: {  	p2 =	seq.s32 s10, $0x1;
	s10 =	sld [smem:$0x3FB9]  }
0x3d: {  	_ =	shalt  }
0x3e: {  	_ =	shalt  }
0x3f: {  	_ =	shalt  }
0x40: {  	_ =	shalt  }
0x41: {  	_ =	shalt  }
0x42: {  	_ =	shalt  }
0x43: {  	_ =	shalt  }
0x44: {  	_ =	shalt  }
0x45: {  	_ =	shalt  }
0x46: {  	_ =	shalt  }
0x47: {  	_ =	shalt  }
0x48: {  	_ =	shalt  }
0x49: {  	_ =	shalt  }
0x4a: {  	_ =	shalt  }
0x4b: {  	_ =	shalt  }
0x4c: {  	_ =	shalt  }
0x4d: {  	_ =	shalt  }
0x4e: {  	_ =	shalt  }
0x4f: {  	_ =	shalt  }
0x50: {  	_ =	shalt  }
0x51: {  	_ =	shalt  }
0x52: {  	_ =	shalt  }
0x53: {  	_ =	shalt  }
0x54: {  	_ =	shalt  }
0x55: {  	_ =	shalt  }
0x56: {  	_ =	shalt  }
0x57: {  	_ =	shalt  }
0x58: {  	_ =	shalt  }
0x59: {  	_ =	shalt  }
0x5a: {  	_ =	shalt  }
0x5b: {  	_ =	shalt  }
0x5c: {  	_ =	shalt  }
0x5d: {  	_ =	shalt  }
0x5e: {  	_ =	shalt  }
0x5f: {  	_ =	shalt  }
0x60: {  	_ =	shalt  }
0x61: {  	_ =	shalt  }
0x62: {  	_ =	shalt  }
0x63: {  	_ =	shalt  }
0x64: {  	_ =	shalt  }
0x65: {  	_ =	shalt  }
0x66: {  	_ =	shalt  }
0x67: {  	_ =	shalt  }
0x68: {  	_ =	shalt  }
0x69: {  	_ =	shalt  }
0x6a: {  	_ =	shalt  }
0x6b: {  	_ =	shalt  }
0x6c: {  	_ =	shalt  }
0x6d: {  	_ =	shalt  }
0x6e: {  	_ =	shalt  }
0x6f: {  	_ =	shalt  }
0x70: {  	_ =	shalt  }
0x71: {  	_ =	shalt  }
0x72: {  	_ =	shalt  }
0x73: {  	_ =	shalt  }
0x74: {  	_ =	shalt  }
0x75: {  	_ =	shalt  }
0x76: {  	_ =	shalt  }
0x77: {  	_ =	shalt  }
0x78: {  	_ =	shalt  }
0x79: {  	_ =	shalt  }
0x7a: {  	_ =	shalt  }
0x7b: {  	_ =	shalt  }
0x7c: {  	_ =	shalt  }
0x7d: {  	_ =	shalt  }
0x7e: {  	_ =	shalt  }
0x7f: {  	_ =	shalt  }
0x80: {  	_ =	shalt  }
0x81: {  	_ =	shalt  }
0x82: {  	_ =	shalt  }
0x83: {  	_ =	shalt  }
0x84: {  	_ =	shalt  }
0x85: {  	_ =	shalt  }
0x86: {  	_ =	shalt  }
0x87: {  	_ =	shalt  }
.Lfunc_end0:
.L_simem_size_0:
called_computation_lowered:
.L_overlay_start_0:
0x88: {  	s2 =	sld [smem:$0x3FD9]  }
0x89: {  	s3 =	sld [smem:$0x3FFE];
	_ =	sdelay $0x1  }
0x8a: {  	s1 =	srdreg.scid  }
0x8b: {  	s0 =	sand.u32 $0x1, s1  }
0x8c: {  	s14 =	sshll.u32 s0, $0xA;
	s2 =	sadd.s32 s3, s2  }
0x8d: {  	s2 =	sadd.s32 s2, s14  }
0x8e: {  	[smem:$0x3FC5] =	sst s2  }
0x8f: {  	_ = 	snop  }
0x90: {  	s2 =	sld [smem:$0x3FD0];
	_ =	sdelay $0x2  }
0x91: {  	s4 =	simm.s32 $0xA;
	s5 =	simm.s32 $0x10;
	s15 =	sld [smem:$0x3FC7]  }
0x92: {  	[smem:s5], [sflag:s4] =	dma.local [hbm:s2], $0x1  }
0x93: {  	_ =	swait.eq [sflag:s4], $0x1  }
0x94: {  	[sflag:s4] =	ssyncset.done $0x0  }
0x95: {  	[sflag:s4] =	ssyncadd.s32 $0xFFFFFFFF  }
0x96: {  	s16 =	sld [smem:$0x10];
	(tm) =	ssettm $0x1  }
0x97: {  	s17 =	sld [smem:$0x3FFB];
	_ =	sdelay $0x3  }
0x98: {  	_ =	strace s17  }
0x99: {  	s4 =	sld [smem:$0x3FFC];
	_ =	sdelay $0x3  }
0x9a: {  	_ =	strace s4  }
0x9b: {  	s4 =	sld [smem:$0x3FFD];
	_ =	sdelay $0x3  }
0x9c: {  	_ =	strace s4  }
0x9d: {  	_ =	strace $0x8FFFFFFF  }
0x9e: {  	s18 =	sld [smem:$0x3FDB];
	_ =	sdelay $0x1  }
0x9f: {  	s19 =	simm.s32 $_scs_section_size  }
0xa0: {  	s6 =	simm.s32 $_size__tile_overlayer_lowered;
	s7 =	simm.s32 $_tile_overlayer_lowered  }
0xa1: {  	s22 =	simm.s32 $0x1BFF;
	s21 =	sshll.u32 s7, $0x1;
	s4 =	sadd.s32 s19, s18  }
0xa2: {  	s8 =	simm.s32 $0x0;
	s20 =	sshll.u32 s6, $0x1;
	s6 =	sadd.s32 s21, s4  }
0xa3: {  	[timem:s8], [sflag:s22] =	dma.local [hbm:s6], s20  }
0xa4: {  	_ =	swait.ge [sflag:s22], s20  }
0xa5: {  	s5 =	ssub.s32 $0x0, s20;
	[sflag:s22] =	ssyncset.done $0x0  }
0xa6: {  	[sflag:s22] =	ssyncadd.s32 s5;
	_ =	sdelay $0x1  }
0xa7: {  	s23 =	simm.s32 $0x1B8B  }
0xa8: {  	_ =	swait.ge [sflag:s23], $0x1  }
0xa9: {  	[sflag:s23] =	ssyncset.done $0x0  }
0xaa: {  	s25 =	simm.s32 $0x1B8E;
	s24 =	sld [smem:$0x3FFE];
	[sflag:s23] =	ssyncadd.s32 $0xFFFFFFFF  }
0xab: {  	s26 =	simm.s32 $execute0_lowered;
	[smem:$0x3FD2] =	sst s25  }
0xac: {  	s6 =	sshll.u32 s26, $0x1;
	_ =	strace $0x80000046;
	[dreg:$0x1] =	wrdreg $0xFFFFFFFF  }
0xad: {  	s28 =	simm.s32 $_size_execute0_lowered;
	s4 =	sadd.s32 s4, s6;
	[dreg:$0x0] =	wrdreg $0x0  }
0xae: {  	s6 =	sshll.u32 s28, $0x1;
	[dreg:$0x2] =	wrdreg s4  }
0xaf: {  	[dreg:$0x3] =	wrdreg s6  }
0xb0: {  	[dreg:$0x4] =	wrdreg $0xC0  }
0xb1: {  	_ =	task [dreg:s8], $0x5FFFF  }
0xb2: {  	[dreg:$0x1] =	wrdreg $0xFFFFFFFF  }
0xb3: {  	[dreg:$0x0] =	wrdreg $0x60  }
0xb4: {  	[dreg:$0x2] =	wrdreg s15  }
0xb5: {  	[dreg:$0x3] =	wrdreg s24  }
0xb6: {  	[dreg:$0x4] =	wrdreg s16  }
0xb7: {  	[dreg:$0x5] =	wrdreg $0x9  }
0xb8: {  	_ =	task.clear_ibuf [dreg:s8], $0x6FFFF;
	_ =	strace $0x90000046  }
0xb9: {  	s29 =	simm.s32 $0x9;
	_ =	strace $0x80000048  }
0xba: {  	_ =	swait.ge [sflag:s29], $0x1  }
0xbb: {  	[sflag:s29] =	ssyncadd.s32 $0xFFFFFFFF  }
0xbc: {  	_ =	strace $0x90000048  }
0xbd: {  	_ =	sfence  }
0xbe: {  	s30 =	sld [smem:$0x0];
	_ =	sdelay $0x2  }
0xbf: {  	s31 =	sshll.u32 s1, $0xD;
	s1 =	sshrl.u32 s1, $0x2  }
0xc0: {  	s3 =	sand.u32 $0x4000, s31;
	s1 =	sadd.s32 s1, s30  }
0xc1: {  	s0 =	sor.u32 s3, s0;
	s1 =	sshll.u32 s1, $0x11  }
0xc2: {  	s0 =	sor.u32 s1, s0  }
0xc3: {  	s0 =	sadd.s32 $0x8F2B, s0  }
0xc4: {  	[sflag:s0] =	ssyncadd.remote.s32 $0x1  }
0xc5: {  	_ =	sfence.sel $0xFFFF  }
0xc6: {  	[dreg:$0x0] =	wrdreg $0xFFFFFFFF;
	(pc) =	sbr.abs _section_cstart, $3  }
0xc7: {  	[dreg:$0x1] =	wrdreg $0xFFFFFFFF  }
0xc8: {  	_ =	task.clear_ibuf [dreg:s8], $0x2FFFF;
	_ =	strace $0x9FFFFFFF  }
0xc9: {  	(tm) =	ssettm $0x7FFFFFFF  }
tec
execute0_lowered:
.L_overlay_start_1:
0x0: {  	(tag) =	ssettag $0x1  }
0x1: {  	s1 =	rddreg [dreg:$0x0]  }
0x2: {  	s0 =	srdreg.scid;
	s2 =	rddreg [dreg:$0x1]  }
0x3: {  	s9 =	stileid.u32;
	s4 =	rddreg [dreg:$0x2]  }
0x4: {  	s3 =	simm.s32 $0x0;
	s11 =	simm.s32 $0x200;
	s15 =	simm.s32 $0x2200  }
0x5: {  	s19 =	simm.s32 $0x4200;
	s23 =	simm.s32 $0x6200;
	s28 =	simm.s32 $0x8200  }
0x6: {  	s14 =	simm.s32 $0xC200;
	s20 =	simm.s32 $0xE200;
	s21 =	simm.s32 $0xEA00  }
0x7: {  	s22 =	simm.s32 $0xF200;
	s29 =	simm.s32 $0x3;
	s30 =	simm.s32 $0x4  }
0x8: {  	s31 =	simm.s32 $0x5;
	s12 =	simm.s32 $0x7;
	s13 =	simm.s32 $0x8  }
0x9: {  	s17 =	simm.s32 $0x10;
	s0 =	sand.u32 $0x1, s0;
	s5 =	sshll.u32 s9, $0xA  }
0xa: {  	[smem:$0x7FF] =	sst s3;
	s7 =	sadd.s32 $0x300, s1;
	s26 =	sshll.u32 s9, $0x11  }
0xb: {  	s6 =	sshll.u32 s0, $0x9;
	s24 =	ssub.s32 $0x2, s0;
	_ =	strace $0x80000047  }
0xc: {  	s0 =	sshll.u32 s0, $0x10;
	s5 =	sor.u32 s6, s5;
	s25 =	sshrl.u32 s24, $0x1  }
0xd: {  	s6 =	sadd.s32 $0x200, s1;
	s5 =	sshrl.u32 s5, $0x3;
	s8 =	ssub.s32 s24, s25  }
.Ltmp0:
0xe: {  	s24 =	simm.s32 $0xFA00;
	s25 =	simm.s32 $0x1;
	(pc) =	sbr.rel .LBB2_1-.Ltmp0, $4  }
0xf: {  	s2 =	sadd.s32 s5, s2;
	s5 =	sadd.s32 $0x100, s1;
	s8 =	smax.u32 s8, $0x1  }
0x10: {  	v0 =	vlaneseq.u32;
	s2 =	sadd.s32 $0x3A00, s2;
	[dreg:$0x5] =	wrdreg s8;
	s8 =	simm.s32 $0x0  }
0x11: {  	v1 =	vshrl.u32 v0, $0x3;
	[dreg:$0x4] =	wrdreg s2;
	s2 =	sadd.s32 s26, s4;
	s26 =	simm.s32 $0x2  }
0x12: {  	vm0 =	vmmov $0xffff;
	v0 =	vand.u32 $0x7, v0;
	v1 =	vmul.u32 $0x8, v1;
	s9 =	sadd.s32 s0, s2;
	s2 =	simm.s32 $0xA200;
	s0 =	simm.s32 $0x6  }
.LBB2_4:
0x13: {  	s4 =	simm.s32 $0x9  }
0x14: {  	_ =	swait.ge [sflag:s4], $0x2000  }
0x15: {  	[sflag:s4] =	ssyncset.done $0x0  }
0x16: {  	s10 =	simm.s32 $0xA;
	[sflag:s4] =	ssyncadd.s32 $0xFFFFE000  }
0x17: {  	_ =	swait.ge [sflag:s10], $0x2000  }
0x18: {  	[sflag:s10] =	ssyncset.done $0x0  }
0x19: {  	s16 =	simm.s32 $0xB;
	[sflag:s10] =	ssyncadd.s32 $0xFFFFE000  }
0x1a: {  	_ =	swait.ge [sflag:s16], $0x2000  }
0x1b: {  	[sflag:s16] =	ssyncset.done $0x0  }
0x1c: {  	s18 =	simm.s32 $0xC;
	[sflag:s16] =	ssyncadd.s32 $0xFFFFE000  }
0x1d: {  	_ =	swait.ge [sflag:s18], $0x2000  }
0x1e: {  	[sflag:s18] =	ssyncset.done $0x0  }
0x1f: {  	s8 =	simm.s32 $0xD;
	[sflag:s18] =	ssyncadd.s32 $0xFFFFE000  }
0x20: {  	_ =	swait.ge [sflag:s8], $0x2000  }
0x21: {  	[sflag:s8] =	ssyncset.done $0x0  }
0x22: {  	s10 =	simm.s32 $0xE;
	[sflag:s8] =	ssyncadd.s32 $0xFFFFE000  }
0x23: {  	_ =	swait.ge [sflag:s10], $0x2000  }
0x24: {  	[sflag:s10] =	ssyncset.done $0x0  }
0x25: {  	s16 =	simm.s32 $0xF;
	[sflag:s10] =	ssyncadd.s32 $0xFFFFE000  }
0x26: {  	_ =	swait.ge [sflag:s16], $0x2000  }
0x27: {  	[sflag:s16] =	ssyncset.done $0x0  }
0x28: {  	[sflag:s16] =	ssyncadd.s32 $0xFFFFE000  }
0x29: {  	_ =	swait.ge [sflag:s17], $0x2000  }
0x2a: {  	s8 =	rddreg [dreg:$0x6]  }
0x2b: {  	s18 =	rddreg [dreg:$0x5];
	s8 =	sadd.s32 $0x1, s8  }
0x2c: {  	p0 =	sne.s32 s8, s18  }
.Ltmp1:
0x2d: {  	_ = 	snop;
	(pc) =	sbr.rel @!p0 .LBB2_5-.Ltmp1, $3  }
0x2e: {  	_ =	sdelay $0x1  }
0x2f: {  	[sflag:s17] =	ssyncset.done $0x0  }
0x30: {  	[sflag:s17] =	ssyncadd.s32 $0xFFFFE000  }
.LBB2_1:
0x31: {  	[dreg:$0x6] =	wrdreg s8  }
0x32: {  	s4 =	rddreg [dreg:$0x4];
	s16 =	simm.s32 $0x11  }
0x33: {  	[tilespmem:s3], [sflag:$0x11] =	stream.linear.gather [hbm4b:s4+s3], $0x200, $0x38;
	[tilespmem:$0x10200] =	vst v63  }
0x34: {  	_ =	swait.ge [sflag:s16], $0x200  }
0x35: {  	[sflag:s16] =	ssyncset.done $0x0  }
0x36: {  	[sflag:s16] =	ssyncadd.s32 $0xFFFFFE00  }
0x37: {  	v2 =	vld.msk [tilespmem:$0x0], $0xff;
	_ =	sdelay $0x4  }
0x38: {  	v3 =	vshll.u32 v2, $0x3  }
0x39: {  	v2 =	vand.u32 $0x7, v2;
	v3 =	vand.u32 $0xFFFFFFC0, v3  }
0x3a: {  	v2 =	vor.u32 v2, v3  }
0x3b: {  	v2 =	vperm.xlane v2, v0;
	_ =	sdelay $0x1  }
0x3c: {  	v2 =	vadd.s32 v1, v2;
	_ =	sdelay $0x4  }
0x3d: {  	[tilespmem:s11], [sflag:$0x1] =	stream.indirect_vreg.gather [hbm4b:s1+s3], $0x80, v2, vm0, $0xb8;
	[tilespmem:$0x10200] =	vst v63  }
0x3e: {  	s18 =	simm.s32 $0xA00  }
0x3f: {  	[tilespmem:s18], [sflag:$0x1] =	stream.indirect_vreg.gather [hbm4b:s5+s3], $0x80, v2, vm0, $0xb8;
	[tilespmem:$0x10200] =	vst v63  }
0x40: {  	s8 =	simm.s32 $0x1200  }
0x41: {  	[tilespmem:s8], [sflag:$0x1] =	stream.indirect_vreg.gather [hbm4b:s6+s3], $0x80, v2, vm0, $0xb8;
	[tilespmem:$0x10200] =	vst v63  }
0x42: {  	s10 =	simm.s32 $0x1A00  }
0x43: {  	[tilespmem:s10], [sflag:$0x1] =	stream.indirect_vreg.gather [hbm4b:s7+s3], $0x80, v2, vm0, $0xb8;
	[tilespmem:$0x10200] =	vst v63  }
0x44: {  	v2 =	vld.msk [tilespmem:$0x8], $0xff;
	_ =	sdelay $0x4  }
0x45: {  	v3 =	vshll.u32 v2, $0x3  }
0x46: {  	v2 =	vand.u32 $0x7, v2;
	v3 =	vand.u32 $0xFFFFFFC0, v3  }
0x47: {  	v2 =	vor.u32 v2, v3  }
0x48: {  	v2 =	vperm.xlane v2, v0;
	_ =	sdelay $0x1  }
0x49: {  	v2 =	vadd.s32 v1, v2;
	_ =	sdelay $0x4  }
0x4a: {  	[tilespmem:s15], [sflag:$0x2] =	stream.indirect_vreg.gather [hbm4b:s1+s3], $0x80, v2, vm0, $0xb8;
	[tilespmem:$0x10200] =	vst v63  }
0x4b: {  	s16 =	simm.s32 $0x2A00  }
0x4c: {  	[tilespmem:s16], [sflag:$0x2] =	stream.indirect_vreg.gather [hbm4b:s5+s3], $0x80, v2, vm0, $0xb8;
	[tilespmem:$0x10200] =	vst v63  }
0x4d: {  	s18 =	simm.s32 $0x3200  }
0x4e: {  	[tilespmem:s18], [sflag:$0x2] =	stream.indirect_vreg.gather [hbm4b:s6+s3], $0x80, v2, vm0, $0xb8;
	[tilespmem:$0x10200] =	vst v63  }
0x4f: {  	s8 =	simm.s32 $0x3A00  }
0x50: {  	[tilespmem:s8], [sflag:$0x2] =	stream.indirect_vreg.gather [hbm4b:s7+s3], $0x80, v2, vm0, $0xb8;
	[tilespmem:$0x10200] =	vst v63  }
0x51: {  	v2 =	vld.msk [tilespmem:$0x10], $0xff;
	_ =	sdelay $0x4  }
0x52: {  	v3 =	vshll.u32 v2, $0x3  }
0x53: {  	v2 =	vand.u32 $0x7, v2;
	v3 =	vand.u32 $0xFFFFFFC0, v3  }
0x54: {  	v2 =	vor.u32 v2, v3  }
0x55: {  	v2 =	vperm.xlane v2, v0;
	_ =	sdelay $0x1  }
0x56: {  	v2 =	vadd.s32 v1, v2;
	_ =	sdelay $0x4  }
0x57: {  	[tilespmem:s19], [sflag:$0x3] =	stream.indirect_vreg.gather [hbm4b:s1+s3], $0x80, v2, vm0, $0xb8;
	[tilespmem:$0x10200] =	vst v63  }
0x58: {  	s10 =	simm.s32 $0x4A00  }
0x59: {  	[tilespmem:s10], [sflag:$0x3] =	stream.indirect_vreg.gather [hbm4b:s5+s3], $0x80, v2, vm0, $0xb8;
	[tilespmem:$0x10200] =	vst v63  }
0x5a: {  	s16 =	simm.s32 $0x5200  }
0x5b: {  	[tilespmem:s16], [sflag:$0x3] =	stream.indirect_vreg.gather [hbm4b:s6+s3], $0x80, v2, vm0, $0xb8;
	[tilespmem:$0x10200] =	vst v63  }
0x5c: {  	s18 =	simm.s32 $0x5A00  }
0x5d: {  	[tilespmem:s18], [sflag:$0x3] =	stream.indirect_vreg.gather [hbm4b:s7+s3], $0x80, v2, vm0, $0xb8;
	[tilespmem:$0x10200] =	vst v63  }
0x5e: {  	v2 =	vld.msk [tilespmem:$0x18], $0xff;
	_ =	sdelay $0x4  }
0x5f: {  	v3 =	vshll.u32 v2, $0x3  }
0x60: {  	v2 =	vand.u32 $0x7, v2;
	v3 =	vand.u32 $0xFFFFFFC0, v3  }
0x61: {  	v2 =	vor.u32 v2, v3  }
0x62: {  	v2 =	vperm.xlane v2, v0;
	_ =	sdelay $0x1  }
0x63: {  	v2 =	vadd.s32 v1, v2;
	_ =	sdelay $0x4  }
0x64: {  	[tilespmem:s23], [sflag:$0x4] =	stream.indirect_vreg.gather [hbm4b:s1+s3], $0x80, v2, vm0, $0xb8;
	[tilespmem:$0x10200] =	vst v63  }
0x65: {  	s8 =	simm.s32 $0x6A00  }
0x66: {  	[tilespmem:s8], [sflag:$0x4] =	stream.indirect_vreg.gather [hbm4b:s5+s3], $0x80, v2, vm0, $0xb8;
	[tilespmem:$0x10200] =	vst v63  }
0x67: {  	s10 =	simm.s32 $0x7200  }
0x68: {  	[tilespmem:s10], [sflag:$0x4] =	stream.indirect_vreg.gather [hbm4b:s6+s3], $0x80, v2, vm0, $0xb8;
	[tilespmem:$0x10200] =	vst v63  }
0x69: {  	s16 =	simm.s32 $0x7A00  }
0x6a: {  	[tilespmem:s16], [sflag:$0x4] =	stream.indirect_vreg.gather [hbm4b:s7+s3], $0x80, v2, vm0, $0xb8;
	[tilespmem:$0x10200] =	vst v63  }
0x6b: {  	v2 =	vld.msk [tilespmem:$0x20], $0xff;
	_ =	sdelay $0x4  }
0x6c: {  	v3 =	vshll.u32 v2, $0x3  }
0x6d: {  	v2 =	vand.u32 $0x7, v2;
	v3 =	vand.u32 $0xFFFFFFC0, v3  }
0x6e: {  	v2 =	vor.u32 v2, v3  }
0x6f: {  	v2 =	vperm.xlane v2, v0;
	_ =	sdelay $0x1  }
0x70: {  	v2 =	vadd.s32 v1, v2;
	_ =	sdelay $0x4  }
0x71: {  	[tilespmem:s28], [sflag:$0x5] =	stream.indirect_vreg.gather [hbm4b:s1+s3], $0x80, v2, vm0, $0xb8;
	[tilespmem:$0x10200] =	vst v63  }
0x72: {  	s18 =	simm.s32 $0x8A00  }
0x73: {  	[tilespmem:s18], [sflag:$0x5] =	stream.indirect_vreg.gather [hbm4b:s5+s3], $0x80, v2, vm0, $0xb8;
	[tilespmem:$0x10200] =	vst v63  }
0x74: {  	s8 =	simm.s32 $0x9200  }
0x75: {  	[tilespmem:s8], [sflag:$0x5] =	stream.indirect_vreg.gather [hbm4b:s6+s3], $0x80, v2, vm0, $0xb8;
	[tilespmem:$0x10200] =	vst v63  }
0x76: {  	s10 =	simm.s32 $0x9A00  }
0x77: {  	[tilespmem:s10], [sflag:$0x5] =	stream.indirect_vreg.gather [hbm4b:s7+s3], $0x80, v2, vm0, $0xb8;
	[tilespmem:$0x10200] =	vst v63  }
0x78: {  	v2 =	vld.msk [tilespmem:$0x28], $0xff;
	_ =	sdelay $0x4  }
0x79: {  	v3 =	vshll.u32 v2, $0x3  }
0x7a: {  	v2 =	vand.u32 $0x7, v2;
	v3 =	vand.u32 $0xFFFFFFC0, v3  }
0x7b: {  	v2 =	vor.u32 v2, v3  }
0x7c: {  	v2 =	vperm.xlane v2, v0;
	_ =	sdelay $0x1  }
0x7d: {  	v2 =	vadd.s32 v1, v2;
	_ =	sdelay $0x4  }
0x7e: {  	[tilespmem:s2], [sflag:$0x6] =	stream.indirect_vreg.gather [hbm4b:s1+s3], $0x80, v2, vm0, $0xb8;
	[tilespmem:$0x10200] =	vst v63  }
0x7f: {  	s16 =	simm.s32 $0xAA00  }
0x80: {  	[tilespmem:s16], [sflag:$0x6] =	stream.indirect_vreg.gather [hbm4b:s5+s3], $0x80, v2, vm0, $0xb8;
	[tilespmem:$0x10200] =	vst v63  }
0x81: {  	s18 =	simm.s32 $0xB200  }
0x82: {  	[tilespmem:s18], [sflag:$0x6] =	stream.indirect_vreg.gather [hbm4b:s6+s3], $0x80, v2, vm0, $0xb8;
	[tilespmem:$0x10200] =	vst v63  }
0x83: {  	s8 =	simm.s32 $0xBA00  }
0x84: {  	[tilespmem:s8], [sflag:$0x6] =	stream.indirect_vreg.gather [hbm4b:s7+s3], $0x80, v2, vm0, $0xb8;
	[tilespmem:$0x10200] =	vst v63  }
0x85: {  	v2 =	vld.msk [tilespmem:$0x30], $0xff;
	_ =	sdelay $0x4  }
0x86: {  	v3 =	vshll.u32 v2, $0x3  }
0x87: {  	v2 =	vand.u32 $0x7, v2;
	v3 =	vand.u32 $0xFFFFFFC0, v3  }
0x88: {  	v2 =	vor.u32 v2, v3  }
0x89: {  	v2 =	vperm.xlane v2, v0;
	_ =	sdelay $0x1  }
0x8a: {  	v2 =	vadd.s32 v1, v2;
	_ =	sdelay $0x4  }
0x8b: {  	[tilespmem:s14], [sflag:$0x7] =	stream.indirect_vreg.gather [hbm4b:s1+s3], $0x80, v2, vm0, $0xb8;
	[tilespmem:$0x10200] =	vst v63  }
0x8c: {  	s10 =	simm.s32 $0xCA00  }
0x8d: {  	[tilespmem:s10], [sflag:$0x7] =	stream.indirect_vreg.gather [hbm4b:s5+s3], $0x80, v2, vm0, $0xb8;
	[tilespmem:$0x10200] =	vst v63  }
0x8e: {  	s16 =	simm.s32 $0xD200  }
0x8f: {  	[tilespmem:s16], [sflag:$0x7] =	stream.indirect_vreg.gather [hbm4b:s6+s3], $0x80, v2, vm0, $0xb8;
	[tilespmem:$0x10200] =	vst v63  }
0x90: {  	s18 =	simm.s32 $0xDA00  }
0x91: {  	[tilespmem:s18], [sflag:$0x7] =	stream.indirect_vreg.gather [hbm4b:s7+s3], $0x80, v2, vm0, $0xb8;
	[tilespmem:$0x10200] =	vst v63  }
0x92: {  	v2 =	vld.msk [tilespmem:$0x38], $0xff;
	_ =	sdelay $0x4  }
0x93: {  	v3 =	vshll.u32 v2, $0x3  }
0x94: {  	v2 =	vand.u32 $0x7, v2;
	v3 =	vand.u32 $0xFFFFFFC0, v3  }
0x95: {  	v2 =	vor.u32 v2, v3  }
0x96: {  	v2 =	vperm.xlane v2, v0;
	_ =	sdelay $0x1  }
0x97: {  	v2 =	vadd.s32 v1, v2;
	_ =	sdelay $0x4  }
0x98: {  	[tilespmem:s20], [sflag:$0x8] =	stream.indirect_vreg.gather [hbm4b:s1+s3], $0x80, v2, vm0, $0xb8;
	[tilespmem:$0x10200] =	vst v63  }
0x99: {  	_ = 	snop  }
0x9a: {  	[tilespmem:s21], [sflag:$0x8] =	stream.indirect_vreg.gather [hbm4b:s5+s3], $0x80, v2, vm0, $0xb8;
	[tilespmem:$0x10200] =	vst v63  }
0x9b: {  	_ = 	snop  }
0x9c: {  	[tilespmem:s22], [sflag:$0x8] =	stream.indirect_vreg.gather [hbm4b:s6+s3], $0x80, v2, vm0, $0xb8;
	[tilespmem:$0x10200] =	vst v63  }
0x9d: {  	s4 =	simm.s32 $0x78;
	s8 =	simm.s32 $0x0  }
0x9e: {  	[tilespmem:s24], [sflag:$0x8] =	stream.indirect_vreg.gather [hbm4b:s7+s3], $0x80, v2, vm0, $0xb8;
	[tilespmem:$0x10200] =	vst v63  }
.LBB2_2:
0x9f: {  	_ =	swait.ge [sflag:s25], $0x2000  }
0xa0: {  	p0 =	seq.s32 s8, $0xE000;
	[sflag:s25] =	ssyncset.done $0x0  }
0xa1: {  	s10 =	sadd.s32 s8, s9;
	s16 =	simm.s32 @!p0 $0x9;
	[sflag:s25] =	ssyncadd.s32 $0xFFFFE000  }
0xa2: {  	[hbm4b:s10+s3] =	stream.linear.scatter [tilespmem:s11], [sflag:$0x9], $0x2000, $0x38;
	[tilespmem:$0x10200] =	vst v63  }
0xa3: {  	_ =	swait.ge @!p0 [sflag:s16], $0x2000  }
0xa4: {  	[sflag:s16] =	ssyncset.done @!p0 $0x0  }
0xa5: {  	[sflag:s16] =	ssyncadd.s32 @!p0 $0xFFFFE000  }
0xa6: {  	v2 =	vld.msk @!p0 [tilespmem:s4+$0xFFFFFFC8], $0xff;
	_ =	sdelay $0x4  }
0xa7: {  	v3 =	vshll.u32 @!p0 v2, $0x3  }
0xa8: {  	v4 =	vlaneseq.u32 @!p0;
	v2 =	vand.u32 @!p0 $0x7, v2;
	v3 =	vand.u32 @!p0 $0xFFFFFFC0, v3  }
0xa9: {  	v3 =	vor.u32 @!p0 v2, v3;
	v2 =	vand.u32 @!p0 $0x7, v4;
	v4 =	vshrl.u32 @!p0 v4, $0x3  }
0xaa: {  	v5 =	vperm.xlane @!p0 v3, v2;
	v3 =	vmul.u32 @!p0 $0x8, v4;
	_ =	sdelay $0x1  }
0xab: {  	v4 =	vadd.s32 @!p0 v3, v5;
	_ =	sdelay $0x3  }
0xac: {  	vm1 =	vmmov @!p0 $0xffff;
	s18 =	simm.s32 @!p0 $0x200;
	s16 =	simm.s32 @!p0 $0x0  }
0xad: {  	[tilespmem:s18], [sflag:$0x1] =	stream.indirect_vreg.gather @!p0 [hbm4b:s1+s16], $0x80, v4, vm1, $0xb8;
	[tilespmem:$0x10200] =	vst v63  }
0xae: {  	s18 =	simm.s32 @!p0 $0xA00  }
0xaf: {  	[tilespmem:s18], [sflag:$0x1] =	stream.indirect_vreg.gather @!p0 [hbm4b:s5+s16], $0x80, v4, vm1, $0xb8;
	[tilespmem:$0x10200] =	vst v63  }
0xb0: {  	s18 =	simm.s32 @!p0 $0x1200  }
0xb1: {  	[tilespmem:s18], [sflag:$0x1] =	stream.indirect_vreg.gather @!p0 [hbm4b:s6+s16], $0x80, v4, vm1, $0xb8;
	[tilespmem:$0x10200] =	vst v63  }
0xb2: {  	s18 =	simm.s32 @!p0 $0x1A00  }
0xb3: {  	[tilespmem:s18], [sflag:$0x1] =	stream.indirect_vreg.gather @!p0 [hbm4b:s7+s16], $0x80, v4, vm1, $0xb8;
	[tilespmem:$0x10200] =	vst v63  }
0xb4: {  	_ =	swait.ge [sflag:s26], $0x2000  }
0xb5: {  	[sflag:s26] =	ssyncset.done $0x0  }
0xb6: {  	s18 =	sadd.s32 $0x400, s10;
	[sflag:s26] =	ssyncadd.s32 $0xFFFFE000  }
0xb7: {  	[hbm4b:s18+s3] =	stream.linear.scatter [tilespmem:s15], [sflag:$0xA], $0x2000, $0x38;
	[tilespmem:$0x10200] =	vst v63  }
0xb8: {  	s18 =	simm.s32 @!p0 $0xA  }
0xb9: {  	_ =	swait.ge @!p0 [sflag:s18], $0x2000  }
0xba: {  	[sflag:s18] =	ssyncset.done @!p0 $0x0  }
0xbb: {  	[sflag:s18] =	ssyncadd.s32 @!p0 $0xFFFFE000  }
0xbc: {  	v4 =	vld.msk @!p0 [tilespmem:s4+$0xFFFFFFD0], $0xff;
	_ =	sdelay $0x4  }
0xbd: {  	v5 =	vshll.u32 @!p0 v4, $0x3  }
0xbe: {  	v4 =	vand.u32 @!p0 $0x7, v4;
	v5 =	vand.u32 @!p0 $0xFFFFFFC0, v5  }
0xbf: {  	v4 =	vor.u32 @!p0 v4, v5  }
0xc0: {  	v4 =	vperm.xlane @!p0 v4, v2;
	_ =	sdelay $0x1  }
0xc1: {  	v4 =	vadd.s32 @!p0 v3, v4;
	_ =	sdelay $0x3  }
0xc2: {  	s18 =	simm.s32 @!p0 $0x2200  }
0xc3: {  	[tilespmem:s18], [sflag:$0x2] =	stream.indirect_vreg.gather @!p0 [hbm4b:s1+s16], $0x80, v4, vm1, $0xb8;
	[tilespmem:$0x10200] =	vst v63  }
0xc4: {  	s18 =	simm.s32 @!p0 $0x2A00  }
0xc5: {  	[tilespmem:s18], [sflag:$0x2] =	stream.indirect_vreg.gather @!p0 [hbm4b:s5+s16], $0x80, v4, vm1, $0xb8;
	[tilespmem:$0x10200] =	vst v63  }
0xc6: {  	s18 =	simm.s32 @!p0 $0x3200  }
0xc7: {  	[tilespmem:s18], [sflag:$0x2] =	stream.indirect_vreg.gather @!p0 [hbm4b:s6+s16], $0x80, v4, vm1, $0xb8;
	[tilespmem:$0x10200] =	vst v63  }
0xc8: {  	s18 =	simm.s32 @!p0 $0x3A00  }
0xc9: {  	[tilespmem:s18], [sflag:$0x2] =	stream.indirect_vreg.gather @!p0 [hbm4b:s7+s16], $0x80, v4, vm1, $0xb8;
	[tilespmem:$0x10200] =	vst v63  }
0xca: {  	_ =	swait.ge [sflag:s29], $0x2000  }
0xcb: {  	[sflag:s29] =	ssyncset.done $0x0  }
0xcc: {  	s18 =	sadd.s32 $0x800, s10;
	[sflag:s29] =	ssyncadd.s32 $0xFFFFE000  }
0xcd: {  	[hbm4b:s18+s3] =	stream.linear.scatter [tilespmem:s19], [sflag:$0xB], $0x2000, $0x38;
	[tilespmem:$0x10200] =	vst v63  }
0xce: {  	s18 =	simm.s32 @!p0 $0xB  }
0xcf: {  	_ =	swait.ge @!p0 [sflag:s18], $0x2000  }
0xd0: {  	[sflag:s18] =	ssyncset.done @!p0 $0x0  }
0xd1: {  	[sflag:s18] =	ssyncadd.s32 @!p0 $0xFFFFE000  }
0xd2: {  	v4 =	vld.msk @!p0 [tilespmem:s4+$0xFFFFFFD8], $0xff;
	_ =	sdelay $0x4  }
0xd3: {  	v5 =	vshll.u32 @!p0 v4, $0x3  }
0xd4: {  	v4 =	vand.u32 @!p0 $0x7, v4;
	v5 =	vand.u32 @!p0 $0xFFFFFFC0, v5  }
0xd5: {  	v4 =	vor.u32 @!p0 v4, v5  }
0xd6: {  	v4 =	vperm.xlane @!p0 v4, v2;
	_ =	sdelay $0x1  }
0xd7: {  	v4 =	vadd.s32 @!p0 v3, v4;
	_ =	sdelay $0x3  }
0xd8: {  	s18 =	simm.s32 @!p0 $0x4200  }
0xd9: {  	[tilespmem:s18], [sflag:$0x3] =	stream.indirect_vreg.gather @!p0 [hbm4b:s1+s16], $0x80, v4, vm1, $0xb8;
	[tilespmem:$0x10200] =	vst v63  }
0xda: {  	s18 =	simm.s32 @!p0 $0x4A00  }
0xdb: {  	[tilespmem:s18], [sflag:$0x3] =	stream.indirect_vreg.gather @!p0 [hbm4b:s5+s16], $0x80, v4, vm1, $0xb8;
	[tilespmem:$0x10200] =	vst v63  }
0xdc: {  	s18 =	simm.s32 @!p0 $0x5200  }
0xdd: {  	[tilespmem:s18], [sflag:$0x3] =	stream.indirect_vreg.gather @!p0 [hbm4b:s6+s16], $0x80, v4, vm1, $0xb8;
	[tilespmem:$0x10200] =	vst v63  }
0xde: {  	s18 =	simm.s32 @!p0 $0x5A00  }
0xdf: {  	[tilespmem:s18], [sflag:$0x3] =	stream.indirect_vreg.gather @!p0 [hbm4b:s7+s16], $0x80, v4, vm1, $0xb8;
	[tilespmem:$0x10200] =	vst v63  }
0xe0: {  	_ =	swait.ge [sflag:s30], $0x2000  }
0xe1: {  	[sflag:s30] =	ssyncset.done $0x0  }
0xe2: {  	s18 =	sadd.s32 $0xC00, s10;
	[sflag:s30] =	ssyncadd.s32 $0xFFFFE000  }
0xe3: {  	[hbm4b:s18+s3] =	stream.linear.scatter [tilespmem:s23], [sflag:$0xC], $0x2000, $0x38;
	[tilespmem:$0x10200] =	vst v63  }
0xe4: {  	s18 =	simm.s32 @!p0 $0xC  }
0xe5: {  	_ =	swait.ge @!p0 [sflag:s18], $0x2000  }
0xe6: {  	[sflag:s18] =	ssyncset.done @!p0 $0x0  }
0xe7: {  	[sflag:s18] =	ssyncadd.s32 @!p0 $0xFFFFE000  }
0xe8: {  	v4 =	vld.msk @!p0 [tilespmem:s4+$0xFFFFFFE0], $0xff;
	_ =	sdelay $0x4  }
0xe9: {  	v5 =	vshll.u32 @!p0 v4, $0x3  }
0xea: {  	v4 =	vand.u32 @!p0 $0x7, v4;
	v5 =	vand.u32 @!p0 $0xFFFFFFC0, v5  }
0xeb: {  	v4 =	vor.u32 @!p0 v4, v5  }
0xec: {  	v4 =	vperm.xlane @!p0 v4, v2;
	_ =	sdelay $0x1  }
0xed: {  	v4 =	vadd.s32 @!p0 v3, v4;
	_ =	sdelay $0x3  }
0xee: {  	s18 =	simm.s32 @!p0 $0x6200  }
0xef: {  	[tilespmem:s18], [sflag:$0x4] =	stream.indirect_vreg.gather @!p0 [hbm4b:s1+s16], $0x80, v4, vm1, $0xb8;
	[tilespmem:$0x10200] =	vst v63  }
0xf0: {  	s18 =	simm.s32 @!p0 $0x6A00  }
0xf1: {  	[tilespmem:s18], [sflag:$0x4] =	stream.indirect_vreg.gather @!p0 [hbm4b:s5+s16], $0x80, v4, vm1, $0xb8;
	[tilespmem:$0x10200] =	vst v63  }
0xf2: {  	s18 =	simm.s32 @!p0 $0x7200  }
0xf3: {  	[tilespmem:s18], [sflag:$0x4] =	stream.indirect_vreg.gather @!p0 [hbm4b:s6+s16], $0x80, v4, vm1, $0xb8;
	[tilespmem:$0x10200] =	vst v63  }
0xf4: {  	s18 =	simm.s32 @!p0 $0x7A00  }
0xf5: {  	[tilespmem:s18], [sflag:$0x4] =	stream.indirect_vreg.gather @!p0 [hbm4b:s7+s16], $0x80, v4, vm1, $0xb8;
	[tilespmem:$0x10200] =	vst v63  }
0xf6: {  	_ =	swait.ge [sflag:s31], $0x2000  }
0xf7: {  	[sflag:s31] =	ssyncset.done $0x0  }
0xf8: {  	s18 =	sadd.s32 $0x1000, s10;
	[sflag:s31] =	ssyncadd.s32 $0xFFFFE000  }
0xf9: {  	[hbm4b:s18+s3] =	stream.linear.scatter [tilespmem:s28], [sflag:$0xD], $0x2000, $0x38;
	[tilespmem:$0x10200] =	vst v63  }
0xfa: {  	s18 =	simm.s32 @!p0 $0xD  }
0xfb: {  	_ =	swait.ge @!p0 [sflag:s18], $0x2000  }
0xfc: {  	[sflag:s18] =	ssyncset.done @!p0 $0x0  }
0xfd: {  	[sflag:s18] =	ssyncadd.s32 @!p0 $0xFFFFE000  }
0xfe: {  	v4 =	vld.msk @!p0 [tilespmem:s4+$0xFFFFFFE8], $0xff;
	_ =	sdelay $0x4  }
0xff: {  	v5 =	vshll.u32 @!p0 v4, $0x3  }
0x100: {  	v4 =	vand.u32 @!p0 $0x7, v4;
	v5 =	vand.u32 @!p0 $0xFFFFFFC0, v5  }
0x101: {  	v4 =	vor.u32 @!p0 v4, v5  }
0x102: {  	v4 =	vperm.xlane @!p0 v4, v2;
	_ =	sdelay $0x1  }
0x103: {  	v4 =	vadd.s32 @!p0 v3, v4;
	_ =	sdelay $0x3  }
0x104: {  	s18 =	simm.s32 @!p0 $0x8200  }
0x105: {  	[tilespmem:s18], [sflag:$0x5] =	stream.indirect_vreg.gather @!p0 [hbm4b:s1+s16], $0x80, v4, vm1, $0xb8;
	[tilespmem:$0x10200] =	vst v63  }
0x106: {  	s18 =	simm.s32 @!p0 $0x8A00  }
0x107: {  	[tilespmem:s18], [sflag:$0x5] =	stream.indirect_vreg.gather @!p0 [hbm4b:s5+s16], $0x80, v4, vm1, $0xb8;
	[tilespmem:$0x10200] =	vst v63  }
0x108: {  	s18 =	simm.s32 @!p0 $0x9200  }
0x109: {  	[tilespmem:s18], [sflag:$0x5] =	stream.indirect_vreg.gather @!p0 [hbm4b:s6+s16], $0x80, v4, vm1, $0xb8;
	[tilespmem:$0x10200] =	vst v63  }
0x10a: {  	s18 =	simm.s32 @!p0 $0x9A00  }
0x10b: {  	[tilespmem:s18], [sflag:$0x5] =	stream.indirect_vreg.gather @!p0 [hbm4b:s7+s16], $0x80, v4, vm1, $0xb8;
	[tilespmem:$0x10200] =	vst v63  }
0x10c: {  	_ =	swait.ge [sflag:s0], $0x2000  }
0x10d: {  	[sflag:s0] =	ssyncset.done $0x0  }
0x10e: {  	s18 =	sadd.s32 $0x1400, s10;
	[sflag:s0] =	ssyncadd.s32 $0xFFFFE000  }
0x10f: {  	[hbm4b:s18+s3] =	stream.linear.scatter [tilespmem:s2], [sflag:$0xE], $0x2000, $0x38;
	[tilespmem:$0x10200] =	vst v63  }
0x110: {  	s18 =	simm.s32 @!p0 $0xE  }
0x111: {  	_ =	swait.ge @!p0 [sflag:s18], $0x2000  }
0x112: {  	[sflag:s18] =	ssyncset.done @!p0 $0x0  }
0x113: {  	[sflag:s18] =	ssyncadd.s32 @!p0 $0xFFFFE000  }
0x114: {  	v4 =	vld.msk @!p0 [tilespmem:s4+$0xFFFFFFF0], $0xff;
	_ =	sdelay $0x4  }
0x115: {  	v5 =	vshll.u32 @!p0 v4, $0x3  }
0x116: {  	v4 =	vand.u32 @!p0 $0x7, v4;
	v5 =	vand.u32 @!p0 $0xFFFFFFC0, v5  }
0x117: {  	v4 =	vor.u32 @!p0 v4, v5  }
0x118: {  	v4 =	vperm.xlane @!p0 v4, v2;
	_ =	sdelay $0x1  }
0x119: {  	v4 =	vadd.s32 @!p0 v3, v4;
	_ =	sdelay $0x3  }
0x11a: {  	s18 =	simm.s32 @!p0 $0xA200  }
0x11b: {  	[tilespmem:s18], [sflag:$0x6] =	stream.indirect_vreg.gather @!p0 [hbm4b:s1+s16], $0x80, v4, vm1, $0xb8;
	[tilespmem:$0x10200] =	vst v63  }
0x11c: {  	s18 =	simm.s32 @!p0 $0xAA00  }
0x11d: {  	[tilespmem:s18], [sflag:$0x6] =	stream.indirect_vreg.gather @!p0 [hbm4b:s5+s16], $0x80, v4, vm1, $0xb8;
	[tilespmem:$0x10200] =	vst v63  }
0x11e: {  	s18 =	simm.s32 @!p0 $0xB200  }
0x11f: {  	[tilespmem:s18], [sflag:$0x6] =	stream.indirect_vreg.gather @!p0 [hbm4b:s6+s16], $0x80, v4, vm1, $0xb8;
	[tilespmem:$0x10200] =	vst v63  }
0x120: {  	s18 =	simm.s32 @!p0 $0xBA00  }
0x121: {  	[tilespmem:s18], [sflag:$0x6] =	stream.indirect_vreg.gather @!p0 [hbm4b:s7+s16], $0x80, v4, vm1, $0xb8;
	[tilespmem:$0x10200] =	vst v63  }
0x122: {  	_ =	swait.ge [sflag:s12], $0x2000  }
0x123: {  	[sflag:s12] =	ssyncset.done $0x0  }
0x124: {  	s18 =	sadd.s32 $0x1800, s10;
	[sflag:s12] =	ssyncadd.s32 $0xFFFFE000  }
0x125: {  	[hbm4b:s18+s3] =	stream.linear.scatter [tilespmem:s14], [sflag:$0xF], $0x2000, $0x38;
	[tilespmem:$0x10200] =	vst v63  }
0x126: {  	s18 =	simm.s32 @!p0 $0xF  }
0x127: {  	_ =	swait.ge @!p0 [sflag:s18], $0x2000  }
0x128: {  	[sflag:s18] =	ssyncset.done @!p0 $0x0  }
0x129: {  	[sflag:s18] =	ssyncadd.s32 @!p0 $0xFFFFE000  }
0x12a: {  	v4 =	vld.msk @!p0 [tilespmem:s4+$0xFFFFFFF8], $0xff;
	_ =	sdelay $0x4  }
0x12b: {  	v5 =	vshll.u32 @!p0 v4, $0x3  }
0x12c: {  	v4 =	vand.u32 @!p0 $0x7, v4;
	v5 =	vand.u32 @!p0 $0xFFFFFFC0, v5  }
0x12d: {  	v4 =	vor.u32 @!p0 v4, v5  }
0x12e: {  	v2 =	vperm.xlane @!p0 v4, v2;
	_ =	sdelay $0x1  }
0x12f: {  	v2 =	vadd.s32 @!p0 v3, v2;
	_ =	sdelay $0x3  }
0x130: {  	s18 =	simm.s32 @!p0 $0xC200  }
0x131: {  	[tilespmem:s18], [sflag:$0x7] =	stream.indirect_vreg.gather @!p0 [hbm4b:s1+s16], $0x80, v2, vm1, $0xb8;
	[tilespmem:$0x10200] =	vst v63  }
0x132: {  	s18 =	simm.s32 @!p0 $0xCA00  }
0x133: {  	[tilespmem:s18], [sflag:$0x7] =	stream.indirect_vreg.gather @!p0 [hbm4b:s5+s16], $0x80, v2, vm1, $0xb8;
	[tilespmem:$0x10200] =	vst v63  }
0x134: {  	s18 =	simm.s32 @!p0 $0xD200  }
0x135: {  	[tilespmem:s18], [sflag:$0x7] =	stream.indirect_vreg.gather @!p0 [hbm4b:s6+s16], $0x80, v2, vm1, $0xb8;
	[tilespmem:$0x10200] =	vst v63  }
0x136: {  	s18 =	simm.s32 @!p0 $0xDA00  }
0x137: {  	[tilespmem:s18], [sflag:$0x7] =	stream.indirect_vreg.gather @!p0 [hbm4b:s7+s16], $0x80, v2, vm1, $0xb8;
	[tilespmem:$0x10200] =	vst v63  }
.Ltmp2:
0x138: {  	_ = 	snop;
	(pc) =	sbr.rel @p0 .LBB2_4-.Ltmp2, $4  }
0x139: {  	_ =	swait.ge [sflag:s13], $0x2000  }
0x13a: {  	[sflag:s13] =	ssyncset.done $0x0  }
0x13b: {  	s10 =	sadd.s32 $0x1C00, s10;
	[sflag:s13] =	ssyncadd.s32 $0xFFFFE000  }
0x13c: {  	[hbm4b:s10+s3] =	stream.linear.scatter [tilespmem:s20], [sflag:$0x10], $0x2000, $0x38;
	[tilespmem:$0x10200] =	vst v63  }
0x13d: {  	_ =	swait.ge [sflag:s17], $0x2000  }
0x13e: {  	[sflag:s17] =	ssyncset.done $0x0  }
0x13f: {  	[sflag:s17] =	ssyncadd.s32 $0xFFFFE000  }
0x140: {  	v2 =	vld.msk [tilespmem:s4+$0x0], $0xff;
	_ =	sdelay $0x4  }
0x141: {  	v3 =	vshll.u32 v2, $0x3  }
0x142: {  	v2 =	vand.u32 $0x7, v2;
	v3 =	vand.u32 $0xFFFFFFC0, v3  }
0x143: {  	v2 =	vor.u32 v2, v3  }
0x144: {  	v2 =	vperm.xlane v2, v0;
	_ =	sdelay $0x1  }
0x145: {  	v2 =	vadd.s32 v1, v2;
	_ =	sdelay $0x4  }
0x146: {  	[tilespmem:s20], [sflag:$0x8] =	stream.indirect_vreg.gather [hbm4b:s1+s3], $0x80, v2, vm0, $0xb8;
	[tilespmem:$0x10200] =	vst v63  }
0x147: {  	_ = 	snop  }
0x148: {  	[tilespmem:s21], [sflag:$0x8] =	stream.indirect_vreg.gather [hbm4b:s5+s3], $0x80, v2, vm0, $0xb8;
	[tilespmem:$0x10200] =	vst v63  }
.Ltmp3:
0x149: {  	_ = 	snop;
	(pc) =	sbr.rel .LBB2_2-.Ltmp3, $4  }
0x14a: {  	_ = 	snop  }
0x14b: {  	[tilespmem:s22], [sflag:$0x8] =	stream.indirect_vreg.gather [hbm4b:s6+s3], $0x80, v2, vm0, $0xb8;
	[tilespmem:$0x10200] =	vst v63  }
0x14c: {  	s8 =	sadd.s32 $0x2000, s8;
	s4 =	sadd.s32 $0x40, s4  }
0x14d: {  	[tilespmem:s24], [sflag:$0x8] =	stream.indirect_vreg.gather [hbm4b:s7+s3], $0x80, v2, vm0, $0xb8;
	[tilespmem:$0x10200] =	vst v63  }
.LBB2_5:
0x14e: {  	_ =	sfence.sel $0x180000  }
0x14f: {  	[bflag:$0x0] =	sbarrier.arrive $0xFFFF  }
0x150: {  	_ =	strace $0x90000047  }
0x151: {  	s0 =	stileid.u32;
	[bflag:$0x2] =	sbarrier.arrive $0xFFFF  }
0x152: {  	p0 =	sne.s32 s0, $0x0;
	s0 =	rddreg [dreg:$0x3]  }
0x153: {  	s0 =	sadd.s32 @!p0 $0x100000, s0  }
0x154: {  	[sflag:s0] =	ssyncadd.tile.s32 @!p0 $0x1;
	_ =	shalt  }
.Lfunc_end2:
_tile_overlayer_lowered:
.L_overlay_start_2:
0x155: {  	(tag) =	ssettag $0x2  }
0x156: {  	s0 =	rddreg [dreg:$0x0];
	s2 =	stileid.u32  }
0x157: {  	s1 =	rddreg [dreg:$0x1];
	p0 =	sne.s32 s2, $0x0  }
0x158: {  	s3 =	rddreg [dreg:$0x2];
	[bflag:$0x3] =	sbarrier.arrive $0xFFFF;
	s2 =	simm.s32 @!p0 $0x1C11  }
0x159: {  	[timem:s3], [sflag:s2] =	dma.local @!p0 [hbm:s0], s1  }
0x15a: {  	s0 =	simm.s32 @!p0 $0x11  }
0x15b: {  	_ =	swait.ge @!p0 [sflag:s0], s1  }
0x15c: {  	s1 =	ssub.s32 @!p0 $0x0, s1;
	[sflag:s0] =	ssyncset.done @!p0 $0x0  }
0x15d: {  	[sflag:s0] =	ssyncadd.s32 @!p0 s1  }
0x15e: {  	[bflag:$0x3] =	sbarrier.arrive $0xFFFF  }
0x15f: {  	_ =	shalt  }

// kernel: kernel.9.cloned.1.call-start
scs
__scs_entry_jumppad:
0x0: {  	(pc) =	sbr.rel $0x88, $3  }
0x1: {  	(tag) =	ssettag $0x0;
	lr =	simm.s32 $0x1  }
0x2: {  	[smem:$0x3F9E] =	sst lr;
	_ =	strace $0xD0000000  }
0x3: {  	_ = 	snop  }
0x4: {  	_ = 	snop  }
0x5: {  	_ = 	snop  }
0x6: {  	_ = 	snop  }
0x7: {  	_ = 	snop  }
__scs_overlays_trampoline_lowered:
0x8: {  	[smem:$0x3FAD] =	sst s0  }
0x9: {  	[smem:$0x3FAE] =	sst s1  }
0xa: {  	[smem:$0x3FAF] =	sst s2  }
0xb: {  	[smem:$0x3FB0] =	sst s3  }
0xc: {  	[smem:$0x3FB1] =	sst s4  }
0xd: {  	[smem:$0x3FB2] =	sst s5  }
0xe: {  	[smem:$0x3FB3] =	sst s6  }
0xf: {  	[smem:$0x3FB4] =	sst s7  }
0x10: {  	[smem:$0x3FB5] =	sst s8  }
0x11: {  	[smem:$0x3FB6] =	sst s9;
	s0 =	simm.s32 @!p0 $0x0  }
0x12: {  	s1 =	sld [smem:$0x3F9C];
	s0 =	simm.s32 @p0 $0x1  }
0x13: {  	[smem:$0x3FB7] =	sst s0;
	s0 =	simm.s32 @!p1 $0x0  }
0x14: {  	s2 =	sld [smem:$0x3F9B];
	s0 =	simm.s32 @p1 $0x1  }
0x15: {  	[smem:$0x3FB8] =	sst s0;
	s0 =	simm.s32 @!p2 $0x0  }
0x16: {  	s3 =	sld [smem:$0x3FDB];
	s0 =	simm.s32 @p2 $0x1  }
0x17: {  	s4 =	simm.s32 $0x1BF5;
	[smem:$0x3FBA] =	sst s0  }
0x18: {  	s0 =	sld [smem:$0x3F9D];
	_ =	swait.ge [sflag:s4], $0x0  }
0x19: {  	s7 =	sld [smem:$0x3F9E]  }
0x1a: {  	s8 =	sadd.s32 $0xFFFFE003, lr  }
0x1b: {  	s9 =	sadd.s32 $0xFFFFFEF7, lr;
	s5 =	simm.s32 $0xFFFFFFFF;
	p2 =	slt.u32 s8, $0xFFFFF086  }
0x1c: {  	p1 =	slt.u32 s9, $0xF7A;
	s5 =	simm.s32 @!p2 $0x0  }
0x1d: {  	s5 =	simm.s32 @p1 $0x1;
	p0 =	seq.s32 s7, s2  }
0x1e: {  	s7 =	smul.u32 @!p0 $0xF7A, s2;
	p2 =	seq.s32 @!p0 s5, $0x0  }
0x1f: {  	s9 =	smul.u32 $0xF7A, s1;
	s8 =	simm.s32 @!p0 $0x1BF5;
	p2 =	por !p2, p0  }
0x20: {  	[sflag:s8] =	ssyncset.s32 @!p0 $0xFFFFF086;
	s6 =	sadd.s32 @!p0 s3, s7;
	s7 =	simm.s32 @!p0 $0x108  }
0x21: {  	s3 =	sadd.s32 s3, s9;
	s6 =	sadd.s32 @!p0 $0x88, s6;
	s7 =	simm.s32 @p2 $0x1082  }
0x22: {  	[simem:s7], [sflag:s8] =	dma.local @!p0 [hbm:s6], $0xF7A  }
0x23: {  	s9 =	sor.u32 $0xD0000000, s2;
	s6 =	simm.s32 $0x108;
	_ =	swait.ge @!p0 [sflag:s8], $0x0  }
0x24: {  	s3 =	sadd.s32 $0x88, s3;
	s6 =	simm.s32 @!p1 $0x1082;
	[sflag:s4] =	ssyncset.s32 $0xFFFFF086  }
0x25: {  	[simem:s6], [sflag:s4] =	dma.local [hbm:s3], $0xF7A  }
0x26: {  	[smem:$0x3F9E] =	sst s1;
	(tag) =	ssettag s2;
	_ =	strace s9  }
0x27: {  	s1 =	sld [smem:$0x3FAE]  }
0x28: {  	s2 =	sld [smem:$0x3FAF]  }
0x29: {  	s4 =	sld [smem:$0x3FB1]  }
0x2a: {  	p0 =	seq.s32 s5, $0x0;
	s5 =	sld [smem:$0x3FB2]  }
0x2b: {  	s6 =	sld [smem:$0x3FB3]  }
0x2c: {  	s7 =	sld [smem:$0x3FB4]  }
0x2d: {  	s3 =	simm.s32 $0x108;
	s8 =	sld [smem:$0x3FB5]  }
0x2e: {  	s3 =	simm.s32 @!p0 $0x1082;
	s9 =	sld [smem:$0x3FB6]  }
0x2f: {  	lr =	sadd.s32 s0, s3;
	s0 =	sld [smem:$0x3FAD]  }
0x30: {  	s3 =	sld [smem:$0x3FB0]  }
0x31: {  	[smem:$0x3FB9] =	sst s10  }
0x32: {  	s10 =	sld [smem:$0x3FB7];
	_ =	sdelay $0x3  }
0x33: {  	p0 =	seq.s32 s10, $0x1;
	s10 =	sld [smem:$0x3FB9];
	_ =	sdelay $0x3  }
0x34: {  	[smem:$0x3FB9] =	sst s10  }
0x35: {  	s10 =	sld [smem:$0x3FB8];
	_ =	sdelay $0x3  }
0x36: {  	p1 =	seq.s32 s10, $0x1;
	s10 =	sld [smem:$0x3FB9];
	_ =	sdelay $0x3  }
0x37: {  	[smem:$0x3FB9] =	sst s10  }
0x38: {  	s10 =	sld [smem:$0x3FBA]  }
0x39: {  	_ = 	snop;
	(pc) =	sbr.ind lr, $3  }
0x3a: {  	_ = 	snop  }
0x3b: {  	_ = 	snop  }
0x3c: {  	p2 =	seq.s32 s10, $0x1;
	s10 =	sld [smem:$0x3FB9]  }
0x3d: {  	_ =	shalt  }
0x3e: {  	_ =	shalt  }
0x3f: {  	_ =	shalt  }
0x40: {  	_ =	shalt  }
0x41: {  	_ =	shalt  }
0x42: {  	_ =	shalt  }
0x43: {  	_ =	shalt  }
0x44: {  	_ =	shalt  }
0x45: {  	_ =	shalt  }
0x46: {  	_ =	shalt  }
0x47: {  	_ =	shalt  }
0x48: {  	_ =	shalt  }
0x49: {  	_ =	shalt  }
0x4a: {  	_ =	shalt  }
0x4b: {  	_ =	shalt  }
0x4c: {  	_ =	shalt  }
0x4d: {  	_ =	shalt  }
0x4e: {  	_ =	shalt  }
0x4f: {  	_ =	shalt  }
0x50: {  	_ =	shalt  }
0x51: {  	_ =	shalt  }
0x52: {  	_ =	shalt  }
0x53: {  	_ =	shalt  }
0x54: {  	_ =	shalt  }
0x55: {  	_ =	shalt  }
0x56: {  	_ =	shalt  }
0x57: {  	_ =	shalt  }
0x58: {  	_ =	shalt  }
0x59: {  	_ =	shalt  }
0x5a: {  	_ =	shalt  }
0x5b: {  	_ =	shalt  }
0x5c: {  	_ =	shalt  }
0x5d: {  	_ =	shalt  }
0x5e: {  	_ =	shalt  }
0x5f: {  	_ =	shalt  }
0x60: {  	_ =	shalt  }
0x61: {  	_ =	shalt  }
0x62: {  	_ =	shalt  }
0x63: {  	_ =	shalt  }
0x64: {  	_ =	shalt  }
0x65: {  	_ =	shalt  }
0x66: {  	_ =	shalt  }
0x67: {  	_ =	shalt  }
0x68: {  	_ =	shalt  }
0x69: {  	_ =	shalt  }
0x6a: {  	_ =	shalt  }
0x6b: {  	_ =	shalt  }
0x6c: {  	_ =	shalt  }
0x6d: {  	_ =	shalt  }
0x6e: {  	_ =	shalt  }
0x6f: {  	_ =	shalt  }
0x70: {  	_ =	shalt  }
0x71: {  	_ =	shalt  }
0x72: {  	_ =	shalt  }
0x73: {  	_ =	shalt  }
0x74: {  	_ =	shalt  }
0x75: {  	_ =	shalt  }
0x76: {  	_ =	shalt  }
0x77: {  	_ =	shalt  }
0x78: {  	_ =	shalt  }
0x79: {  	_ =	shalt  }
0x7a: {  	_ =	shalt  }
0x7b: {  	_ =	shalt  }
0x7c: {  	_ =	shalt  }
0x7d: {  	_ =	shalt  }
0x7e: {  	_ =	shalt  }
0x7f: {  	_ =	shalt  }
0x80: {  	_ =	shalt  }
0x81: {  	_ =	shalt  }
0x82: {  	_ =	shalt  }
0x83: {  	_ =	shalt  }
0x84: {  	_ =	shalt  }
0x85: {  	_ =	shalt  }
0x86: {  	_ =	shalt  }
0x87: {  	_ =	shalt  }
.Lfunc_end0:
.L_simem_size_0:
called_computation.1_lowered:
.L_overlay_start_0:
0x88: {  	s2 =	sld [smem:$0x3FD9]  }
0x89: {  	s3 =	sld [smem:$0x3FFE];
	_ =	sdelay $0x1  }
0x8a: {  	s1 =	srdreg.scid  }
0x8b: {  	s0 =	sand.u32 $0x1, s1  }
0x8c: {  	s14 =	sshll.u32 s0, $0xA;
	s2 =	sadd.s32 s3, s2  }
0x8d: {  	s2 =	sadd.s32 s2, s14  }
0x8e: {  	[smem:$0x3FC5] =	sst s2  }
0x8f: {  	_ = 	snop  }
0x90: {  	s2 =	sld [smem:$0x3FD0];
	_ =	sdelay $0x2  }
0x91: {  	s4 =	simm.s32 $0xA;
	s5 =	simm.s32 $0x10;
	s15 =	sld [smem:$0x3FC7]  }
0x92: {  	[smem:s5], [sflag:s4] =	dma.local [hbm:s2], $0x1  }
0x93: {  	_ =	swait.eq [sflag:s4], $0x1  }
0x94: {  	[sflag:s4] =	ssyncset.done $0x0  }
0x95: {  	[sflag:s4] =	ssyncadd.s32 $0xFFFFFFFF  }
0x96: {  	s16 =	sld [smem:$0x10];
	(tm) =	ssettm $0x1  }
0x97: {  	s17 =	sld [smem:$0x3FFB];
	_ =	sdelay $0x3  }
0x98: {  	_ =	strace s17  }
0x99: {  	s4 =	sld [smem:$0x3FFC];
	_ =	sdelay $0x3  }
0x9a: {  	_ =	strace s4  }
0x9b: {  	s4 =	sld [smem:$0x3FFD];
	_ =	sdelay $0x3  }
0x9c: {  	_ =	strace s4  }
0x9d: {  	_ =	strace $0x8FFFFFFF  }
0x9e: {  	s18 =	sld [smem:$0x3FDB];
	_ =	sdelay $0x1  }
0x9f: {  	s19 =	simm.s32 $_scs_section_size  }
0xa0: {  	s6 =	simm.s32 $_size__tile_overlayer_lowered;
	s7 =	simm.s32 $_tile_overlayer_lowered  }
0xa1: {  	s22 =	simm.s32 $0x1BFF;
	s21 =	sshll.u32 s7, $0x1;
	s4 =	sadd.s32 s19, s18  }
0xa2: {  	s8 =	simm.s32 $0x0;
	s20 =	sshll.u32 s6, $0x1;
	s6 =	sadd.s32 s21, s4  }
0xa3: {  	[timem:s8], [sflag:s22] =	dma.local [hbm:s6], s20  }
0xa4: {  	_ =	swait.ge [sflag:s22], s20  }
0xa5: {  	s5 =	ssub.s32 $0x0, s20;
	[sflag:s22] =	ssyncset.done $0x0  }
0xa6: {  	[sflag:s22] =	ssyncadd.s32 s5;
	_ =	sdelay $0x1  }
0xa7: {  	s23 =	simm.s32 $0x1B8B  }
0xa8: {  	_ =	swait.ge [sflag:s23], $0x1  }
0xa9: {  	[sflag:s23] =	ssyncset.done $0x0  }
0xaa: {  	s25 =	simm.s32 $0x1B8E;
	s24 =	sld [smem:$0x3FFE];
	[sflag:s23] =	ssyncadd.s32 $0xFFFFFFFF  }
0xab: {  	s26 =	simm.s32 $execute0_lowered;
	[smem:$0x3FD2] =	sst s25  }
0xac: {  	s6 =	sshll.u32 s26, $0x1;
	_ =	strace $0x80000049;
	[dreg:$0x1] =	wrdreg $0xFFFFFFFF  }
0xad: {  	s28 =	simm.s32 $_size_execute0_lowered;
	s4 =	sadd.s32 s4, s6;
	[dreg:$0x0] =	wrdreg $0x0  }
0xae: {  	s6 =	sshll.u32 s28, $0x1;
	[dreg:$0x2] =	wrdreg s4  }
0xaf: {  	[dreg:$0x3] =	wrdreg s6  }
0xb0: {  	[dreg:$0x4] =	wrdreg $0xC0  }
0xb1: {  	_ =	task [dreg:s8], $0x5FFFF  }
0xb2: {  	[dreg:$0x1] =	wrdreg $0xFFFFFFFF  }
0xb3: {  	[dreg:$0x0] =	wrdreg $0x60  }
0xb4: {  	[dreg:$0x2] =	wrdreg s15  }
0xb5: {  	[dreg:$0x3] =	wrdreg s24  }
0xb6: {  	[dreg:$0x4] =	wrdreg s16  }
0xb7: {  	[dreg:$0x5] =	wrdreg $0x9  }
0xb8: {  	_ =	task.clear_ibuf [dreg:s8], $0x6FFFF;
	_ =	strace $0x90000049  }
0xb9: {  	s29 =	simm.s32 $0x9;
	_ =	strace $0x8000004B  }
0xba: {  	_ =	swait.ge [sflag:s29], $0x1  }
0xbb: {  	[sflag:s29] =	ssyncadd.s32 $0xFFFFFFFF  }
0xbc: {  	_ =	strace $0x9000004B  }
0xbd: {  	_ =	sfence  }
0xbe: {  	s30 =	sld [smem:$0x0];
	_ =	sdelay $0x2  }
0xbf: {  	s31 =	sshll.u32 s1, $0xD;
	s1 =	sshrl.u32 s1, $0x2  }
0xc0: {  	s3 =	sand.u32 $0x4000, s31;
	s1 =	sadd.s32 s1, s30  }
0xc1: {  	s0 =	sor.u32 s3, s0;
	s1 =	sshll.u32 s1, $0x11  }
0xc2: {  	s0 =	sor.u32 s1, s0  }
0xc3: {  	s0 =	sadd.s32 $0x8F2B, s0  }
0xc4: {  	[sflag:s0] =	ssyncadd.remote.s32 $0x1  }
0xc5: {  	_ =	sfence.sel $0xFFFF  }
0xc6: {  	[dreg:$0x0] =	wrdreg $0xFFFFFFFF;
	(pc) =	sbr.abs _section_cstart, $3  }
0xc7: {  	[dreg:$0x1] =	wrdreg $0xFFFFFFFF  }
0xc8: {  	_ =	task.clear_ibuf [dreg:s8], $0x2FFFF;
	_ =	strace $0x9FFFFFFF  }
0xc9: {  	(tm) =	ssettm $0x7FFFFFFF  }
tec
execute0_lowered:
.L_overlay_start_1:
0x0: {  	(tag) =	ssettag $0x1  }
0x1: {  	s1 =	rddreg [dreg:$0x0]  }
0x2: {  	s0 =	srdreg.scid;
	s2 =	rddreg [dreg:$0x1]  }
0x3: {  	s9 =	stileid.u32;
	s4 =	rddreg [dreg:$0x2]  }
0x4: {  	s3 =	simm.s32 $0x0;
	s11 =	simm.s32 $0x200;
	s15 =	simm.s32 $0x2200  }
0x5: {  	s19 =	simm.s32 $0x4200;
	s23 =	simm.s32 $0x6200;
	s28 =	simm.s32 $0x8200  }
0x6: {  	s14 =	simm.s32 $0xC200;
	s20 =	simm.s32 $0xE200;
	s21 =	simm.s32 $0xEA00  }
0x7: {  	s22 =	simm.s32 $0xF200;
	s29 =	simm.s32 $0x3;
	s30 =	simm.s32 $0x4  }
0x8: {  	s31 =	simm.s32 $0x5;
	s12 =	simm.s32 $0x7;
	s13 =	simm.s32 $0x8  }
0x9: {  	s17 =	simm.s32 $0x10;
	s0 =	sand.u32 $0x1, s0;
	s5 =	sshll.u32 s9, $0xA  }
0xa: {  	[smem:$0x7FF] =	sst s3;
	s7 =	sadd.s32 $0x300, s1;
	s26 =	sshll.u32 s9, $0x11  }
0xb: {  	s6 =	sshll.u32 s0, $0x9;
	s24 =	ssub.s32 $0x2, s0;
	_ =	strace $0x8000004A  }
0xc: {  	s0 =	sshll.u32 s0, $0x10;
	s5 =	sor.u32 s6, s5;
	s25 =	sshrl.u32 s24, $0x1  }
0xd: {  	s6 =	sadd.s32 $0x200, s1;
	s5 =	sshrl.u32 s5, $0x3;
	s8 =	ssub.s32 s24, s25  }
.Ltmp0:
0xe: {  	s24 =	simm.s32 $0xFA00;
	s25 =	simm.s32 $0x1;
	(pc) =	sbr.rel .LBB2_1-.Ltmp0, $4  }
0xf: {  	s2 =	sadd.s32 s5, s2;
	s5 =	sadd.s32 $0x100, s1;
	s8 =	smax.u32 s8, $0x1  }
0x10: {  	v0 =	vlaneseq.u32;
	s2 =	sadd.s32 $0x6200, s2;
	[dreg:$0x5] =	wrdreg s8;
	s8 =	simm.s32 $0x0  }
0x11: {  	v1 =	vshrl.u32 v0, $0x3;
	[dreg:$0x4] =	wrdreg s2;
	s2 =	sadd.s32 s26, s4;
	s26 =	simm.s32 $0x2  }
0x12: {  	vm0 =	vmmov $0xffff;
	v0 =	vand.u32 $0x7, v0;
	v1 =	vmul.u32 $0x8, v1;
	s9 =	sadd.s32 s0, s2;
	s2 =	simm.s32 $0xA200;
	s0 =	simm.s32 $0x6  }
.LBB2_4:
0x13: {  	s4 =	simm.s32 $0x9  }
0x14: {  	_ =	swait.ge [sflag:s4], $0x2000  }
0x15: {  	[sflag:s4] =	ssyncset.done $0x0  }
0x16: {  	s10 =	simm.s32 $0xA;
	[sflag:s4] =	ssyncadd.s32 $0xFFFFE000  }
0x17: {  	_ =	swait.ge [sflag:s10], $0x2000  }
0x18: {  	[sflag:s10] =	ssyncset.done $0x0  }
0x19: {  	s16 =	simm.s32 $0xB;
	[sflag:s10] =	ssyncadd.s32 $0xFFFFE000  }
0x1a: {  	_ =	swait.ge [sflag:s16], $0x2000  }
0x1b: {  	[sflag:s16] =	ssyncset.done $0x0  }
0x1c: {  	s18 =	simm.s32 $0xC;
	[sflag:s16] =	ssyncadd.s32 $0xFFFFE000  }
0x1d: {  	_ =	swait.ge [sflag:s18], $0x2000  }
0x1e: {  	[sflag:s18] =	ssyncset.done $0x0  }
0x1f: {  	s8 =	simm.s32 $0xD;
	[sflag:s18] =	ssyncadd.s32 $0xFFFFE000  }
0x20: {  	_ =	swait.ge [sflag:s8], $0x2000  }
0x21: {  	[sflag:s8] =	ssyncset.done $0x0  }
0x22: {  	s10 =	simm.s32 $0xE;
	[sflag:s8] =	ssyncadd.s32 $0xFFFFE000  }
0x23: {  	_ =	swait.ge [sflag:s10], $0x2000  }
0x24: {  	[sflag:s10] =	ssyncset.done $0x0  }
0x25: {  	s16 =	simm.s32 $0xF;
	[sflag:s10] =	ssyncadd.s32 $0xFFFFE000  }
0x26: {  	_ =	swait.ge [sflag:s16], $0x2000  }
0x27: {  	[sflag:s16] =	ssyncset.done $0x0  }
0x28: {  	[sflag:s16] =	ssyncadd.s32 $0xFFFFE000  }
0x29: {  	_ =	swait.ge [sflag:s17], $0x2000  }
0x2a: {  	s8 =	rddreg [dreg:$0x6]  }
0x2b: {  	s18 =	rddreg [dreg:$0x5];
	s8 =	sadd.s32 $0x1, s8  }
0x2c: {  	p0 =	sne.s32 s8, s18  }
.Ltmp1:
0x2d: {  	_ = 	snop;
	(pc) =	sbr.rel @!p0 .LBB2_5-.Ltmp1, $3  }
0x2e: {  	_ =	sdelay $0x1  }
0x2f: {  	[sflag:s17] =	ssyncset.done $0x0  }
0x30: {  	[sflag:s17] =	ssyncadd.s32 $0xFFFFE000  }
.LBB2_1:
0x31: {  	[dreg:$0x6] =	wrdreg s8  }
0x32: {  	s4 =	rddreg [dreg:$0x4];
	s16 =	simm.s32 $0x11  }
0x33: {  	[tilespmem:s3], [sflag:$0x11] =	stream.linear.gather [hbm4b:s4+s3], $0x200, $0x38;
	[tilespmem:$0x10200] =	vst v63  }
0x34: {  	_ =	swait.ge [sflag:s16], $0x200  }
0x35: {  	[sflag:s16] =	ssyncset.done $0x0  }
0x36: {  	[sflag:s16] =	ssyncadd.s32 $0xFFFFFE00  }
0x37: {  	v2 =	vld.msk [tilespmem:$0x0], $0xff;
	_ =	sdelay $0x4  }
0x38: {  	v3 =	vshll.u32 v2, $0x3  }
0x39: {  	v2 =	vand.u32 $0x7, v2;
	v3 =	vand.u32 $0xFFFFFFC0, v3  }
0x3a: {  	v2 =	vor.u32 v2, v3  }
0x3b: {  	v2 =	vperm.xlane v2, v0;
	_ =	sdelay $0x1  }
0x3c: {  	v2 =	vadd.s32 v1, v2;
	_ =	sdelay $0x4  }
0x3d: {  	[tilespmem:s11], [sflag:$0x1] =	stream.indirect_vreg.gather [hbm4b:s1+s3], $0x80, v2, vm0, $0xb8;
	[tilespmem:$0x10200] =	vst v63  }
0x3e: {  	s18 =	simm.s32 $0xA00  }
0x3f: {  	[tilespmem:s18], [sflag:$0x1] =	stream.indirect_vreg.gather [hbm4b:s5+s3], $0x80, v2, vm0, $0xb8;
	[tilespmem:$0x10200] =	vst v63  }
0x40: {  	s8 =	simm.s32 $0x1200  }
0x41: {  	[tilespmem:s8], [sflag:$0x1] =	stream.indirect_vreg.gather [hbm4b:s6+s3], $0x80, v2, vm0, $0xb8;
	[tilespmem:$0x10200] =	vst v63  }
0x42: {  	s10 =	simm.s32 $0x1A00  }
0x43: {  	[tilespmem:s10], [sflag:$0x1] =	stream.indirect_vreg.gather [hbm4b:s7+s3], $0x80, v2, vm0, $0xb8;
	[tilespmem:$0x10200] =	vst v63  }
0x44: {  	v2 =	vld.msk [tilespmem:$0x8], $0xff;
	_ =	sdelay $0x4  }
0x45: {  	v3 =	vshll.u32 v2, $0x3  }
0x46: {  	v2 =	vand.u32 $0x7, v2;
	v3 =	vand.u32 $0xFFFFFFC0, v3  }
0x47: {  	v2 =	vor.u32 v2, v3  }
0x48: {  	v2 =	vperm.xlane v2, v0;
	_ =	sdelay $0x1  }
0x49: {  	v2 =	vadd.s32 v1, v2;
	_ =	sdelay $0x4  }
0x4a: {  	[tilespmem:s15], [sflag:$0x2] =	stream.indirect_vreg.gather [hbm4b:s1+s3], $0x80, v2, vm0, $0xb8;
	[tilespmem:$0x10200] =	vst v63  }
0x4b: {  	s16 =	simm.s32 $0x2A00  }
0x4c: {  	[tilespmem:s16], [sflag:$0x2] =	stream.indirect_vreg.gather [hbm4b:s5+s3], $0x80, v2, vm0, $0xb8;
	[tilespmem:$0x10200] =	vst v63  }
0x4d: {  	s18 =	simm.s32 $0x3200  }
0x4e: {  	[tilespmem:s18], [sflag:$0x2] =	stream.indirect_vreg.gather [hbm4b:s6+s3], $0x80, v2, vm0, $0xb8;
	[tilespmem:$0x10200] =	vst v63  }
0x4f: {  	s8 =	simm.s32 $0x3A00  }
0x50: {  	[tilespmem:s8], [sflag:$0x2] =	stream.indirect_vreg.gather [hbm4b:s7+s3], $0x80, v2, vm0, $0xb8;
	[tilespmem:$0x10200] =	vst v63  }
0x51: {  	v2 =	vld.msk [tilespmem:$0x10], $0xff;
	_ =	sdelay $0x4  }
0x52: {  	v3 =	vshll.u32 v2, $0x3  }
0x53: {  	v2 =	vand.u32 $0x7, v2;
	v3 =	vand.u32 $0xFFFFFFC0, v3  }
0x54: {  	v2 =	vor.u32 v2, v3  }
0x55: {  	v2 =	vperm.xlane v2, v0;
	_ =	sdelay $0x1  }
0x56: {  	v2 =	vadd.s32 v1, v2;
	_ =	sdelay $0x4  }
0x57: {  	[tilespmem:s19], [sflag:$0x3] =	stream.indirect_vreg.gather [hbm4b:s1+s3], $0x80, v2, vm0, $0xb8;
	[tilespmem:$0x10200] =	vst v63  }
0x58: {  	s10 =	simm.s32 $0x4A00  }
0x59: {  	[tilespmem:s10], [sflag:$0x3] =	stream.indirect_vreg.gather [hbm4b:s5+s3], $0x80, v2, vm0, $0xb8;
	[tilespmem:$0x10200] =	vst v63  }
0x5a: {  	s16 =	simm.s32 $0x5200  }
0x5b: {  	[tilespmem:s16], [sflag:$0x3] =	stream.indirect_vreg.gather [hbm4b:s6+s3], $0x80, v2, vm0, $0xb8;
	[tilespmem:$0x10200] =	vst v63  }
0x5c: {  	s18 =	simm.s32 $0x5A00  }
0x5d: {  	[tilespmem:s18], [sflag:$0x3] =	stream.indirect_vreg.gather [hbm4b:s7+s3], $0x80, v2, vm0, $0xb8;
	[tilespmem:$0x10200] =	vst v63  }
0x5e: {  	v2 =	vld.msk [tilespmem:$0x18], $0xff;
	_ =	sdelay $0x4  }
0x5f: {  	v3 =	vshll.u32 v2, $0x3  }
0x60: {  	v2 =	vand.u32 $0x7, v2;
	v3 =	vand.u32 $0xFFFFFFC0, v3  }
0x61: {  	v2 =	vor.u32 v2, v3  }
0x62: {  	v2 =	vperm.xlane v2, v0;
	_ =	sdelay $0x1  }
0x63: {  	v2 =	vadd.s32 v1, v2;
	_ =	sdelay $0x4  }
0x64: {  	[tilespmem:s23], [sflag:$0x4] =	stream.indirect_vreg.gather [hbm4b:s1+s3], $0x80, v2, vm0, $0xb8;
	[tilespmem:$0x10200] =	vst v63  }
0x65: {  	s8 =	simm.s32 $0x6A00  }
0x66: {  	[tilespmem:s8], [sflag:$0x4] =	stream.indirect_vreg.gather [hbm4b:s5+s3], $0x80, v2, vm0, $0xb8;
	[tilespmem:$0x10200] =	vst v63  }
0x67: {  	s10 =	simm.s32 $0x7200  }
0x68: {  	[tilespmem:s10], [sflag:$0x4] =	stream.indirect_vreg.gather [hbm4b:s6+s3], $0x80, v2, vm0, $0xb8;
	[tilespmem:$0x10200] =	vst v63  }
0x69: {  	s16 =	simm.s32 $0x7A00  }
0x6a: {  	[tilespmem:s16], [sflag:$0x4] =	stream.indirect_vreg.gather [hbm4b:s7+s3], $0x80, v2, vm0, $0xb8;
	[tilespmem:$0x10200] =	vst v63  }
0x6b: {  	v2 =	vld.msk [tilespmem:$0x20], $0xff;
	_ =	sdelay $0x4  }
0x6c: {  	v3 =	vshll.u32 v2, $0x3  }
0x6d: {  	v2 =	vand.u32 $0x7, v2;
	v3 =	vand.u32 $0xFFFFFFC0, v3  }
0x6e: {  	v2 =	vor.u32 v2, v3  }
0x6f: {  	v2 =	vperm.xlane v2, v0;
	_ =	sdelay $0x1  }
0x70: {  	v2 =	vadd.s32 v1, v2;
	_ =	sdelay $0x4  }
0x71: {  	[tilespmem:s28], [sflag:$0x5] =	stream.indirect_vreg.gather [hbm4b:s1+s3], $0x80, v2, vm0, $0xb8;
	[tilespmem:$0x10200] =	vst v63  }
0x72: {  	s18 =	simm.s32 $0x8A00  }
0x73: {  	[tilespmem:s18], [sflag:$0x5] =	stream.indirect_vreg.gather [hbm4b:s5+s3], $0x80, v2, vm0, $0xb8;
	[tilespmem:$0x10200] =	vst v63  }
0x74: {  	s8 =	simm.s32 $0x9200  }
0x75: {  	[tilespmem:s8], [sflag:$0x5] =	stream.indirect_vreg.gather [hbm4b:s6+s3], $0x80, v2, vm0, $0xb8;
	[tilespmem:$0x10200] =	vst v63  }
0x76: {  	s10 =	simm.s32 $0x9A00  }
0x77: {  	[tilespmem:s10], [sflag:$0x5] =	stream.indirect_vreg.gather [hbm4b:s7+s3], $0x80, v2, vm0, $0xb8;
	[tilespmem:$0x10200] =	vst v63  }
0x78: {  	v2 =	vld.msk [tilespmem:$0x28], $0xff;
	_ =	sdelay $0x4  }
0x79: {  	v3 =	vshll.u32 v2, $0x3  }
0x7a: {  	v2 =	vand.u32 $0x7, v2;
	v3 =	vand.u32 $0xFFFFFFC0, v3  }
0x7b: {  	v2 =	vor.u32 v2, v3  }
0x7c: {  	v2 =	vperm.xlane v2, v0;
	_ =	sdelay $0x1  }
0x7d: {  	v2 =	vadd.s32 v1, v2;
	_ =	sdelay $0x4  }
0x7e: {  	[tilespmem:s2], [sflag:$0x6] =	stream.indirect_vreg.gather [hbm4b:s1+s3], $0x80, v2, vm0, $0xb8;
	[tilespmem:$0x10200] =	vst v63  }
0x7f: {  	s16 =	simm.s32 $0xAA00  }
0x80: {  	[tilespmem:s16], [sflag:$0x6] =	stream.indirect_vreg.gather [hbm4b:s5+s3], $0x80, v2, vm0, $0xb8;
	[tilespmem:$0x10200] =	vst v63  }
0x81: {  	s18 =	simm.s32 $0xB200  }
0x82: {  	[tilespmem:s18], [sflag:$0x6] =	stream.indirect_vreg.gather [hbm4b:s6+s3], $0x80, v2, vm0, $0xb8;
	[tilespmem:$0x10200] =	vst v63  }
0x83: {  	s8 =	simm.s32 $0xBA00  }
0x84: {  	[tilespmem:s8], [sflag:$0x6] =	stream.indirect_vreg.gather [hbm4b:s7+s3], $0x80, v2, vm0, $0xb8;
	[tilespmem:$0x10200] =	vst v63  }
0x85: {  	v2 =	vld.msk [tilespmem:$0x30], $0xff;
	_ =	sdelay $0x4  }
0x86: {  	v3 =	vshll.u32 v2, $0x3  }
0x87: {  	v2 =	vand.u32 $0x7, v2;
	v3 =	vand.u32 $0xFFFFFFC0, v3  }
0x88: {  	v2 =	vor.u32 v2, v3  }
0x89: {  	v2 =	vperm.xlane v2, v0;
	_ =	sdelay $0x1  }
0x8a: {  	v2 =	vadd.s32 v1, v2;
	_ =	sdelay $0x4  }
0x8b: {  	[tilespmem:s14], [sflag:$0x7] =	stream.indirect_vreg.gather [hbm4b:s1+s3], $0x80, v2, vm0, $0xb8;
	[tilespmem:$0x10200] =	vst v63  }
0x8c: {  	s10 =	simm.s32 $0xCA00  }
0x8d: {  	[tilespmem:s10], [sflag:$0x7] =	stream.indirect_vreg.gather [hbm4b:s5+s3], $0x80, v2, vm0, $0xb8;
	[tilespmem:$0x10200] =	vst v63  }
0x8e: {  	s16 =	simm.s32 $0xD200  }
0x8f: {  	[tilespmem:s16], [sflag:$0x7] =	stream.indirect_vreg.gather [hbm4b:s6+s3], $0x80, v2, vm0, $0xb8;
	[tilespmem:$0x10200] =	vst v63  }
0x90: {  	s18 =	simm.s32 $0xDA00  }
0x91: {  	[tilespmem:s18], [sflag:$0x7] =	stream.indirect_vreg.gather [hbm4b:s7+s3], $0x80, v2, vm0, $0xb8;
	[tilespmem:$0x10200] =	vst v63  }
0x92: {  	v2 =	vld.msk [tilespmem:$0x38], $0xff;
	_ =	sdelay $0x4  }
0x93: {  	v3 =	vshll.u32 v2, $0x3  }
0x94: {  	v2 =	vand.u32 $0x7, v2;
	v3 =	vand.u32 $0xFFFFFFC0, v3  }
0x95: {  	v2 =	vor.u32 v2, v3  }
0x96: {  	v2 =	vperm.xlane v2, v0;
	_ =	sdelay $0x1  }
0x97: {  	v2 =	vadd.s32 v1, v2;
	_ =	sdelay $0x4  }
0x98: {  	[tilespmem:s20], [sflag:$0x8] =	stream.indirect_vreg.gather [hbm4b:s1+s3], $0x80, v2, vm0, $0xb8;
	[tilespmem:$0x10200] =	vst v63  }
0x99: {  	_ = 	snop  }
0x9a: {  	[tilespmem:s21], [sflag:$0x8] =	stream.indirect_vreg.gather [hbm4b:s5+s3], $0x80, v2, vm0, $0xb8;
	[tilespmem:$0x10200] =	vst v63  }
0x9b: {  	_ = 	snop  }
0x9c: {  	[tilespmem:s22], [sflag:$0x8] =	stream.indirect_vreg.gather [hbm4b:s6+s3], $0x80, v2, vm0, $0xb8;
	[tilespmem:$0x10200] =	vst v63  }
0x9d: {  	s4 =	simm.s32 $0x78;
	s8 =	simm.s32 $0x0  }
0x9e: {  	[tilespmem:s24], [sflag:$0x8] =	stream.indirect_vreg.gather [hbm4b:s7+s3], $0x80, v2, vm0, $0xb8;
	[tilespmem:$0x10200] =	vst v63  }
.LBB2_2:
0x9f: {  	_ =	swait.ge [sflag:s25], $0x2000  }
0xa0: {  	s10 =	sadd.s32 s8, s9;
	[sflag:s25] =	ssyncset.done $0x0  }
0xa1: {  	p0 =	seq.s32 s8, $0xE000;
	s16 =	sadd.s32 $0x200000, s10;
	[sflag:s25] =	ssyncadd.s32 $0xFFFFE000  }
0xa2: {  	[hbm4b:s16+s3] =	stream.linear.scatter [tilespmem:s11], [sflag:$0x9], $0x2000, $0x38;
	[tilespmem:$0x10200] =	vst v63  }
0xa3: {  	s16 =	simm.s32 @!p0 $0x9  }
0xa4: {  	_ =	swait.ge @!p0 [sflag:s16], $0x2000  }
0xa5: {  	[sflag:s16] =	ssyncset.done @!p0 $0x0  }
0xa6: {  	[sflag:s16] =	ssyncadd.s32 @!p0 $0xFFFFE000  }
0xa7: {  	v2 =	vld.msk @!p0 [tilespmem:s4+$0xFFFFFFC8], $0xff;
	_ =	sdelay $0x4  }
0xa8: {  	v3 =	vshll.u32 @!p0 v2, $0x3  }
0xa9: {  	v4 =	vlaneseq.u32 @!p0;
	v2 =	vand.u32 @!p0 $0x7, v2;
	v3 =	vand.u32 @!p0 $0xFFFFFFC0, v3  }
0xaa: {  	v3 =	vor.u32 @!p0 v2, v3;
	v2 =	vand.u32 @!p0 $0x7, v4;
	v4 =	vshrl.u32 @!p0 v4, $0x3  }
0xab: {  	v5 =	vperm.xlane @!p0 v3, v2;
	v3 =	vmul.u32 @!p0 $0x8, v4;
	_ =	sdelay $0x1  }
0xac: {  	v4 =	vadd.s32 @!p0 v3, v5;
	_ =	sdelay $0x3  }
0xad: {  	vm1 =	vmmov @!p0 $0xffff;
	s18 =	simm.s32 @!p0 $0x200;
	s16 =	simm.s32 @!p0 $0x0  }
0xae: {  	[tilespmem:s18], [sflag:$0x1] =	stream.indirect_vreg.gather @!p0 [hbm4b:s1+s16], $0x80, v4, vm1, $0xb8;
	[tilespmem:$0x10200] =	vst v63  }
0xaf: {  	s18 =	simm.s32 @!p0 $0xA00  }
0xb0: {  	[tilespmem:s18], [sflag:$0x1] =	stream.indirect_vreg.gather @!p0 [hbm4b:s5+s16], $0x80, v4, vm1, $0xb8;
	[tilespmem:$0x10200] =	vst v63  }
0xb1: {  	s18 =	simm.s32 @!p0 $0x1200  }
0xb2: {  	[tilespmem:s18], [sflag:$0x1] =	stream.indirect_vreg.gather @!p0 [hbm4b:s6+s16], $0x80, v4, vm1, $0xb8;
	[tilespmem:$0x10200] =	vst v63  }
0xb3: {  	s18 =	simm.s32 @!p0 $0x1A00  }
0xb4: {  	[tilespmem:s18], [sflag:$0x1] =	stream.indirect_vreg.gather @!p0 [hbm4b:s7+s16], $0x80, v4, vm1, $0xb8;
	[tilespmem:$0x10200] =	vst v63  }
0xb5: {  	_ =	swait.ge [sflag:s26], $0x2000  }
0xb6: {  	[sflag:s26] =	ssyncset.done $0x0  }
0xb7: {  	s18 =	sadd.s32 $0x200400, s10;
	[sflag:s26] =	ssyncadd.s32 $0xFFFFE000  }
0xb8: {  	[hbm4b:s18+s3] =	stream.linear.scatter [tilespmem:s15], [sflag:$0xA], $0x2000, $0x38;
	[tilespmem:$0x10200] =	vst v63  }
0xb9: {  	s18 =	simm.s32 @!p0 $0xA  }
0xba: {  	_ =	swait.ge @!p0 [sflag:s18], $0x2000  }
0xbb: {  	[sflag:s18] =	ssyncset.done @!p0 $0x0  }
0xbc: {  	[sflag:s18] =	ssyncadd.s32 @!p0 $0xFFFFE000  }
0xbd: {  	v4 =	vld.msk @!p0 [tilespmem:s4+$0xFFFFFFD0], $0xff;
	_ =	sdelay $0x4  }
0xbe: {  	v5 =	vshll.u32 @!p0 v4, $0x3  }
0xbf: {  	v4 =	vand.u32 @!p0 $0x7, v4;
	v5 =	vand.u32 @!p0 $0xFFFFFFC0, v5  }
0xc0: {  	v4 =	vor.u32 @!p0 v4, v5  }
0xc1: {  	v4 =	vperm.xlane @!p0 v4, v2;
	_ =	sdelay $0x1  }
0xc2: {  	v4 =	vadd.s32 @!p0 v3, v4;
	_ =	sdelay $0x3  }
0xc3: {  	s18 =	simm.s32 @!p0 $0x2200  }
0xc4: {  	[tilespmem:s18], [sflag:$0x2] =	stream.indirect_vreg.gather @!p0 [hbm4b:s1+s16], $0x80, v4, vm1, $0xb8;
	[tilespmem:$0x10200] =	vst v63  }
0xc5: {  	s18 =	simm.s32 @!p0 $0x2A00  }
0xc6: {  	[tilespmem:s18], [sflag:$0x2] =	stream.indirect_vreg.gather @!p0 [hbm4b:s5+s16], $0x80, v4, vm1, $0xb8;
	[tilespmem:$0x10200] =	vst v63  }
0xc7: {  	s18 =	simm.s32 @!p0 $0x3200  }
0xc8: {  	[tilespmem:s18], [sflag:$0x2] =	stream.indirect_vreg.gather @!p0 [hbm4b:s6+s16], $0x80, v4, vm1, $0xb8;
	[tilespmem:$0x10200] =	vst v63  }
0xc9: {  	s18 =	simm.s32 @!p0 $0x3A00  }
0xca: {  	[tilespmem:s18], [sflag:$0x2] =	stream.indirect_vreg.gather @!p0 [hbm4b:s7+s16], $0x80, v4, vm1, $0xb8;
	[tilespmem:$0x10200] =	vst v63  }
0xcb: {  	_ =	swait.ge [sflag:s29], $0x2000  }
0xcc: {  	[sflag:s29] =	ssyncset.done $0x0  }
0xcd: {  	s18 =	sadd.s32 $0x200800, s10;
	[sflag:s29] =	ssyncadd.s32 $0xFFFFE000  }
0xce: {  	[hbm4b:s18+s3] =	stream.linear.scatter [tilespmem:s19], [sflag:$0xB], $0x2000, $0x38;
	[tilespmem:$0x10200] =	vst v63  }
0xcf: {  	s18 =	simm.s32 @!p0 $0xB  }
0xd0: {  	_ =	swait.ge @!p0 [sflag:s18], $0x2000  }
0xd1: {  	[sflag:s18] =	ssyncset.done @!p0 $0x0  }
0xd2: {  	[sflag:s18] =	ssyncadd.s32 @!p0 $0xFFFFE000  }
0xd3: {  	v4 =	vld.msk @!p0 [tilespmem:s4+$0xFFFFFFD8], $0xff;
	_ =	sdelay $0x4  }
0xd4: {  	v5 =	vshll.u32 @!p0 v4, $0x3  }
0xd5: {  	v4 =	vand.u32 @!p0 $0x7, v4;
	v5 =	vand.u32 @!p0 $0xFFFFFFC0, v5  }
0xd6: {  	v4 =	vor.u32 @!p0 v4, v5  }
0xd7: {  	v4 =	vperm.xlane @!p0 v4, v2;
	_ =	sdelay $0x1  }
0xd8: {  	v4 =	vadd.s32 @!p0 v3, v4;
	_ =	sdelay $0x3  }
0xd9: {  	s18 =	simm.s32 @!p0 $0x4200  }
0xda: {  	[tilespmem:s18], [sflag:$0x3] =	stream.indirect_vreg.gather @!p0 [hbm4b:s1+s16], $0x80, v4, vm1, $0xb8;
	[tilespmem:$0x10200] =	vst v63  }
0xdb: {  	s18 =	simm.s32 @!p0 $0x4A00  }
0xdc: {  	[tilespmem:s18], [sflag:$0x3] =	stream.indirect_vreg.gather @!p0 [hbm4b:s5+s16], $0x80, v4, vm1, $0xb8;
	[tilespmem:$0x10200] =	vst v63  }
0xdd: {  	s18 =	simm.s32 @!p0 $0x5200  }
0xde: {  	[tilespmem:s18], [sflag:$0x3] =	stream.indirect_vreg.gather @!p0 [hbm4b:s6+s16], $0x80, v4, vm1, $0xb8;
	[tilespmem:$0x10200] =	vst v63  }
0xdf: {  	s18 =	simm.s32 @!p0 $0x5A00  }
0xe0: {  	[tilespmem:s18], [sflag:$0x3] =	stream.indirect_vreg.gather @!p0 [hbm4b:s7+s16], $0x80, v4, vm1, $0xb8;
	[tilespmem:$0x10200] =	vst v63  }
0xe1: {  	_ =	swait.ge [sflag:s30], $0x2000  }
0xe2: {  	[sflag:s30] =	ssyncset.done $0x0  }
0xe3: {  	s18 =	sadd.s32 $0x200C00, s10;
	[sflag:s30] =	ssyncadd.s32 $0xFFFFE000  }
0xe4: {  	[hbm4b:s18+s3] =	stream.linear.scatter [tilespmem:s23], [sflag:$0xC], $0x2000, $0x38;
	[tilespmem:$0x10200] =	vst v63  }
0xe5: {  	s18 =	simm.s32 @!p0 $0xC  }
0xe6: {  	_ =	swait.ge @!p0 [sflag:s18], $0x2000  }
0xe7: {  	[sflag:s18] =	ssyncset.done @!p0 $0x0  }
0xe8: {  	[sflag:s18] =	ssyncadd.s32 @!p0 $0xFFFFE000  }
0xe9: {  	v4 =	vld.msk @!p0 [tilespmem:s4+$0xFFFFFFE0], $0xff;
	_ =	sdelay $0x4  }
0xea: {  	v5 =	vshll.u32 @!p0 v4, $0x3  }
0xeb: {  	v4 =	vand.u32 @!p0 $0x7, v4;
	v5 =	vand.u32 @!p0 $0xFFFFFFC0, v5  }
0xec: {  	v4 =	vor.u32 @!p0 v4, v5  }
0xed: {  	v4 =	vperm.xlane @!p0 v4, v2;
	_ =	sdelay $0x1  }
0xee: {  	v4 =	vadd.s32 @!p0 v3, v4;
	_ =	sdelay $0x3  }
0xef: {  	s18 =	simm.s32 @!p0 $0x6200  }
0xf0: {  	[tilespmem:s18], [sflag:$0x4] =	stream.indirect_vreg.gather @!p0 [hbm4b:s1+s16], $0x80, v4, vm1, $0xb8;
	[tilespmem:$0x10200] =	vst v63  }
0xf1: {  	s18 =	simm.s32 @!p0 $0x6A00  }
0xf2: {  	[tilespmem:s18], [sflag:$0x4] =	stream.indirect_vreg.gather @!p0 [hbm4b:s5+s16], $0x80, v4, vm1, $0xb8;
	[tilespmem:$0x10200] =	vst v63  }
0xf3: {  	s18 =	simm.s32 @!p0 $0x7200  }
0xf4: {  	[tilespmem:s18], [sflag:$0x4] =	stream.indirect_vreg.gather @!p0 [hbm4b:s6+s16], $0x80, v4, vm1, $0xb8;
	[tilespmem:$0x10200] =	vst v63  }
0xf5: {  	s18 =	simm.s32 @!p0 $0x7A00  }
0xf6: {  	[tilespmem:s18], [sflag:$0x4] =	stream.indirect_vreg.gather @!p0 [hbm4b:s7+s16], $0x80, v4, vm1, $0xb8;
	[tilespmem:$0x10200] =	vst v63  }
0xf7: {  	_ =	swait.ge [sflag:s31], $0x2000  }
0xf8: {  	[sflag:s31] =	ssyncset.done $0x0  }
0xf9: {  	s18 =	sadd.s32 $0x201000, s10;
	[sflag:s31] =	ssyncadd.s32 $0xFFFFE000  }
0xfa: {  	[hbm4b:s18+s3] =	stream.linear.scatter [tilespmem:s28], [sflag:$0xD], $0x2000, $0x38;
	[tilespmem:$0x10200] =	vst v63  }
0xfb: {  	s18 =	simm.s32 @!p0 $0xD  }
0xfc: {  	_ =	swait.ge @!p0 [sflag:s18], $0x2000  }
0xfd: {  	[sflag:s18] =	ssyncset.done @!p0 $0x0  }
0xfe: {  	[sflag:s18] =	ssyncadd.s32 @!p0 $0xFFFFE000  }
0xff: {  	v4 =	vld.msk @!p0 [tilespmem:s4+$0xFFFFFFE8], $0xff;
	_ =	sdelay $0x4  }
0x100: {  	v5 =	vshll.u32 @!p0 v4, $0x3  }
0x101: {  	v4 =	vand.u32 @!p0 $0x7, v4;
	v5 =	vand.u32 @!p0 $0xFFFFFFC0, v5  }
0x102: {  	v4 =	vor.u32 @!p0 v4, v5  }
0x103: {  	v4 =	vperm.xlane @!p0 v4, v2;
	_ =	sdelay $0x1  }
0x104: {  	v4 =	vadd.s32 @!p0 v3, v4;
	_ =	sdelay $0x3  }
0x105: {  	s18 =	simm.s32 @!p0 $0x8200  }
0x106: {  	[tilespmem:s18], [sflag:$0x5] =	stream.indirect_vreg.gather @!p0 [hbm4b:s1+s16], $0x80, v4, vm1, $0xb8;
	[tilespmem:$0x10200] =	vst v63  }
0x107: {  	s18 =	simm.s32 @!p0 $0x8A00  }
0x108: {  	[tilespmem:s18], [sflag:$0x5] =	stream.indirect_vreg.gather @!p0 [hbm4b:s5+s16], $0x80, v4, vm1, $0xb8;
	[tilespmem:$0x10200] =	vst v63  }
0x109: {  	s18 =	simm.s32 @!p0 $0x9200  }
0x10a: {  	[tilespmem:s18], [sflag:$0x5] =	stream.indirect_vreg.gather @!p0 [hbm4b:s6+s16], $0x80, v4, vm1, $0xb8;
	[tilespmem:$0x10200] =	vst v63  }
0x10b: {  	s18 =	simm.s32 @!p0 $0x9A00  }
0x10c: {  	[tilespmem:s18], [sflag:$0x5] =	stream.indirect_vreg.gather @!p0 [hbm4b:s7+s16], $0x80, v4, vm1, $0xb8;
	[tilespmem:$0x10200] =	vst v63  }
0x10d: {  	_ =	swait.ge [sflag:s0], $0x2000  }
0x10e: {  	[sflag:s0] =	ssyncset.done $0x0  }
0x10f: {  	s18 =	sadd.s32 $0x201400, s10;
	[sflag:s0] =	ssyncadd.s32 $0xFFFFE000  }
0x110: {  	[hbm4b:s18+s3] =	stream.linear.scatter [tilespmem:s2], [sflag:$0xE], $0x2000, $0x38;
	[tilespmem:$0x10200] =	vst v63  }
0x111: {  	s18 =	simm.s32 @!p0 $0xE  }
0x112: {  	_ =	swait.ge @!p0 [sflag:s18], $0x2000  }
0x113: {  	[sflag:s18] =	ssyncset.done @!p0 $0x0  }
0x114: {  	[sflag:s18] =	ssyncadd.s32 @!p0 $0xFFFFE000  }
0x115: {  	v4 =	vld.msk @!p0 [tilespmem:s4+$0xFFFFFFF0], $0xff;
	_ =	sdelay $0x4  }
0x116: {  	v5 =	vshll.u32 @!p0 v4, $0x3  }
0x117: {  	v4 =	vand.u32 @!p0 $0x7, v4;
	v5 =	vand.u32 @!p0 $0xFFFFFFC0, v5  }
0x118: {  	v4 =	vor.u32 @!p0 v4, v5  }
0x119: {  	v4 =	vperm.xlane @!p0 v4, v2;
	_ =	sdelay $0x1  }
0x11a: {  	v4 =	vadd.s32 @!p0 v3, v4;
	_ =	sdelay $0x3  }
0x11b: {  	s18 =	simm.s32 @!p0 $0xA200  }
0x11c: {  	[tilespmem:s18], [sflag:$0x6] =	stream.indirect_vreg.gather @!p0 [hbm4b:s1+s16], $0x80, v4, vm1, $0xb8;
	[tilespmem:$0x10200] =	vst v63  }
0x11d: {  	s18 =	simm.s32 @!p0 $0xAA00  }
0x11e: {  	[tilespmem:s18], [sflag:$0x6] =	stream.indirect_vreg.gather @!p0 [hbm4b:s5+s16], $0x80, v4, vm1, $0xb8;
	[tilespmem:$0x10200] =	vst v63  }
0x11f: {  	s18 =	simm.s32 @!p0 $0xB200  }
0x120: {  	[tilespmem:s18], [sflag:$0x6] =	stream.indirect_vreg.gather @!p0 [hbm4b:s6+s16], $0x80, v4, vm1, $0xb8;
	[tilespmem:$0x10200] =	vst v63  }
0x121: {  	s18 =	simm.s32 @!p0 $0xBA00  }
0x122: {  	[tilespmem:s18], [sflag:$0x6] =	stream.indirect_vreg.gather @!p0 [hbm4b:s7+s16], $0x80, v4, vm1, $0xb8;
	[tilespmem:$0x10200] =	vst v63  }
0x123: {  	_ =	swait.ge [sflag:s12], $0x2000  }
0x124: {  	[sflag:s12] =	ssyncset.done $0x0  }
0x125: {  	s18 =	sadd.s32 $0x201800, s10;
	[sflag:s12] =	ssyncadd.s32 $0xFFFFE000  }
0x126: {  	[hbm4b:s18+s3] =	stream.linear.scatter [tilespmem:s14], [sflag:$0xF], $0x2000, $0x38;
	[tilespmem:$0x10200] =	vst v63  }
0x127: {  	s18 =	simm.s32 @!p0 $0xF  }
0x128: {  	_ =	swait.ge @!p0 [sflag:s18], $0x2000  }
0x129: {  	[sflag:s18] =	ssyncset.done @!p0 $0x0  }
0x12a: {  	[sflag:s18] =	ssyncadd.s32 @!p0 $0xFFFFE000  }
0x12b: {  	v4 =	vld.msk @!p0 [tilespmem:s4+$0xFFFFFFF8], $0xff;
	_ =	sdelay $0x4  }
0x12c: {  	v5 =	vshll.u32 @!p0 v4, $0x3  }
0x12d: {  	v4 =	vand.u32 @!p0 $0x7, v4;
	v5 =	vand.u32 @!p0 $0xFFFFFFC0, v5  }
0x12e: {  	v4 =	vor.u32 @!p0 v4, v5  }
0x12f: {  	v2 =	vperm.xlane @!p0 v4, v2;
	_ =	sdelay $0x1  }
0x130: {  	v2 =	vadd.s32 @!p0 v3, v2;
	_ =	sdelay $0x3  }
0x131: {  	s18 =	simm.s32 @!p0 $0xC200  }
0x132: {  	[tilespmem:s18], [sflag:$0x7] =	stream.indirect_vreg.gather @!p0 [hbm4b:s1+s16], $0x80, v2, vm1, $0xb8;
	[tilespmem:$0x10200] =	vst v63  }
0x133: {  	s18 =	simm.s32 @!p0 $0xCA00  }
0x134: {  	[tilespmem:s18], [sflag:$0x7] =	stream.indirect_vreg.gather @!p0 [hbm4b:s5+s16], $0x80, v2, vm1, $0xb8;
	[tilespmem:$0x10200] =	vst v63  }
0x135: {  	s18 =	simm.s32 @!p0 $0xD200  }
0x136: {  	[tilespmem:s18], [sflag:$0x7] =	stream.indirect_vreg.gather @!p0 [hbm4b:s6+s16], $0x80, v2, vm1, $0xb8;
	[tilespmem:$0x10200] =	vst v63  }
0x137: {  	s18 =	simm.s32 @!p0 $0xDA00  }
0x138: {  	[tilespmem:s18], [sflag:$0x7] =	stream.indirect_vreg.gather @!p0 [hbm4b:s7+s16], $0x80, v2, vm1, $0xb8;
	[tilespmem:$0x10200] =	vst v63  }
.Ltmp2:
0x139: {  	_ = 	snop;
	(pc) =	sbr.rel @p0 .LBB2_4-.Ltmp2, $4  }
0x13a: {  	_ =	swait.ge [sflag:s13], $0x2000  }
0x13b: {  	[sflag:s13] =	ssyncset.done $0x0  }
0x13c: {  	s10 =	sadd.s32 $0x201C00, s10;
	[sflag:s13] =	ssyncadd.s32 $0xFFFFE000  }
0x13d: {  	[hbm4b:s10+s3] =	stream.linear.scatter [tilespmem:s20], [sflag:$0x10], $0x2000, $0x38;
	[tilespmem:$0x10200] =	vst v63  }
0x13e: {  	_ =	swait.ge [sflag:s17], $0x2000  }
0x13f: {  	[sflag:s17] =	ssyncset.done $0x0  }
0x140: {  	[sflag:s17] =	ssyncadd.s32 $0xFFFFE000  }
0x141: {  	v2 =	vld.msk [tilespmem:s4+$0x0], $0xff;
	_ =	sdelay $0x4  }
0x142: {  	v3 =	vshll.u32 v2, $0x3  }
0x143: {  	v2 =	vand.u32 $0x7, v2;
	v3 =	vand.u32 $0xFFFFFFC0, v3  }
0x144: {  	v2 =	vor.u32 v2, v3  }
0x145: {  	v2 =	vperm.xlane v2, v0;
	_ =	sdelay $0x1  }
0x146: {  	v2 =	vadd.s32 v1, v2;
	_ =	sdelay $0x4  }
0x147: {  	[tilespmem:s20], [sflag:$0x8] =	stream.indirect_vreg.gather [hbm4b:s1+s3], $0x80, v2, vm0, $0xb8;
	[tilespmem:$0x10200] =	vst v63  }
0x148: {  	_ = 	snop  }
0x149: {  	[tilespmem:s21], [sflag:$0x8] =	stream.indirect_vreg.gather [hbm4b:s5+s3], $0x80, v2, vm0, $0xb8;
	[tilespmem:$0x10200] =	vst v63  }
.Ltmp3:
0x14a: {  	_ = 	snop;
	(pc) =	sbr.rel .LBB2_2-.Ltmp3, $4  }
0x14b: {  	_ = 	snop  }
0x14c: {  	[tilespmem:s22], [sflag:$0x8] =	stream.indirect_vreg.gather [hbm4b:s6+s3], $0x80, v2, vm0, $0xb8;
	[tilespmem:$0x10200] =	vst v63  }
0x14d: {  	s8 =	sadd.s32 $0x2000, s8;
	s4 =	sadd.s32 $0x40, s4  }
0x14e: {  	[tilespmem:s24], [sflag:$0x8] =	stream.indirect_vreg.gather [hbm4b:s7+s3], $0x80, v2, vm0, $0xb8;
	[tilespmem:$0x10200] =	vst v63  }
.LBB2_5:
0x14f: {  	_ =	sfence.sel $0x180000  }
0x150: {  	[bflag:$0x0] =	sbarrier.arrive $0xFFFF  }
0x151: {  	_ =	strace $0x9000004A  }
0x152: {  	s0 =	stileid.u32;
	[bflag:$0x2] =	sbarrier.arrive $0xFFFF  }
0x153: {  	p0 =	sne.s32 s0, $0x0;
	s0 =	rddreg [dreg:$0x3]  }
0x154: {  	s0 =	sadd.s32 @!p0 $0x100000, s0  }
0x155: {  	[sflag:s0] =	ssyncadd.tile.s32 @!p0 $0x1;
	_ =	shalt  }
.Lfunc_end2:
_tile_overlayer_lowered:
.L_overlay_start_2:
0x156: {  	(tag) =	ssettag $0x2  }
0x157: {  	s0 =	rddreg [dreg:$0x0];
	s2 =	stileid.u32  }
0x158: {  	s1 =	rddreg [dreg:$0x1];
	p0 =	sne.s32 s2, $0x0  }
0x159: {  	s3 =	rddreg [dreg:$0x2];
	[bflag:$0x3] =	sbarrier.arrive $0xFFFF;
	s2 =	simm.s32 @!p0 $0x1C11  }
0x15a: {  	[timem:s3], [sflag:s2] =	dma.local @!p0 [hbm:s0], s1  }
0x15b: {  	s0 =	simm.s32 @!p0 $0x11  }
0x15c: {  	_ =	swait.ge @!p0 [sflag:s0], s1  }
0x15d: {  	s1 =	ssub.s32 @!p0 $0x0, s1;
	[sflag:s0] =	ssyncset.done @!p0 $0x0  }
0x15e: {  	[sflag:s0] =	ssyncadd.s32 @!p0 s1  }
0x15f: {  	[bflag:$0x3] =	sbarrier.arrive $0xFFFF  }
0x160: {  	_ =	shalt  }

</sc_bundles>
